<compile_context>
chip_gen: v7x
topology: tpu7x:2x2x1
jax: 0.10.2.dev20260603
libtpu: 0.0.44.dev20260713+nightly
codegen_flags: <defaults>
</compile_context>

<pallas_src>
import functools

import jax
import jax.numpy as jnp
from jax import lax
from jax.experimental import pallas as pl
from jax.experimental.pallas import tpu as pltpu
from jax.experimental.pallas import tpu_sc as plsc

_NC = 2
_NS = 16
_NW = _NC * _NS
_C = 16


def kernel(input_ids, embed_table):
    b, s = input_ids.shape
    d = embed_table.shape[1]
    per_w = (b * s) // _NW
    nchunk = per_w // _C
    w_per_b = s // per_w
    mesh = plsc.VectorSubcoreMesh(
        core_axis_name="c", subcore_axis_name="s",
        num_cores=_NC, num_subcores=_NS)

    @functools.partial(
        pl.kernel,
        out_type=jax.ShapeDtypeStruct((b, s, d), jnp.float32),
        mesh=mesh,
        scratch_types=[
            pltpu.VMEM((per_w,), jnp.int32),
            pltpu.VMEM((_C, d), jnp.float32),
            pltpu.VMEM((_C, d), jnp.float32),
            pltpu.VMEM((_C, d), jnp.float32),
            pltpu.VMEM((_C, d), jnp.float32),
            pltpu.VMEM((_C, d), jnp.float32),
            pltpu.VMEM((_C, d), jnp.float32),
            pltpu.VMEM((_C, d), jnp.float32),
            pltpu.SemaphoreType.DMA,
            pltpu.SemaphoreType.DMA,
            pltpu.SemaphoreType.DMA,
            pltpu.SemaphoreType.DMA,
            pltpu.SemaphoreType.DMA,
            pltpu.SemaphoreType.DMA,
            pltpu.SemaphoreType.DMA,
            pltpu.SemaphoreType.DMA,
            pltpu.SemaphoreType.DMA,
            pltpu.SemaphoreType.DMA,
            pltpu.SemaphoreType.DMA,
            pltpu.SemaphoreType.DMA,
            pltpu.SemaphoreType.DMA,
            pltpu.SemaphoreType.DMA,
        ],
    )
    def k(ids_hbm, table_hbm, out_hbm, idx_v,
          buf0, buf1, buf2, buf3, buf4, buf5, buf6,
          gs0, gs1, gs2, gs3, gs4, gs5, gs6,
          ws0, ws1, ws2, ws3, ws4, ws5, ws6):
        wid = lax.axis_index("s") * _NC + lax.axis_index("c")
        row = wid // w_per_b
        off = (wid % w_per_b) * per_w
        pltpu.sync_copy(ids_hbm.at[row, pl.ds(off, per_w)], idx_v)
        nbuf = 7
        bufs = (buf0, buf1, buf2, buf3, buf4, buf5, buf6)
        gsems = (gs0, gs1, gs2, gs3, gs4, gs5, gs6)
        wsems = (ws0, ws1, ws2, ws3, ws4, ws5, ws6)
        gcps = [None] * nbuf
        wcps = [None] * nbuf
        for j in range(nbuf):
            gcps[j] = pltpu.async_copy(
                table_hbm.at[idx_v.at[pl.ds(j * _C, _C)]], bufs[j], gsems[j])
        for j in range(nchunk):
            cur = j % nbuf
            gcps[cur].wait()
            wcps[cur] = pltpu.async_copy(
                bufs[cur], out_hbm.at[row, pl.ds(off + j * _C, _C)],
                wsems[cur])
            nj = j + nbuf
            if nj < nchunk:
                wcps[cur].wait()
                gcps[cur] = pltpu.async_copy(
                    table_hbm.at[idx_v.at[pl.ds(nj * _C, _C)]],
                    bufs[cur], gsems[cur])
        for j in range(nchunk - nbuf, nchunk):
            wcps[j % nbuf].wait()

    return k(input_ids.astype(jnp.int32), embed_table)

# --- scband reference (transcript-rebuilt; emitter-appended) ---
"""Pipeline reference for scband-embedding-71897752535239 (READ-ONLY COPY).

The authoritative reference and input builder live on the scoring server;
editing this copy changes nothing except your own understanding.
"""

import jax, jax.numpy as jnp
import numpy as np

VOCAB = 100000
D_MODEL = 1024
BATCH = 4
SEQ = 4096

def setup_inputs(seed: int = 0) -> dict:
    key = jax.random.key(seed)
    k_idx, k_tab = jax.random.split(key)
    input_ids = jax.random.randint(k_idx, (BATCH, SEQ), 0, VOCAB)
    embed_table = jax.random.normal(k_tab, (VOCAB, D_MODEL), dtype=jnp.float32) * 0.02
    return {"input_ids": input_ids, "embed_table": embed_table}

def reference(input_ids, embed_table):
    # Faithful translation of: out = transformer.embed_tokens(input_ids); return out.float()
    out = jnp.take(embed_table, input_ids, axis=0)
    return out.astype(jnp.float32)

if __name__ == "__main__":
    import jax
    _d = setup_inputs()
    print(jax.jit(kernel)(*tuple(_d.values())))

</pallas_src>

<mosaic_0001>
#map = affine_map<(d0, d1) -> (0, 0)>
#map1 = affine_map<(d0, d1) -> (0, 0, 0)>
module attributes {stable_mosaic.version = 14 : i64} {
  func.func @k(%arg0: i32, %arg1: i32, %arg2: memref<4x4096xi32, #tpu.memory_space<hbm>>, %arg3: memref<100000x1024xf32, #tpu.memory_space<hbm>>, %arg4: memref<4x4096x1024xf32, #tpu.memory_space<hbm>>, %arg5: memref<512xi32, #tpu.memory_space<vmem>>, %arg6: memref<16x1024xf32, #tpu.memory_space<vmem>>, %arg7: memref<16x1024xf32, #tpu.memory_space<vmem>>, %arg8: memref<16x1024xf32, #tpu.memory_space<vmem>>, %arg9: memref<16x1024xf32, #tpu.memory_space<vmem>>, %arg10: memref<16x1024xf32, #tpu.memory_space<vmem>>, %arg11: memref<16x1024xf32, #tpu.memory_space<vmem>>, %arg12: memref<16x1024xf32, #tpu.memory_space<vmem>>, %arg13: memref<!tpu.dma_semaphore, #tpu.memory_space<semaphore_mem>>, %arg14: memref<!tpu.dma_semaphore, #tpu.memory_space<semaphore_mem>>, %arg15: memref<!tpu.dma_semaphore, #tpu.memory_space<semaphore_mem>>, %arg16: memref<!tpu.dma_semaphore, #tpu.memory_space<semaphore_mem>>, %arg17: memref<!tpu.dma_semaphore, #tpu.memory_space<semaphore_mem>>, %arg18: memref<!tpu.dma_semaphore, #tpu.memory_space<semaphore_mem>>, %arg19: memref<!tpu.dma_semaphore, #tpu.memory_space<semaphore_mem>>, %arg20: memref<!tpu.dma_semaphore, #tpu.memory_space<semaphore_mem>>, %arg21: memref<!tpu.dma_semaphore, #tpu.memory_space<semaphore_mem>>, %arg22: memref<!tpu.dma_semaphore, #tpu.memory_space<semaphore_mem>>, %arg23: memref<!tpu.dma_semaphore, #tpu.memory_space<semaphore_mem>>, %arg24: memref<!tpu.dma_semaphore, #tpu.memory_space<semaphore_mem>>, %arg25: memref<!tpu.dma_semaphore, #tpu.memory_space<semaphore_mem>>, %arg26: memref<!tpu.dma_semaphore, #tpu.memory_space<semaphore_mem>>) attributes {dimension_semantics = [#tpu.dimension_semantics<core_parallel>, #tpu.dimension_semantics<subcore_parallel>], iteration_bounds = array<i64: 2, 16>, scalar_prefetch = 0 : i64, scratch_operands = 22 : i64, tpu.core_type = #tpu.core_type<sc_vector_subcore>, window_params = [{transform_indices = #map}, {transform_indices = #map}, {transform_indices = #map1}]} {
    %mul3A = arith.constant 2 : i32
    %mul3A_0 = arith.muli %arg1, %mul3A : i32
    %add3A = arith.addi %mul3A_0, %arg0 : i32
    %jit3A = arith.constant 8 : i32
    %div3A = arith.divsi %add3A, %jit3A : i32
    %sign3A = arith.constant 0 : i32
    %sign3A_1 = arith.cmpi sgt, %add3A, %sign3A : i32
    %sign3A_2 = arith.extui %sign3A_1 : i1 to i32
    %sign3A_3 = arith.constant 0 : i32
    %sign3A_4 = arith.cmpi slt, %add3A, %sign3A_3 : i32
    %sign3A_5 = arith.extui %sign3A_4 : i1 to i32
    %sign3A_6 = arith.subi %sign3A_2, %sign3A_5 : i32
    %sign3A_7 = arith.constant 0 : i32
    %sign3A_8 = arith.cmpi sgt, %jit3A, %sign3A_7 : i32
    %sign3A_9 = arith.extui %sign3A_8 : i1 to i32
    %sign3A_10 = arith.constant 0 : i32
    %sign3A_11 = arith.cmpi slt, %jit3A, %sign3A_10 : i32
    %sign3A_12 = arith.extui %sign3A_11 : i1 to i32
    %sign3A_13 = arith.subi %sign3A_9, %sign3A_12 : i32
    %ne3A = arith.cmpi ne, %sign3A_6, %sign3A_13 : i32
    %rem3A = arith.remsi %add3A, %jit3A : i32
    %ne3A_14 = arith.constant 0 : i32
    %ne3A_15 = arith.cmpi ne, %rem3A, %ne3A_14 : i32
    %and3A = arith.andi %ne3A, %ne3A_15 : i1
    %sub3A = arith.constant 1 : i32
    %sub3A_16 = arith.subi %div3A, %sub3A : i32
    %select_n3A = arith.select %and3A, %sub3A_16, %div3A : i32
    %jit3A_17 = arith.constant 8 : i32
    %eq3A = arith.constant 0 : i32
    %eq3A_18 = arith.cmpi eq, %jit3A_17, %eq3A : i32
    %jit3A_19 = arith.constant 1 : i32
    %select_n3A_20 = arith.select %eq3A_18, %jit3A_19, %jit3A_17 : i32
    %rem3A_21 = arith.remsi %add3A, %select_n3A_20 : i32
    %ne3A_22 = arith.constant 0 : i32
    %ne3A_23 = arith.cmpi ne, %rem3A_21, %ne3A_22 : i32
    %lt3A = arith.constant 0 : i32
    %lt3A_24 = arith.cmpi slt, %rem3A_21, %lt3A : i32
    %lt3A_25 = arith.constant 0 : i32
    %lt3A_26 = arith.cmpi slt, %select_n3A_20, %lt3A_25 : i32
    %ne3A_27 = arith.xori %lt3A_24, %lt3A_26 : i1
    %and3A_28 = arith.andi %ne3A_27, %ne3A_23 : i1
    %add3A_29 = arith.addi %rem3A_21, %select_n3A_20 : i32
    %select_n3A_30 = arith.select %and3A_28, %add3A_29, %rem3A_21 : i32
    %mul3A_31 = arith.constant 512 : i32
    %mul3A_32 = arith.muli %select_n3A_30, %mul3A_31 : i32
    "tpu.region"() ({
      %run_scoped3A = tpu.sem_alloc : memref<!tpu.dma_semaphore, #tpu.memory_space<semaphore_mem>>
      %dma_start3A_799 = tpu.memref_slice %arg2[%select_n3A, %mul3A_32] : memref<4x4096xi32, #tpu.memory_space<hbm>> -> memref<1x512xi32, #tpu.memory_space<hbm>>
      %dma_start3A_800 = tpu.memref_squeeze %dma_start3A_799 : memref<1x512xi32, #tpu.memory_space<hbm>> -> memref<512xi32, #tpu.memory_space<hbm>>
      %dma_start3A_801 = tpu.memref_slice %arg2[%select_n3A, %mul3A_32] : memref<4x4096xi32, #tpu.memory_space<hbm>> -> memref<1x512xi32, #tpu.memory_space<hbm>>
      %dma_start3A_802 = tpu.memref_squeeze %dma_start3A_801 : memref<1x512xi32, #tpu.memory_space<hbm>> -> memref<512xi32, #tpu.memory_space<hbm>>
      tpu.enqueue_dma source(%dma_start3A_802 : memref<512xi32, #tpu.memory_space<hbm>>) target(%arg5 : memref<512xi32, #tpu.memory_space<vmem>>) target_semaphore(%run_scoped3A : memref<!tpu.dma_semaphore, #tpu.memory_space<semaphore_mem>>)
      %dma_wait3A_803 = tpu.memref_slice %arg2[%select_n3A, %mul3A_32] : memref<4x4096xi32, #tpu.memory_space<hbm>> -> memref<1x512xi32, #tpu.memory_space<hbm>>
      %dma_wait3A_804 = tpu.memref_squeeze %dma_wait3A_803 : memref<1x512xi32, #tpu.memory_space<hbm>> -> memref<512xi32, #tpu.memory_space<hbm>>
      %dma_wait3A_805 = tpu.memref_slice %arg2[%select_n3A, %mul3A_32] : memref<4x4096xi32, #tpu.memory_space<hbm>> -> memref<1x512xi32, #tpu.memory_space<hbm>>
      %dma_wait3A_806 = tpu.memref_squeeze %dma_wait3A_805 : memref<1x512xi32, #tpu.memory_space<hbm>> -> memref<512xi32, #tpu.memory_space<hbm>>
      tpu.wait_dma2 semaphore(%run_scoped3A : memref<!tpu.dma_semaphore, #tpu.memory_space<semaphore_mem>>) src(%dma_wait3A_806 : memref<512xi32, #tpu.memory_space<hbm>>) dst(%arg5 : memref<512xi32, #tpu.memory_space<vmem>>)
      tpu.yield
    }) : () -> ()
    %dma_start3A = arith.constant 0 : i32
    %dma_start3A_33 = tpu.memref_slice %arg5[%dma_start3A] : memref<512xi32, #tpu.memory_space<vmem>> -> memref<16xi32, #tpu.memory_space<vmem>>
    %dma_start3A_34 = arith.constant 0 : i32
    %dma_start3A_35 = arith.constant 0 : i32
    %dma_start3A_36 = tpu.memref_slice %arg3[%dma_start3A_34, %dma_start3A_35] : memref<100000x1024xf32, #tpu.memory_space<hbm>> -> memref<100000x1024xf32, #tpu.memory_space<hbm>>
    tpu.enqueue_indirect_dma source(%dma_start3A_36 : memref<100000x1024xf32, #tpu.memory_space<hbm>>) target(%arg6 : memref<16x1024xf32, #tpu.memory_space<vmem>>) offsets(%dma_start3A_33 : memref<16xi32, #tpu.memory_space<vmem>>) semaphore(%arg13 : memref<!tpu.dma_semaphore, #tpu.memory_space<semaphore_mem>>)
    %dma_start3A_37 = arith.constant 16 : i32
    %dma_start3A_38 = tpu.memref_slice %arg5[%dma_start3A_37] : memref<512xi32, #tpu.memory_space<vmem>> -> memref<16xi32, #tpu.memory_space<vmem>>
    %dma_start3A_39 = arith.constant 0 : i32
    %dma_start3A_40 = arith.constant 0 : i32
    %dma_start3A_41 = tpu.memref_slice %arg3[%dma_start3A_39, %dma_start3A_40] : memref<100000x1024xf32, #tpu.memory_space<hbm>> -> memref<100000x1024xf32, #tpu.memory_space<hbm>>
    tpu.enqueue_indirect_dma source(%dma_start3A_41 : memref<100000x1024xf32, #tpu.memory_space<hbm>>) target(%arg7 : memref<16x1024xf32, #tpu.memory_space<vmem>>) offsets(%dma_start3A_38 : memref<16xi32, #tpu.memory_space<vmem>>) semaphore(%arg14 : memref<!tpu.dma_semaphore, #tpu.memory_space<semaphore_mem>>)
    %dma_start3A_42 = arith.constant 32 : i32
    %dma_start3A_43 = tpu.memref_slice %arg5[%dma_start3A_42] : memref<512xi32, #tpu.memory_space<vmem>> -> memref<16xi32, #tpu.memory_space<vmem>>
    %dma_start3A_44 = arith.constant 0 : i32
    %dma_start3A_45 = arith.constant 0 : i32
    %dma_start3A_46 = tpu.memref_slice %arg3[%dma_start3A_44, %dma_start3A_45] : memref<100000x1024xf32, #tpu.memory_space<hbm>> -> memref<100000x1024xf32, #tpu.memory_space<hbm>>
    tpu.enqueue_indirect_dma source(%dma_start3A_46 : memref<100000x1024xf32, #tpu.memory_space<hbm>>) target(%arg8 : memref<16x1024xf32, #tpu.memory_space<vmem>>) offsets(%dma_start3A_43 : memref<16xi32, #tpu.memory_space<vmem>>) semaphore(%arg15 : memref<!tpu.dma_semaphore, #tpu.memory_space<semaphore_mem>>)
    %dma_start3A_47 = arith.constant 48 : i32
    %dma_start3A_48 = tpu.memref_slice %arg5[%dma_start3A_47] : memref<512xi32, #tpu.memory_space<vmem>> -> memref<16xi32, #tpu.memory_space<vmem>>
    %dma_start3A_49 = arith.constant 0 : i32
    %dma_start3A_50 = arith.constant 0 : i32
    %dma_start3A_51 = tpu.memref_slice %arg3[%dma_start3A_49, %dma_start3A_50] : memref<100000x1024xf32, #tpu.memory_space<hbm>> -> memref<100000x1024xf32, #tpu.memory_space<hbm>>
    tpu.enqueue_indirect_dma source(%dma_start3A_51 : memref<100000x1024xf32, #tpu.memory_space<hbm>>) target(%arg9 : memref<16x1024xf32, #tpu.memory_space<vmem>>) offsets(%dma_start3A_48 : memref<16xi32, #tpu.memory_space<vmem>>) semaphore(%arg16 : memref<!tpu.dma_semaphore, #tpu.memory_space<semaphore_mem>>)
    %dma_start3A_52 = arith.constant 64 : i32
    %dma_start3A_53 = tpu.memref_slice %arg5[%dma_start3A_52] : memref<512xi32, #tpu.memory_space<vmem>> -> memref<16xi32, #tpu.memory_space<vmem>>
    %dma_start3A_54 = arith.constant 0 : i32
    %dma_start3A_55 = arith.constant 0 : i32
    %dma_start3A_56 = tpu.memref_slice %arg3[%dma_start3A_54, %dma_start3A_55] : memref<100000x1024xf32, #tpu.memory_space<hbm>> -> memref<100000x1024xf32, #tpu.memory_space<hbm>>
    tpu.enqueue_indirect_dma source(%dma_start3A_56 : memref<100000x1024xf32, #tpu.memory_space<hbm>>) target(%arg10 : memref<16x1024xf32, #tpu.memory_space<vmem>>) offsets(%dma_start3A_53 : memref<16xi32, #tpu.memory_space<vmem>>) semaphore(%arg17 : memref<!tpu.dma_semaphore, #tpu.memory_space<semaphore_mem>>)
    %dma_start3A_57 = arith.constant 80 : i32
    %dma_start3A_58 = tpu.memref_slice %arg5[%dma_start3A_57] : memref<512xi32, #tpu.memory_space<vmem>> -> memref<16xi32, #tpu.memory_space<vmem>>
    %dma_start3A_59 = arith.constant 0 : i32
    %dma_start3A_60 = arith.constant 0 : i32
    %dma_start3A_61 = tpu.memref_slice %arg3[%dma_start3A_59, %dma_start3A_60] : memref<100000x1024xf32, #tpu.memory_space<hbm>> -> memref<100000x1024xf32, #tpu.memory_space<hbm>>
    tpu.enqueue_indirect_dma source(%dma_start3A_61 : memref<100000x1024xf32, #tpu.memory_space<hbm>>) target(%arg11 : memref<16x1024xf32, #tpu.memory_space<vmem>>) offsets(%dma_start3A_58 : memref<16xi32, #tpu.memory_space<vmem>>) semaphore(%arg18 : memref<!tpu.dma_semaphore, #tpu.memory_space<semaphore_mem>>)
    %dma_start3A_62 = arith.constant 96 : i32
    %dma_start3A_63 = tpu.memref_slice %arg5[%dma_start3A_62] : memref<512xi32, #tpu.memory_space<vmem>> -> memref<16xi32, #tpu.memory_space<vmem>>
    %dma_start3A_64 = arith.constant 0 : i32
    %dma_start3A_65 = arith.constant 0 : i32
    %dma_start3A_66 = tpu.memref_slice %arg3[%dma_start3A_64, %dma_start3A_65] : memref<100000x1024xf32, #tpu.memory_space<hbm>> -> memref<100000x1024xf32, #tpu.memory_space<hbm>>
    tpu.enqueue_indirect_dma source(%dma_start3A_66 : memref<100000x1024xf32, #tpu.memory_space<hbm>>) target(%arg12 : memref<16x1024xf32, #tpu.memory_space<vmem>>) offsets(%dma_start3A_63 : memref<16xi32, #tpu.memory_space<vmem>>) semaphore(%arg19 : memref<!tpu.dma_semaphore, #tpu.memory_space<semaphore_mem>>)
    %dma_wait3A = arith.constant 0 : i32
    %dma_wait3A_67 = tpu.memref_slice %arg5[%dma_wait3A] : memref<512xi32, #tpu.memory_space<vmem>> -> memref<16xi32, #tpu.memory_space<vmem>>
    %dma_wait3A_68 = arith.constant 0 : i32
    %dma_wait3A_69 = arith.constant 0 : i32
    %dma_wait3A_70 = tpu.memref_slice %arg3[%dma_wait3A_68, %dma_wait3A_69] : memref<100000x1024xf32, #tpu.memory_space<hbm>> -> memref<100000x1024xf32, #tpu.memory_space<hbm>>
    tpu.wait_indirect_dma semaphore(%arg13 : memref<!tpu.dma_semaphore, #tpu.memory_space<semaphore_mem>>) src(%dma_wait3A_70 : memref<100000x1024xf32, #tpu.memory_space<hbm>>) dst(%arg6 : memref<16x1024xf32, #tpu.memory_space<vmem>>)
    %add3A_71 = arith.constant 0 : i32
    %add3A_72 = arith.addi %mul3A_32, %add3A_71 : i32
    %dma_start3A_73 = arith.constant 0 : i32
    %dma_start3A_74 = tpu.memref_slice %arg4[%select_n3A, %add3A_72, %dma_start3A_73] : memref<4x4096x1024xf32, #tpu.memory_space<hbm>> -> memref<1x16x1024xf32, #tpu.memory_space<hbm>>
    %dma_start3A_75 = tpu.memref_squeeze %dma_start3A_74 : memref<1x16x1024xf32, #tpu.memory_space<hbm>> -> memref<16x1024xf32, #tpu.memory_space<hbm>>
    %dma_start3A_76 = arith.constant 0 : i32
    %dma_start3A_77 = tpu.memref_slice %arg4[%select_n3A, %add3A_72, %dma_start3A_76] : memref<4x4096x1024xf32, #tpu.memory_space<hbm>> -> memref<1x16x1024xf32, #tpu.memory_space<hbm>>
    %dma_start3A_78 = tpu.memref_squeeze %dma_start3A_77 : memref<1x16x1024xf32, #tpu.memory_space<hbm>> -> memref<16x1024xf32, #tpu.memory_space<hbm>>
    tpu.enqueue_dma source(%arg6 : memref<16x1024xf32, #tpu.memory_space<vmem>>) target(%dma_start3A_78 : memref<16x1024xf32, #tpu.memory_space<hbm>>) target_semaphore(%arg20 : memref<!tpu.dma_semaphore, #tpu.memory_space<semaphore_mem>>)
    %dma_wait3A_79 = arith.constant 0 : i32
    %dma_wait3A_80 = tpu.memref_slice %arg4[%select_n3A, %add3A_72, %dma_wait3A_79] : memref<4x4096x1024xf32, #tpu.memory_space<hbm>> -> memref<1x16x1024xf32, #tpu.memory_space<hbm>>
    %dma_wait3A_81 = tpu.memref_squeeze %dma_wait3A_80 : memref<1x16x1024xf32, #tpu.memory_space<hbm>> -> memref<16x1024xf32, #tpu.memory_space<hbm>>
    %dma_wait3A_82 = arith.constant 0 : i32
    %dma_wait3A_83 = tpu.memref_slice %arg4[%select_n3A, %add3A_72, %dma_wait3A_82] : memref<4x4096x1024xf32, #tpu.memory_space<hbm>> -> memref<1x16x1024xf32, #tpu.memory_space<hbm>>
    %dma_wait3A_84 = tpu.memref_squeeze %dma_wait3A_83 : memref<1x16x1024xf32, #tpu.memory_space<hbm>> -> memref<16x1024xf32, #tpu.memory_space<hbm>>
    tpu.wait_dma2 semaphore(%arg20 : memref<!tpu.dma_semaphore, #tpu.memory_space<semaphore_mem>>) src(%arg6 : memref<16x1024xf32, #tpu.memory_space<vmem>>) dst(%dma_wait3A_84 : memref<16x1024xf32, #tpu.memory_space<hbm>>)
    %dma_start3A_85 = arith.constant 112 : i32
    %dma_start3A_86 = tpu.memref_slice %arg5[%dma_start3A_85] : memref<512xi32, #tpu.memory_space<vmem>> -> memref<16xi32, #tpu.memory_space<vmem>>
    %dma_start3A_87 = arith.constant 0 : i32
    %dma_start3A_88 = arith.constant 0 : i32
    %dma_start3A_89 = tpu.memref_slice %arg3[%dma_start3A_87, %dma_start3A_88] : memref<100000x1024xf32, #tpu.memory_space<hbm>> -> memref<100000x1024xf32, #tpu.memory_space<hbm>>
    tpu.enqueue_indirect_dma source(%dma_start3A_89 : memref<100000x1024xf32, #tpu.memory_space<hbm>>) target(%arg6 : memref<16x1024xf32, #tpu.memory_space<vmem>>) offsets(%dma_start3A_86 : memref<16xi32, #tpu.memory_space<vmem>>) semaphore(%arg13 : memref<!tpu.dma_semaphore, #tpu.memory_space<semaphore_mem>>)
    %dma_wait3A_90 = arith.constant 16 : i32
    %dma_wait3A_91 = tpu.memref_slice %arg5[%dma_wait3A_90] : memref<512xi32, #tpu.memory_space<vmem>> -> memref<16xi32, #tpu.memory_space<vmem>>
    %dma_wait3A_92 = arith.constant 0 : i32
    %dma_wait3A_93 = arith.constant 0 : i32
    %dma_wait3A_94 = tpu.memref_slice %arg3[%dma_wait3A_92, %dma_wait3A_93] : memref<100000x1024xf32, #tpu.memory_space<hbm>> -> memref<100000x1024xf32, #tpu.memory_space<hbm>>
    tpu.wait_indirect_dma semaphore(%arg14 : memref<!tpu.dma_semaphore, #tpu.memory_space<semaphore_mem>>) src(%dma_wait3A_94 : memref<100000x1024xf32, #tpu.memory_space<hbm>>) dst(%arg7 : memref<16x1024xf32, #tpu.memory_space<vmem>>)
    %add3A_95 = arith.constant 16 : i32
    %add3A_96 = arith.addi %mul3A_32, %add3A_95 : i32
    %dma_start3A_97 = arith.constant 0 : i32
    %dma_start3A_98 = tpu.memref_slice %arg4[%select_n3A, %add3A_96, %dma_start3A_97] : memref<4x4096x1024xf32, #tpu.memory_space<hbm>> -> memref<1x16x1024xf32, #tpu.memory_space<hbm>>
    %dma_start3A_99 = tpu.memref_squeeze %dma_start3A_98 : memref<1x16x1024xf32, #tpu.memory_space<hbm>> -> memref<16x1024xf32, #tpu.memory_space<hbm>>
    %dma_start3A_100 = arith.constant 0 : i32
    %dma_start3A_101 = tpu.memref_slice %arg4[%select_n3A, %add3A_96, %dma_start3A_100] : memref<4x4096x1024xf32, #tpu.memory_space<hbm>> -> memref<1x16x1024xf32, #tpu.memory_space<hbm>>
    %dma_start3A_102 = tpu.memref_squeeze %dma_start3A_101 : memref<1x16x1024xf32, #tpu.memory_space<hbm>> -> memref<16x1024xf32, #tpu.memory_space<hbm>>
    tpu.enqueue_dma source(%arg7 : memref<16x1024xf32, #tpu.memory_space<vmem>>) target(%dma_start3A_102 : memref<16x1024xf32, #tpu.memory_space<hbm>>) target_semaphore(%arg21 : memref<!tpu.dma_semaphore, #tpu.memory_space<semaphore_mem>>)
    %dma_wait3A_103 = arith.constant 0 : i32
    %dma_wait3A_104 = tpu.memref_slice %arg4[%select_n3A, %add3A_96, %dma_wait3A_103] : memref<4x4096x1024xf32, #tpu.memory_space<hbm>> -> memref<1x16x1024xf32, #tpu.memory_space<hbm>>
    %dma_wait3A_105 = tpu.memref_squeeze %dma_wait3A_104 : memref<1x16x1024xf32, #tpu.memory_space<hbm>> -> memref<16x1024xf32, #tpu.memory_space<hbm>>
    %dma_wait3A_106 = arith.constant 0 : i32
    %dma_wait3A_107 = tpu.memref_slice %arg4[%select_n3A, %add3A_96, %dma_wait3A_106] : memref<4x4096x1024xf32, #tpu.memory_space<hbm>> -> memref<1x16x1024xf32, #tpu.memory_space<hbm>>
    %dma_wait3A_108 = tpu.memref_squeeze %dma_wait3A_107 : memref<1x16x1024xf32, #tpu.memory_space<hbm>> -> memref<16x1024xf32, #tpu.memory_space<hbm>>
    tpu.wait_dma2 semaphore(%arg21 : memref<!tpu.dma_semaphore, #tpu.memory_space<semaphore_mem>>) src(%arg7 : memref<16x1024xf32, #tpu.memory_space<vmem>>) dst(%dma_wait3A_108 : memref<16x1024xf32, #tpu.memory_space<hbm>>)
    %dma_start3A_109 = arith.constant 128 : i32
    %dma_start3A_110 = tpu.memref_slice %arg5[%dma_start3A_109] : memref<512xi32, #tpu.memory_space<vmem>> -> memref<16xi32, #tpu.memory_space<vmem>>
    %dma_start3A_111 = arith.constant 0 : i32
    %dma_start3A_112 = arith.constant 0 : i32
    %dma_start3A_113 = tpu.memref_slice %arg3[%dma_start3A_111, %dma_start3A_112] : memref<100000x1024xf32, #tpu.memory_space<hbm>> -> memref<100000x1024xf32, #tpu.memory_space<hbm>>
    tpu.enqueue_indirect_dma source(%dma_start3A_113 : memref<100000x1024xf32, #tpu.memory_space<hbm>>) target(%arg7 : memref<16x1024xf32, #tpu.memory_space<vmem>>) offsets(%dma_start3A_110 : memref<16xi32, #tpu.memory_space<vmem>>) semaphore(%arg14 : memref<!tpu.dma_semaphore, #tpu.memory_space<semaphore_mem>>)
    %dma_wait3A_114 = arith.constant 32 : i32
    %dma_wait3A_115 = tpu.memref_slice %arg5[%dma_wait3A_114] : memref<512xi32, #tpu.memory_space<vmem>> -> memref<16xi32, #tpu.memory_space<vmem>>
    %dma_wait3A_116 = arith.constant 0 : i32
    %dma_wait3A_117 = arith.constant 0 : i32
    %dma_wait3A_118 = tpu.memref_slice %arg3[%dma_wait3A_116, %dma_wait3A_117] : memref<100000x1024xf32, #tpu.memory_space<hbm>> -> memref<100000x1024xf32, #tpu.memory_space<hbm>>
    tpu.wait_indirect_dma semaphore(%arg15 : memref<!tpu.dma_semaphore, #tpu.memory_space<semaphore_mem>>) src(%dma_wait3A_118 : memref<100000x1024xf32, #tpu.memory_space<hbm>>) dst(%arg8 : memref<16x1024xf32, #tpu.memory_space<vmem>>)
    %add3A_119 = arith.constant 32 : i32
    %add3A_120 = arith.addi %mul3A_32, %add3A_119 : i32
    %dma_start3A_121 = arith.constant 0 : i32
    %dma_start3A_122 = tpu.memref_slice %arg4[%select_n3A, %add3A_120, %dma_start3A_121] : memref<4x4096x1024xf32, #tpu.memory_space<hbm>> -> memref<1x16x1024xf32, #tpu.memory_space<hbm>>
    %dma_start3A_123 = tpu.memref_squeeze %dma_start3A_122 : memref<1x16x1024xf32, #tpu.memory_space<hbm>> -> memref<16x1024xf32, #tpu.memory_space<hbm>>
    %dma_start3A_124 = arith.constant 0 : i32
    %dma_start3A_125 = tpu.memref_slice %arg4[%select_n3A, %add3A_120, %dma_start3A_124] : memref<4x4096x1024xf32, #tpu.memory_space<hbm>> -> memref<1x16x1024xf32, #tpu.memory_space<hbm>>
    %dma_start3A_126 = tpu.memref_squeeze %dma_start3A_125 : memref<1x16x1024xf32, #tpu.memory_space<hbm>> -> memref<16x1024xf32, #tpu.memory_space<hbm>>
    tpu.enqueue_dma source(%arg8 : memref<16x1024xf32, #tpu.memory_space<vmem>>) target(%dma_start3A_126 : memref<16x1024xf32, #tpu.memory_space<hbm>>) target_semaphore(%arg22 : memref<!tpu.dma_semaphore, #tpu.memory_space<semaphore_mem>>)
    %dma_wait3A_127 = arith.constant 0 : i32
    %dma_wait3A_128 = tpu.memref_slice %arg4[%select_n3A, %add3A_120, %dma_wait3A_127] : memref<4x4096x1024xf32, #tpu.memory_space<hbm>> -> memref<1x16x1024xf32, #tpu.memory_space<hbm>>
    %dma_wait3A_129 = tpu.memref_squeeze %dma_wait3A_128 : memref<1x16x1024xf32, #tpu.memory_space<hbm>> -> memref<16x1024xf32, #tpu.memory_space<hbm>>
    %dma_wait3A_130 = arith.constant 0 : i32
    %dma_wait3A_131 = tpu.memref_slice %arg4[%select_n3A, %add3A_120, %dma_wait3A_130] : memref<4x4096x1024xf32, #tpu.memory_space<hbm>> -> memref<1x16x1024xf32, #tpu.memory_space<hbm>>
    %dma_wait3A_132 = tpu.memref_squeeze %dma_wait3A_131 : memref<1x16x1024xf32, #tpu.memory_space<hbm>> -> memref<16x1024xf32, #tpu.memory_space<hbm>>
    tpu.wait_dma2 semaphore(%arg22 : memref<!tpu.dma_semaphore, #tpu.memory_space<semaphore_mem>>) src(%arg8 : memref<16x1024xf32, #tpu.memory_space<vmem>>) dst(%dma_wait3A_132 : memref<16x1024xf32, #tpu.memory_space<hbm>>)
    %dma_start3A_133 = arith.constant 144 : i32
    %dma_start3A_134 = tpu.memref_slice %arg5[%dma_start3A_133] : memref<512xi32, #tpu.memory_space<vmem>> -> memref<16xi32, #tpu.memory_space<vmem>>
    %dma_start3A_135 = arith.constant 0 : i32
    %dma_start3A_136 = arith.constant 0 : i32
    %dma_start3A_137 = tpu.memref_slice %arg3[%dma_start3A_135, %dma_start3A_136] : memref<100000x1024xf32, #tpu.memory_space<hbm>> -> memref<100000x1024xf32, #tpu.memory_space<hbm>>
    tpu.enqueue_indirect_dma source(%dma_start3A_137 : memref<100000x1024xf32, #tpu.memory_space<hbm>>) target(%arg8 : memref<16x1024xf32, #tpu.memory_space<vmem>>) offsets(%dma_start3A_134 : memref<16xi32, #tpu.memory_space<vmem>>) semaphore(%arg15 : memref<!tpu.dma_semaphore, #tpu.memory_space<semaphore_mem>>)
    %dma_wait3A_138 = arith.constant 48 : i32
    %dma_wait3A_139 = tpu.memref_slice %arg5[%dma_wait3A_138] : memref<512xi32, #tpu.memory_space<vmem>> -> memref<16xi32, #tpu.memory_space<vmem>>
    %dma_wait3A_140 = arith.constant 0 : i32
    %dma_wait3A_141 = arith.constant 0 : i32
    %dma_wait3A_142 = tpu.memref_slice %arg3[%dma_wait3A_140, %dma_wait3A_141] : memref<100000x1024xf32, #tpu.memory_space<hbm>> -> memref<100000x1024xf32, #tpu.memory_space<hbm>>
    tpu.wait_indirect_dma semaphore(%arg16 : memref<!tpu.dma_semaphore, #tpu.memory_space<semaphore_mem>>) src(%dma_wait3A_142 : memref<100000x1024xf32, #tpu.memory_space<hbm>>) dst(%arg9 : memref<16x1024xf32, #tpu.memory_space<vmem>>)
    %add3A_143 = arith.constant 48 : i32
    %add3A_144 = arith.addi %mul3A_32, %add3A_143 : i32
    %dma_start3A_145 = arith.constant 0 : i32
    %dma_start3A_146 = tpu.memref_slice %arg4[%select_n3A, %add3A_144, %dma_start3A_145] : memref<4x4096x1024xf32, #tpu.memory_space<hbm>> -> memref<1x16x1024xf32, #tpu.memory_space<hbm>>
    %dma_start3A_147 = tpu.memref_squeeze %dma_start3A_146 : memref<1x16x1024xf32, #tpu.memory_space<hbm>> -> memref<16x1024xf32, #tpu.memory_space<hbm>>
    %dma_start3A_148 = arith.constant 0 : i32
    %dma_start3A_149 = tpu.memref_slice %arg4[%select_n3A, %add3A_144, %dma_start3A_148] : memref<4x4096x1024xf32, #tpu.memory_space<hbm>> -> memref<1x16x1024xf32, #tpu.memory_space<hbm>>
    %dma_start3A_150 = tpu.memref_squeeze %dma_start3A_149 : memref<1x16x1024xf32, #tpu.memory_space<hbm>> -> memref<16x1024xf32, #tpu.memory_space<hbm>>
    tpu.enqueue_dma source(%arg9 : memref<16x1024xf32, #tpu.memory_space<vmem>>) target(%dma_start3A_150 : memref<16x1024xf32, #tpu.memory_space<hbm>>) target_semaphore(%arg23 : memref<!tpu.dma_semaphore, #tpu.memory_space<semaphore_mem>>)
    %dma_wait3A_151 = arith.constant 0 : i32
    %dma_wait3A_152 = tpu.memref_slice %arg4[%select_n3A, %add3A_144, %dma_wait3A_151] : memref<4x4096x1024xf32, #tpu.memory_space<hbm>> -> memref<1x16x1024xf32, #tpu.memory_space<hbm>>
    %dma_wait3A_153 = tpu.memref_squeeze %dma_wait3A_152 : memref<1x16x1024xf32, #tpu.memory_space<hbm>> -> memref<16x1024xf32, #tpu.memory_space<hbm>>
    %dma_wait3A_154 = arith.constant 0 : i32
    %dma_wait3A_155 = tpu.memref_slice %arg4[%select_n3A, %add3A_144, %dma_wait3A_154] : memref<4x4096x1024xf32, #tpu.memory_space<hbm>> -> memref<1x16x1024xf32, #tpu.memory_space<hbm>>
    %dma_wait3A_156 = tpu.memref_squeeze %dma_wait3A_155 : memref<1x16x1024xf32, #tpu.memory_space<hbm>> -> memref<16x1024xf32, #tpu.memory_space<hbm>>
    tpu.wait_dma2 semaphore(%arg23 : memref<!tpu.dma_semaphore, #tpu.memory_space<semaphore_mem>>) src(%arg9 : memref<16x1024xf32, #tpu.memory_space<vmem>>) dst(%dma_wait3A_156 : memref<16x1024xf32, #tpu.memory_space<hbm>>)
    %dma_start3A_157 = arith.constant 160 : i32
    %dma_start3A_158 = tpu.memref_slice %arg5[%dma_start3A_157] : memref<512xi32, #tpu.memory_space<vmem>> -> memref<16xi32, #tpu.memory_space<vmem>>
    %dma_start3A_159 = arith.constant 0 : i32
    %dma_start3A_160 = arith.constant 0 : i32
    %dma_start3A_161 = tpu.memref_slice %arg3[%dma_start3A_159, %dma_start3A_160] : memref<100000x1024xf32, #tpu.memory_space<hbm>> -> memref<100000x1024xf32, #tpu.memory_space<hbm>>
    tpu.enqueue_indirect_dma source(%dma_start3A_161 : memref<100000x1024xf32, #tpu.memory_space<hbm>>) target(%arg9 : memref<16x1024xf32, #tpu.memory_space<vmem>>) offsets(%dma_start3A_158 : memref<16xi32, #tpu.memory_space<vmem>>) semaphore(%arg16 : memref<!tpu.dma_semaphore, #tpu.memory_space<semaphore_mem>>)
    %dma_wait3A_162 = arith.constant 64 : i32
    %dma_wait3A_163 = tpu.memref_slice %arg5[%dma_wait3A_162] : memref<512xi32, #tpu.memory_space<vmem>> -> memref<16xi32, #tpu.memory_space<vmem>>
    %dma_wait3A_164 = arith.constant 0 : i32
    %dma_wait3A_165 = arith.constant 0 : i32
    %dma_wait3A_166 = tpu.memref_slice %arg3[%dma_wait3A_164, %dma_wait3A_165] : memref<100000x1024xf32, #tpu.memory_space<hbm>> -> memref<100000x1024xf32, #tpu.memory_space<hbm>>
    tpu.wait_indirect_dma semaphore(%arg17 : memref<!tpu.dma_semaphore, #tpu.memory_space<semaphore_mem>>) src(%dma_wait3A_166 : memref<100000x1024xf32, #tpu.memory_space<hbm>>) dst(%arg10 : memref<16x1024xf32, #tpu.memory_space<vmem>>)
    %add3A_167 = arith.constant 64 : i32
    %add3A_168 = arith.addi %mul3A_32, %add3A_167 : i32
    %dma_start3A_169 = arith.constant 0 : i32
    %dma_start3A_170 = tpu.memref_slice %arg4[%select_n3A, %add3A_168, %dma_start3A_169] : memref<4x4096x1024xf32, #tpu.memory_space<hbm>> -> memref<1x16x1024xf32, #tpu.memory_space<hbm>>
    %dma_start3A_171 = tpu.memref_squeeze %dma_start3A_170 : memref<1x16x1024xf32, #tpu.memory_space<hbm>> -> memref<16x1024xf32, #tpu.memory_space<hbm>>
    %dma_start3A_172 = arith.constant 0 : i32
    %dma_start3A_173 = tpu.memref_slice %arg4[%select_n3A, %add3A_168, %dma_start3A_172] : memref<4x4096x1024xf32, #tpu.memory_space<hbm>> -> memref<1x16x1024xf32, #tpu.memory_space<hbm>>
    %dma_start3A_174 = tpu.memref_squeeze %dma_start3A_173 : memref<1x16x1024xf32, #tpu.memory_space<hbm>> -> memref<16x1024xf32, #tpu.memory_space<hbm>>
    tpu.enqueue_dma source(%arg10 : memref<16x1024xf32, #tpu.memory_space<vmem>>) target(%dma_start3A_174 : memref<16x1024xf32, #tpu.memory_space<hbm>>) target_semaphore(%arg24 : memref<!tpu.dma_semaphore, #tpu.memory_space<semaphore_mem>>)
    %dma_wait3A_175 = arith.constant 0 : i32
    %dma_wait3A_176 = tpu.memref_slice %arg4[%select_n3A, %add3A_168, %dma_wait3A_175] : memref<4x4096x1024xf32, #tpu.memory_space<hbm>> -> memref<1x16x1024xf32, #tpu.memory_space<hbm>>
    %dma_wait3A_177 = tpu.memref_squeeze %dma_wait3A_176 : memref<1x16x1024xf32, #tpu.memory_space<hbm>> -> memref<16x1024xf32, #tpu.memory_space<hbm>>
    %dma_wait3A_178 = arith.constant 0 : i32
    %dma_wait3A_179 = tpu.memref_slice %arg4[%select_n3A, %add3A_168, %dma_wait3A_178] : memref<4x4096x1024xf32, #tpu.memory_space<hbm>> -> memref<1x16x1024xf32, #tpu.memory_space<hbm>>
    %dma_wait3A_180 = tpu.memref_squeeze %dma_wait3A_179 : memref<1x16x1024xf32, #tpu.memory_space<hbm>> -> memref<16x1024xf32, #tpu.memory_space<hbm>>
    tpu.wait_dma2 semaphore(%arg24 : memref<!tpu.dma_semaphore, #tpu.memory_space<semaphore_mem>>) src(%arg10 : memref<16x1024xf32, #tpu.memory_space<vmem>>) dst(%dma_wait3A_180 : memref<16x1024xf32, #tpu.memory_space<hbm>>)
    %dma_start3A_181 = arith.constant 176 : i32
    %dma_start3A_182 = tpu.memref_slice %arg5[%dma_start3A_181] : memref<512xi32, #tpu.memory_space<vmem>> -> memref<16xi32, #tpu.memory_space<vmem>>
    %dma_start3A_183 = arith.constant 0 : i32
    %dma_start3A_184 = arith.constant 0 : i32
    %dma_start3A_185 = tpu.memref_slice %arg3[%dma_start3A_183, %dma_start3A_184] : memref<100000x1024xf32, #tpu.memory_space<hbm>> -> memref<100000x1024xf32, #tpu.memory_space<hbm>>
    tpu.enqueue_indirect_dma source(%dma_start3A_185 : memref<100000x1024xf32, #tpu.memory_space<hbm>>) target(%arg10 : memref<16x1024xf32, #tpu.memory_space<vmem>>) offsets(%dma_start3A_182 : memref<16xi32, #tpu.memory_space<vmem>>) semaphore(%arg17 : memref<!tpu.dma_semaphore, #tpu.memory_space<semaphore_mem>>)
    %dma_wait3A_186 = arith.constant 80 : i32
    %dma_wait3A_187 = tpu.memref_slice %arg5[%dma_wait3A_186] : memref<512xi32, #tpu.memory_space<vmem>> -> memref<16xi32, #tpu.memory_space<vmem>>
    %dma_wait3A_188 = arith.constant 0 : i32
    %dma_wait3A_189 = arith.constant 0 : i32
    %dma_wait3A_190 = tpu.memref_slice %arg3[%dma_wait3A_188, %dma_wait3A_189] : memref<100000x1024xf32, #tpu.memory_space<hbm>> -> memref<100000x1024xf32, #tpu.memory_space<hbm>>
    tpu.wait_indirect_dma semaphore(%arg18 : memref<!tpu.dma_semaphore, #tpu.memory_space<semaphore_mem>>) src(%dma_wait3A_190 : memref<100000x1024xf32, #tpu.memory_space<hbm>>) dst(%arg11 : memref<16x1024xf32, #tpu.memory_space<vmem>>)
    %add3A_191 = arith.constant 80 : i32
    %add3A_192 = arith.addi %mul3A_32, %add3A_191 : i32
    %dma_start3A_193 = arith.constant 0 : i32
    %dma_start3A_194 = tpu.memref_slice %arg4[%select_n3A, %add3A_192, %dma_start3A_193] : memref<4x4096x1024xf32, #tpu.memory_space<hbm>> -> memref<1x16x1024xf32, #tpu.memory_space<hbm>>
    %dma_start3A_195 = tpu.memref_squeeze %dma_start3A_194 : memref<1x16x1024xf32, #tpu.memory_space<hbm>> -> memref<16x1024xf32, #tpu.memory_space<hbm>>
    %dma_start3A_196 = arith.constant 0 : i32
    %dma_start3A_197 = tpu.memref_slice %arg4[%select_n3A, %add3A_192, %dma_start3A_196] : memref<4x4096x1024xf32, #tpu.memory_space<hbm>> -> memref<1x16x1024xf32, #tpu.memory_space<hbm>>
    %dma_start3A_198 = tpu.memref_squeeze %dma_start3A_197 : memref<1x16x1024xf32, #tpu.memory_space<hbm>> -> memref<16x1024xf32, #tpu.memory_space<hbm>>
    tpu.enqueue_dma source(%arg11 : memref<16x1024xf32, #tpu.memory_space<vmem>>) target(%dma_start3A_198 : memref<16x1024xf32, #tpu.memory_space<hbm>>) target_semaphore(%arg25 : memref<!tpu.dma_semaphore, #tpu.memory_space<semaphore_mem>>)
    %dma_wait3A_199 = arith.constant 0 : i32
    %dma_wait3A_200 = tpu.memref_slice %arg4[%select_n3A, %add3A_192, %dma_wait3A_199] : memref<4x4096x1024xf32, #tpu.memory_space<hbm>> -> memref<1x16x1024xf32, #tpu.memory_space<hbm>>
    %dma_wait3A_201 = tpu.memref_squeeze %dma_wait3A_200 : memref<1x16x1024xf32, #tpu.memory_space<hbm>> -> memref<16x1024xf32, #tpu.memory_space<hbm>>
    %dma_wait3A_202 = arith.constant 0 : i32
    %dma_wait3A_203 = tpu.memref_slice %arg4[%select_n3A, %add3A_192, %dma_wait3A_202] : memref<4x4096x1024xf32, #tpu.memory_space<hbm>> -> memref<1x16x1024xf32, #tpu.memory_space<hbm>>
    %dma_wait3A_204 = tpu.memref_squeeze %dma_wait3A_203 : memref<1x16x1024xf32, #tpu.memory_space<hbm>> -> memref<16x1024xf32, #tpu.memory_space<hbm>>
    tpu.wait_dma2 semaphore(%arg25 : memref<!tpu.dma_semaphore, #tpu.memory_space<semaphore_mem>>) src(%arg11 : memref<16x1024xf32, #tpu.memory_space<vmem>>) dst(%dma_wait3A_204 : memref<16x1024xf32, #tpu.memory_space<hbm>>)
    %dma_start3A_205 = arith.constant 192 : i32
    %dma_start3A_206 = tpu.memref_slice %arg5[%dma_start3A_205] : memref<512xi32, #tpu.memory_space<vmem>> -> memref<16xi32, #tpu.memory_space<vmem>>
    %dma_start3A_207 = arith.constant 0 : i32
    %dma_start3A_208 = arith.constant 0 : i32
    %dma_start3A_209 = tpu.memref_slice %arg3[%dma_start3A_207, %dma_start3A_208] : memref<100000x1024xf32, #tpu.memory_space<hbm>> -> memref<100000x1024xf32, #tpu.memory_space<hbm>>
    tpu.enqueue_indirect_dma source(%dma_start3A_209 : memref<100000x1024xf32, #tpu.memory_space<hbm>>) target(%arg11 : memref<16x1024xf32, #tpu.memory_space<vmem>>) offsets(%dma_start3A_206 : memref<16xi32, #tpu.memory_space<vmem>>) semaphore(%arg18 : memref<!tpu.dma_semaphore, #tpu.memory_space<semaphore_mem>>)
    %dma_wait3A_210 = arith.constant 96 : i32
    %dma_wait3A_211 = tpu.memref_slice %arg5[%dma_wait3A_210] : memref<512xi32, #tpu.memory_space<vmem>> -> memref<16xi32, #tpu.memory_space<vmem>>
    %dma_wait3A_212 = arith.constant 0 : i32
    %dma_wait3A_213 = arith.constant 0 : i32
    %dma_wait3A_214 = tpu.memref_slice %arg3[%dma_wait3A_212, %dma_wait3A_213] : memref<100000x1024xf32, #tpu.memory_space<hbm>> -> memref<100000x1024xf32, #tpu.memory_space<hbm>>
    tpu.wait_indirect_dma semaphore(%arg19 : memref<!tpu.dma_semaphore, #tpu.memory_space<semaphore_mem>>) src(%dma_wait3A_214 : memref<100000x1024xf32, #tpu.memory_space<hbm>>) dst(%arg12 : memref<16x1024xf32, #tpu.memory_space<vmem>>)
    %add3A_215 = arith.constant 96 : i32
    %add3A_216 = arith.addi %mul3A_32, %add3A_215 : i32
    %dma_start3A_217 = arith.constant 0 : i32
    %dma_start3A_218 = tpu.memref_slice %arg4[%select_n3A, %add3A_216, %dma_start3A_217] : memref<4x4096x1024xf32, #tpu.memory_space<hbm>> -> memref<1x16x1024xf32, #tpu.memory_space<hbm>>
    %dma_start3A_219 = tpu.memref_squeeze %dma_start3A_218 : memref<1x16x1024xf32, #tpu.memory_space<hbm>> -> memref<16x1024xf32, #tpu.memory_space<hbm>>
    %dma_start3A_220 = arith.constant 0 : i32
    %dma_start3A_221 = tpu.memref_slice %arg4[%select_n3A, %add3A_216, %dma_start3A_220] : memref<4x4096x1024xf32, #tpu.memory_space<hbm>> -> memref<1x16x1024xf32, #tpu.memory_space<hbm>>
    %dma_start3A_222 = tpu.memref_squeeze %dma_start3A_221 : memref<1x16x1024xf32, #tpu.memory_space<hbm>> -> memref<16x1024xf32, #tpu.memory_space<hbm>>
    tpu.enqueue_dma source(%arg12 : memref<16x1024xf32, #tpu.memory_space<vmem>>) target(%dma_start3A_222 : memref<16x1024xf32, #tpu.memory_space<hbm>>) target_semaphore(%arg26 : memref<!tpu.dma_semaphore, #tpu.memory_space<semaphore_mem>>)
    %dma_wait3A_223 = arith.constant 0 : i32
    %dma_wait3A_224 = tpu.memref_slice %arg4[%select_n3A, %add3A_216, %dma_wait3A_223] : memref<4x4096x1024xf32, #tpu.memory_space<hbm>> -> memref<1x16x1024xf32, #tpu.memory_space<hbm>>
    %dma_wait3A_225 = tpu.memref_squeeze %dma_wait3A_224 : memref<1x16x1024xf32, #tpu.memory_space<hbm>> -> memref<16x1024xf32, #tpu.memory_space<hbm>>
    %dma_wait3A_226 = arith.constant 0 : i32
    %dma_wait3A_227 = tpu.memref_slice %arg4[%select_n3A, %add3A_216, %dma_wait3A_226] : memref<4x4096x1024xf32, #tpu.memory_space<hbm>> -> memref<1x16x1024xf32, #tpu.memory_space<hbm>>
    %dma_wait3A_228 = tpu.memref_squeeze %dma_wait3A_227 : memref<1x16x1024xf32, #tpu.memory_space<hbm>> -> memref<16x1024xf32, #tpu.memory_space<hbm>>
    tpu.wait_dma2 semaphore(%arg26 : memref<!tpu.dma_semaphore, #tpu.memory_space<semaphore_mem>>) src(%arg12 : memref<16x1024xf32, #tpu.memory_space<vmem>>) dst(%dma_wait3A_228 : memref<16x1024xf32, #tpu.memory_space<hbm>>)
    %dma_start3A_229 = arith.constant 208 : i32
    %dma_start3A_230 = tpu.memref_slice %arg5[%dma_start3A_229] : memref<512xi32, #tpu.memory_space<vmem>> -> memref<16xi32, #tpu.memory_space<vmem>>
    %dma_start3A_231 = arith.constant 0 : i32
    %dma_start3A_232 = arith.constant 0 : i32
    %dma_start3A_233 = tpu.memref_slice %arg3[%dma_start3A_231, %dma_start3A_232] : memref<100000x1024xf32, #tpu.memory_space<hbm>> -> memref<100000x1024xf32, #tpu.memory_space<hbm>>
    tpu.enqueue_indirect_dma source(%dma_start3A_233 : memref<100000x1024xf32, #tpu.memory_space<hbm>>) target(%arg12 : memref<16x1024xf32, #tpu.memory_space<vmem>>) offsets(%dma_start3A_230 : memref<16xi32, #tpu.memory_space<vmem>>) semaphore(%arg19 : memref<!tpu.dma_semaphore, #tpu.memory_space<semaphore_mem>>)
    %dma_wait3A_234 = arith.constant 112 : i32
    %dma_wait3A_235 = tpu.memref_slice %arg5[%dma_wait3A_234] : memref<512xi32, #tpu.memory_space<vmem>> -> memref<16xi32, #tpu.memory_space<vmem>>
    %dma_wait3A_236 = arith.constant 0 : i32
    %dma_wait3A_237 = arith.constant 0 : i32
    %dma_wait3A_238 = tpu.memref_slice %arg3[%dma_wait3A_236, %dma_wait3A_237] : memref<100000x1024xf32, #tpu.memory_space<hbm>> -> memref<100000x1024xf32, #tpu.memory_space<hbm>>
    tpu.wait_indirect_dma semaphore(%arg13 : memref<!tpu.dma_semaphore, #tpu.memory_space<semaphore_mem>>) src(%dma_wait3A_238 : memref<100000x1024xf32, #tpu.memory_space<hbm>>) dst(%arg6 : memref<16x1024xf32, #tpu.memory_space<vmem>>)
    %add3A_239 = arith.constant 112 : i32
    %add3A_240 = arith.addi %mul3A_32, %add3A_239 : i32
    %dma_start3A_241 = arith.constant 0 : i32
    %dma_start3A_242 = tpu.memref_slice %arg4[%select_n3A, %add3A_240, %dma_start3A_241] : memref<4x4096x1024xf32, #tpu.memory_space<hbm>> -> memref<1x16x1024xf32, #tpu.memory_space<hbm>>
    %dma_start3A_243 = tpu.memref_squeeze %dma_start3A_242 : memref<1x16x1024xf32, #tpu.memory_space<hbm>> -> memref<16x1024xf32, #tpu.memory_space<hbm>>
    %dma_start3A_244 = arith.constant 0 : i32
    %dma_start3A_245 = tpu.memref_slice %arg4[%select_n3A, %add3A_240, %dma_start3A_244] : memref<4x4096x1024xf32, #tpu.memory_space<hbm>> -> memref<1x16x1024xf32, #tpu.memory_space<hbm>>
    %dma_start3A_246 = tpu.memref_squeeze %dma_start3A_245 : memref<1x16x1024xf32, #tpu.memory_space<hbm>> -> memref<16x1024xf32, #tpu.memory_space<hbm>>
    tpu.enqueue_dma source(%arg6 : memref<16x1024xf32, #tpu.memory_space<vmem>>) target(%dma_start3A_246 : memref<16x1024xf32, #tpu.memory_space<hbm>>) target_semaphore(%arg20 : memref<!tpu.dma_semaphore, #tpu.memory_space<semaphore_mem>>)
    %dma_wait3A_247 = arith.constant 0 : i32
    %dma_wait3A_248 = tpu.memref_slice %arg4[%select_n3A, %add3A_240, %dma_wait3A_247] : memref<4x4096x1024xf32, #tpu.memory_space<hbm>> -> memref<1x16x1024xf32, #tpu.memory_space<hbm>>
    %dma_wait3A_249 = tpu.memref_squeeze %dma_wait3A_248 : memref<1x16x1024xf32, #tpu.memory_space<hbm>> -> memref<16x1024xf32, #tpu.memory_space<hbm>>
    %dma_wait3A_250 = arith.constant 0 : i32
    %dma_wait3A_251 = tpu.memref_slice %arg4[%select_n3A, %add3A_240, %dma_wait3A_250] : memref<4x4096x1024xf32, #tpu.memory_space<hbm>> -> memref<1x16x1024xf32, #tpu.memory_space<hbm>>
    %dma_wait3A_252 = tpu.memref_squeeze %dma_wait3A_251 : memref<1x16x1024xf32, #tpu.memory_space<hbm>> -> memref<16x1024xf32, #tpu.memory_space<hbm>>
    tpu.wait_dma2 semaphore(%arg20 : memref<!tpu.dma_semaphore, #tpu.memory_space<semaphore_mem>>) src(%arg6 : memref<16x1024xf32, #tpu.memory_space<vmem>>) dst(%dma_wait3A_252 : memref<16x1024xf32, #tpu.memory_space<hbm>>)
    %dma_start3A_253 = arith.constant 224 : i32
    %dma_start3A_254 = tpu.memref_slice %arg5[%dma_start3A_253] : memref<512xi32, #tpu.memory_space<vmem>> -> memref<16xi32, #tpu.memory_space<vmem>>
    %dma_start3A_255 = arith.constant 0 : i32
    %dma_start3A_256 = arith.constant 0 : i32
    %dma_start3A_257 = tpu.memref_slice %arg3[%dma_start3A_255, %dma_start3A_256] : memref<100000x1024xf32, #tpu.memory_space<hbm>> -> memref<100000x1024xf32, #tpu.memory_space<hbm>>
    tpu.enqueue_indirect_dma source(%dma_start3A_257 : memref<100000x1024xf32, #tpu.memory_space<hbm>>) target(%arg6 : memref<16x1024xf32, #tpu.memory_space<vmem>>) offsets(%dma_start3A_254 : memref<16xi32, #tpu.memory_space<vmem>>) semaphore(%arg13 : memref<!tpu.dma_semaphore, #tpu.memory_space<semaphore_mem>>)
    %dma_wait3A_258 = arith.constant 128 : i32
    %dma_wait3A_259 = tpu.memref_slice %arg5[%dma_wait3A_258] : memref<512xi32, #tpu.memory_space<vmem>> -> memref<16xi32, #tpu.memory_space<vmem>>
    %dma_wait3A_260 = arith.constant 0 : i32
    %dma_wait3A_261 = arith.constant 0 : i32
    %dma_wait3A_262 = tpu.memref_slice %arg3[%dma_wait3A_260, %dma_wait3A_261] : memref<100000x1024xf32, #tpu.memory_space<hbm>> -> memref<100000x1024xf32, #tpu.memory_space<hbm>>
    tpu.wait_indirect_dma semaphore(%arg14 : memref<!tpu.dma_semaphore, #tpu.memory_space<semaphore_mem>>) src(%dma_wait3A_262 : memref<100000x1024xf32, #tpu.memory_space<hbm>>) dst(%arg7 : memref<16x1024xf32, #tpu.memory_space<vmem>>)
    %add3A_263 = arith.constant 128 : i32
    %add3A_264 = arith.addi %mul3A_32, %add3A_263 : i32
    %dma_start3A_265 = arith.constant 0 : i32
    %dma_start3A_266 = tpu.memref_slice %arg4[%select_n3A, %add3A_264, %dma_start3A_265] : memref<4x4096x1024xf32, #tpu.memory_space<hbm>> -> memref<1x16x1024xf32, #tpu.memory_space<hbm>>
    %dma_start3A_267 = tpu.memref_squeeze %dma_start3A_266 : memref<1x16x1024xf32, #tpu.memory_space<hbm>> -> memref<16x1024xf32, #tpu.memory_space<hbm>>
    %dma_start3A_268 = arith.constant 0 : i32
    %dma_start3A_269 = tpu.memref_slice %arg4[%select_n3A, %add3A_264, %dma_start3A_268] : memref<4x4096x1024xf32, #tpu.memory_space<hbm>> -> memref<1x16x1024xf32, #tpu.memory_space<hbm>>
    %dma_start3A_270 = tpu.memref_squeeze %dma_start3A_269 : memref<1x16x1024xf32, #tpu.memory_space<hbm>> -> memref<16x1024xf32, #tpu.memory_space<hbm>>
    tpu.enqueue_dma source(%arg7 : memref<16x1024xf32, #tpu.memory_space<vmem>>) target(%dma_start3A_270 : memref<16x1024xf32, #tpu.memory_space<hbm>>) target_semaphore(%arg21 : memref<!tpu.dma_semaphore, #tpu.memory_space<semaphore_mem>>)
    %dma_wait3A_271 = arith.constant 0 : i32
    %dma_wait3A_272 = tpu.memref_slice %arg4[%select_n3A, %add3A_264, %dma_wait3A_271] : memref<4x4096x1024xf32, #tpu.memory_space<hbm>> -> memref<1x16x1024xf32, #tpu.memory_space<hbm>>
    %dma_wait3A_273 = tpu.memref_squeeze %dma_wait3A_272 : memref<1x16x1024xf32, #tpu.memory_space<hbm>> -> memref<16x1024xf32, #tpu.memory_space<hbm>>
    %dma_wait3A_274 = arith.constant 0 : i32
    %dma_wait3A_275 = tpu.memref_slice %arg4[%select_n3A, %add3A_264, %dma_wait3A_274] : memref<4x4096x1024xf32, #tpu.memory_space<hbm>> -> memref<1x16x1024xf32, #tpu.memory_space<hbm>>
    %dma_wait3A_276 = tpu.memref_squeeze %dma_wait3A_275 : memref<1x16x1024xf32, #tpu.memory_space<hbm>> -> memref<16x1024xf32, #tpu.memory_space<hbm>>
    tpu.wait_dma2 semaphore(%arg21 : memref<!tpu.dma_semaphore, #tpu.memory_space<semaphore_mem>>) src(%arg7 : memref<16x1024xf32, #tpu.memory_space<vmem>>) dst(%dma_wait3A_276 : memref<16x1024xf32, #tpu.memory_space<hbm>>)
    %dma_start3A_277 = arith.constant 240 : i32
    %dma_start3A_278 = tpu.memref_slice %arg5[%dma_start3A_277] : memref<512xi32, #tpu.memory_space<vmem>> -> memref<16xi32, #tpu.memory_space<vmem>>
    %dma_start3A_279 = arith.constant 0 : i32
    %dma_start3A_280 = arith.constant 0 : i32
    %dma_start3A_281 = tpu.memref_slice %arg3[%dma_start3A_279, %dma_start3A_280] : memref<100000x1024xf32, #tpu.memory_space<hbm>> -> memref<100000x1024xf32, #tpu.memory_space<hbm>>
    tpu.enqueue_indirect_dma source(%dma_start3A_281 : memref<100000x1024xf32, #tpu.memory_space<hbm>>) target(%arg7 : memref<16x1024xf32, #tpu.memory_space<vmem>>) offsets(%dma_start3A_278 : memref<16xi32, #tpu.memory_space<vmem>>) semaphore(%arg14 : memref<!tpu.dma_semaphore, #tpu.memory_space<semaphore_mem>>)
    %dma_wait3A_282 = arith.constant 144 : i32
    %dma_wait3A_283 = tpu.memref_slice %arg5[%dma_wait3A_282] : memref<512xi32, #tpu.memory_space<vmem>> -> memref<16xi32, #tpu.memory_space<vmem>>
    %dma_wait3A_284 = arith.constant 0 : i32
    %dma_wait3A_285 = arith.constant 0 : i32
    %dma_wait3A_286 = tpu.memref_slice %arg3[%dma_wait3A_284, %dma_wait3A_285] : memref<100000x1024xf32, #tpu.memory_space<hbm>> -> memref<100000x1024xf32, #tpu.memory_space<hbm>>
    tpu.wait_indirect_dma semaphore(%arg15 : memref<!tpu.dma_semaphore, #tpu.memory_space<semaphore_mem>>) src(%dma_wait3A_286 : memref<100000x1024xf32, #tpu.memory_space<hbm>>) dst(%arg8 : memref<16x1024xf32, #tpu.memory_space<vmem>>)
    %add3A_287 = arith.constant 144 : i32
    %add3A_288 = arith.addi %mul3A_32, %add3A_287 : i32
    %dma_start3A_289 = arith.constant 0 : i32
    %dma_start3A_290 = tpu.memref_slice %arg4[%select_n3A, %add3A_288, %dma_start3A_289] : memref<4x4096x1024xf32, #tpu.memory_space<hbm>> -> memref<1x16x1024xf32, #tpu.memory_space<hbm>>
    %dma_start3A_291 = tpu.memref_squeeze %dma_start3A_290 : memref<1x16x1024xf32, #tpu.memory_space<hbm>> -> memref<16x1024xf32, #tpu.memory_space<hbm>>
    %dma_start3A_292 = arith.constant 0 : i32
    %dma_start3A_293 = tpu.memref_slice %arg4[%select_n3A, %add3A_288, %dma_start3A_292] : memref<4x4096x1024xf32, #tpu.memory_space<hbm>> -> memref<1x16x1024xf32, #tpu.memory_space<hbm>>
    %dma_start3A_294 = tpu.memref_squeeze %dma_start3A_293 : memref<1x16x1024xf32, #tpu.memory_space<hbm>> -> memref<16x1024xf32, #tpu.memory_space<hbm>>
    tpu.enqueue_dma source(%arg8 : memref<16x1024xf32, #tpu.memory_space<vmem>>) target(%dma_start3A_294 : memref<16x1024xf32, #tpu.memory_space<hbm>>) target_semaphore(%arg22 : memref<!tpu.dma_semaphore, #tpu.memory_space<semaphore_mem>>)
    %dma_wait3A_295 = arith.constant 0 : i32
    %dma_wait3A_296 = tpu.memref_slice %arg4[%select_n3A, %add3A_288, %dma_wait3A_295] : memref<4x4096x1024xf32, #tpu.memory_space<hbm>> -> memref<1x16x1024xf32, #tpu.memory_space<hbm>>
    %dma_wait3A_297 = tpu.memref_squeeze %dma_wait3A_296 : memref<1x16x1024xf32, #tpu.memory_space<hbm>> -> memref<16x1024xf32, #tpu.memory_space<hbm>>
    %dma_wait3A_298 = arith.constant 0 : i32
    %dma_wait3A_299 = tpu.memref_slice %arg4[%select_n3A, %add3A_288, %dma_wait3A_298] : memref<4x4096x1024xf32, #tpu.memory_space<hbm>> -> memref<1x16x1024xf32, #tpu.memory_space<hbm>>
    %dma_wait3A_300 = tpu.memref_squeeze %dma_wait3A_299 : memref<1x16x1024xf32, #tpu.memory_space<hbm>> -> memref<16x1024xf32, #tpu.memory_space<hbm>>
    tpu.wait_dma2 semaphore(%arg22 : memref<!tpu.dma_semaphore, #tpu.memory_space<semaphore_mem>>) src(%arg8 : memref<16x1024xf32, #tpu.memory_space<vmem>>) dst(%dma_wait3A_300 : memref<16x1024xf32, #tpu.memory_space<hbm>>)
    %dma_start3A_301 = arith.constant 256 : i32
    %dma_start3A_302 = tpu.memref_slice %arg5[%dma_start3A_301] : memref<512xi32, #tpu.memory_space<vmem>> -> memref<16xi32, #tpu.memory_space<vmem>>
    %dma_start3A_303 = arith.constant 0 : i32
    %dma_start3A_304 = arith.constant 0 : i32
    %dma_start3A_305 = tpu.memref_slice %arg3[%dma_start3A_303, %dma_start3A_304] : memref<100000x1024xf32, #tpu.memory_space<hbm>> -> memref<100000x1024xf32, #tpu.memory_space<hbm>>
    tpu.enqueue_indirect_dma source(%dma_start3A_305 : memref<100000x1024xf32, #tpu.memory_space<hbm>>) target(%arg8 : memref<16x1024xf32, #tpu.memory_space<vmem>>) offsets(%dma_start3A_302 : memref<16xi32, #tpu.memory_space<vmem>>) semaphore(%arg15 : memref<!tpu.dma_semaphore, #tpu.memory_space<semaphore_mem>>)
    %dma_wait3A_306 = arith.constant 160 : i32
    %dma_wait3A_307 = tpu.memref_slice %arg5[%dma_wait3A_306] : memref<512xi32, #tpu.memory_space<vmem>> -> memref<16xi32, #tpu.memory_space<vmem>>
    %dma_wait3A_308 = arith.constant 0 : i32
    %dma_wait3A_309 = arith.constant 0 : i32
    %dma_wait3A_310 = tpu.memref_slice %arg3[%dma_wait3A_308, %dma_wait3A_309] : memref<100000x1024xf32, #tpu.memory_space<hbm>> -> memref<100000x1024xf32, #tpu.memory_space<hbm>>
    tpu.wait_indirect_dma semaphore(%arg16 : memref<!tpu.dma_semaphore, #tpu.memory_space<semaphore_mem>>) src(%dma_wait3A_310 : memref<100000x1024xf32, #tpu.memory_space<hbm>>) dst(%arg9 : memref<16x1024xf32, #tpu.memory_space<vmem>>)
    %add3A_311 = arith.constant 160 : i32
    %add3A_312 = arith.addi %mul3A_32, %add3A_311 : i32
    %dma_start3A_313 = arith.constant 0 : i32
    %dma_start3A_314 = tpu.memref_slice %arg4[%select_n3A, %add3A_312, %dma_start3A_313] : memref<4x4096x1024xf32, #tpu.memory_space<hbm>> -> memref<1x16x1024xf32, #tpu.memory_space<hbm>>
    %dma_start3A_315 = tpu.memref_squeeze %dma_start3A_314 : memref<1x16x1024xf32, #tpu.memory_space<hbm>> -> memref<16x1024xf32, #tpu.memory_space<hbm>>
    %dma_start3A_316 = arith.constant 0 : i32
    %dma_start3A_317 = tpu.memref_slice %arg4[%select_n3A, %add3A_312, %dma_start3A_316] : memref<4x4096x1024xf32, #tpu.memory_space<hbm>> -> memref<1x16x1024xf32, #tpu.memory_space<hbm>>
    %dma_start3A_318 = tpu.memref_squeeze %dma_start3A_317 : memref<1x16x1024xf32, #tpu.memory_space<hbm>> -> memref<16x1024xf32, #tpu.memory_space<hbm>>
    tpu.enqueue_dma source(%arg9 : memref<16x1024xf32, #tpu.memory_space<vmem>>) target(%dma_start3A_318 : memref<16x1024xf32, #tpu.memory_space<hbm>>) target_semaphore(%arg23 : memref<!tpu.dma_semaphore, #tpu.memory_space<semaphore_mem>>)
    %dma_wait3A_319 = arith.constant 0 : i32
    %dma_wait3A_320 = tpu.memref_slice %arg4[%select_n3A, %add3A_312, %dma_wait3A_319] : memref<4x4096x1024xf32, #tpu.memory_space<hbm>> -> memref<1x16x1024xf32, #tpu.memory_space<hbm>>
    %dma_wait3A_321 = tpu.memref_squeeze %dma_wait3A_320 : memref<1x16x1024xf32, #tpu.memory_space<hbm>> -> memref<16x1024xf32, #tpu.memory_space<hbm>>
    %dma_wait3A_322 = arith.constant 0 : i32
    %dma_wait3A_323 = tpu.memref_slice %arg4[%select_n3A, %add3A_312, %dma_wait3A_322] : memref<4x4096x1024xf32, #tpu.memory_space<hbm>> -> memref<1x16x1024xf32, #tpu.memory_space<hbm>>
    %dma_wait3A_324 = tpu.memref_squeeze %dma_wait3A_323 : memref<1x16x1024xf32, #tpu.memory_space<hbm>> -> memref<16x1024xf32, #tpu.memory_space<hbm>>
    tpu.wait_dma2 semaphore(%arg23 : memref<!tpu.dma_semaphore, #tpu.memory_space<semaphore_mem>>) src(%arg9 : memref<16x1024xf32, #tpu.memory_space<vmem>>) dst(%dma_wait3A_324 : memref<16x1024xf32, #tpu.memory_space<hbm>>)
    %dma_start3A_325 = arith.constant 272 : i32
    %dma_start3A_326 = tpu.memref_slice %arg5[%dma_start3A_325] : memref<512xi32, #tpu.memory_space<vmem>> -> memref<16xi32, #tpu.memory_space<vmem>>
    %dma_start3A_327 = arith.constant 0 : i32
    %dma_start3A_328 = arith.constant 0 : i32
    %dma_start3A_329 = tpu.memref_slice %arg3[%dma_start3A_327, %dma_start3A_328] : memref<100000x1024xf32, #tpu.memory_space<hbm>> -> memref<100000x1024xf32, #tpu.memory_space<hbm>>
    tpu.enqueue_indirect_dma source(%dma_start3A_329 : memref<100000x1024xf32, #tpu.memory_space<hbm>>) target(%arg9 : memref<16x1024xf32, #tpu.memory_space<vmem>>) offsets(%dma_start3A_326 : memref<16xi32, #tpu.memory_space<vmem>>) semaphore(%arg16 : memref<!tpu.dma_semaphore, #tpu.memory_space<semaphore_mem>>)
    %dma_wait3A_330 = arith.constant 176 : i32
    %dma_wait3A_331 = tpu.memref_slice %arg5[%dma_wait3A_330] : memref<512xi32, #tpu.memory_space<vmem>> -> memref<16xi32, #tpu.memory_space<vmem>>
    %dma_wait3A_332 = arith.constant 0 : i32
    %dma_wait3A_333 = arith.constant 0 : i32
    %dma_wait3A_334 = tpu.memref_slice %arg3[%dma_wait3A_332, %dma_wait3A_333] : memref<100000x1024xf32, #tpu.memory_space<hbm>> -> memref<100000x1024xf32, #tpu.memory_space<hbm>>
    tpu.wait_indirect_dma semaphore(%arg17 : memref<!tpu.dma_semaphore, #tpu.memory_space<semaphore_mem>>) src(%dma_wait3A_334 : memref<100000x1024xf32, #tpu.memory_space<hbm>>) dst(%arg10 : memref<16x1024xf32, #tpu.memory_space<vmem>>)
    %add3A_335 = arith.constant 176 : i32
    %add3A_336 = arith.addi %mul3A_32, %add3A_335 : i32
    %dma_start3A_337 = arith.constant 0 : i32
    %dma_start3A_338 = tpu.memref_slice %arg4[%select_n3A, %add3A_336, %dma_start3A_337] : memref<4x4096x1024xf32, #tpu.memory_space<hbm>> -> memref<1x16x1024xf32, #tpu.memory_space<hbm>>
    %dma_start3A_339 = tpu.memref_squeeze %dma_start3A_338 : memref<1x16x1024xf32, #tpu.memory_space<hbm>> -> memref<16x1024xf32, #tpu.memory_space<hbm>>
    %dma_start3A_340 = arith.constant 0 : i32
    %dma_start3A_341 = tpu.memref_slice %arg4[%select_n3A, %add3A_336, %dma_start3A_340] : memref<4x4096x1024xf32, #tpu.memory_space<hbm>> -> memref<1x16x1024xf32, #tpu.memory_space<hbm>>
    %dma_start3A_342 = tpu.memref_squeeze %dma_start3A_341 : memref<1x16x1024xf32, #tpu.memory_space<hbm>> -> memref<16x1024xf32, #tpu.memory_space<hbm>>
    tpu.enqueue_dma source(%arg10 : memref<16x1024xf32, #tpu.memory_space<vmem>>) target(%dma_start3A_342 : memref<16x1024xf32, #tpu.memory_space<hbm>>) target_semaphore(%arg24 : memref<!tpu.dma_semaphore, #tpu.memory_space<semaphore_mem>>)
    %dma_wait3A_343 = arith.constant 0 : i32
    %dma_wait3A_344 = tpu.memref_slice %arg4[%select_n3A, %add3A_336, %dma_wait3A_343] : memref<4x4096x1024xf32, #tpu.memory_space<hbm>> -> memref<1x16x1024xf32, #tpu.memory_space<hbm>>
    %dma_wait3A_345 = tpu.memref_squeeze %dma_wait3A_344 : memref<1x16x1024xf32, #tpu.memory_space<hbm>> -> memref<16x1024xf32, #tpu.memory_space<hbm>>
    %dma_wait3A_346 = arith.constant 0 : i32
    %dma_wait3A_347 = tpu.memref_slice %arg4[%select_n3A, %add3A_336, %dma_wait3A_346] : memref<4x4096x1024xf32, #tpu.memory_space<hbm>> -> memref<1x16x1024xf32, #tpu.memory_space<hbm>>
    %dma_wait3A_348 = tpu.memref_squeeze %dma_wait3A_347 : memref<1x16x1024xf32, #tpu.memory_space<hbm>> -> memref<16x1024xf32, #tpu.memory_space<hbm>>
    tpu.wait_dma2 semaphore(%arg24 : memref<!tpu.dma_semaphore, #tpu.memory_space<semaphore_mem>>) src(%arg10 : memref<16x1024xf32, #tpu.memory_space<vmem>>) dst(%dma_wait3A_348 : memref<16x1024xf32, #tpu.memory_space<hbm>>)
    %dma_start3A_349 = arith.constant 288 : i32
    %dma_start3A_350 = tpu.memref_slice %arg5[%dma_start3A_349] : memref<512xi32, #tpu.memory_space<vmem>> -> memref<16xi32, #tpu.memory_space<vmem>>
    %dma_start3A_351 = arith.constant 0 : i32
    %dma_start3A_352 = arith.constant 0 : i32
    %dma_start3A_353 = tpu.memref_slice %arg3[%dma_start3A_351, %dma_start3A_352] : memref<100000x1024xf32, #tpu.memory_space<hbm>> -> memref<100000x1024xf32, #tpu.memory_space<hbm>>
    tpu.enqueue_indirect_dma source(%dma_start3A_353 : memref<100000x1024xf32, #tpu.memory_space<hbm>>) target(%arg10 : memref<16x1024xf32, #tpu.memory_space<vmem>>) offsets(%dma_start3A_350 : memref<16xi32, #tpu.memory_space<vmem>>) semaphore(%arg17 : memref<!tpu.dma_semaphore, #tpu.memory_space<semaphore_mem>>)
    %dma_wait3A_354 = arith.constant 192 : i32
    %dma_wait3A_355 = tpu.memref_slice %arg5[%dma_wait3A_354] : memref<512xi32, #tpu.memory_space<vmem>> -> memref<16xi32, #tpu.memory_space<vmem>>
    %dma_wait3A_356 = arith.constant 0 : i32
    %dma_wait3A_357 = arith.constant 0 : i32
    %dma_wait3A_358 = tpu.memref_slice %arg3[%dma_wait3A_356, %dma_wait3A_357] : memref<100000x1024xf32, #tpu.memory_space<hbm>> -> memref<100000x1024xf32, #tpu.memory_space<hbm>>
    tpu.wait_indirect_dma semaphore(%arg18 : memref<!tpu.dma_semaphore, #tpu.memory_space<semaphore_mem>>) src(%dma_wait3A_358 : memref<100000x1024xf32, #tpu.memory_space<hbm>>) dst(%arg11 : memref<16x1024xf32, #tpu.memory_space<vmem>>)
    %add3A_359 = arith.constant 192 : i32
    %add3A_360 = arith.addi %mul3A_32, %add3A_359 : i32
    %dma_start3A_361 = arith.constant 0 : i32
    %dma_start3A_362 = tpu.memref_slice %arg4[%select_n3A, %add3A_360, %dma_start3A_361] : memref<4x4096x1024xf32, #tpu.memory_space<hbm>> -> memref<1x16x1024xf32, #tpu.memory_space<hbm>>
    %dma_start3A_363 = tpu.memref_squeeze %dma_start3A_362 : memref<1x16x1024xf32, #tpu.memory_space<hbm>> -> memref<16x1024xf32, #tpu.memory_space<hbm>>
    %dma_start3A_364 = arith.constant 0 : i32
    %dma_start3A_365 = tpu.memref_slice %arg4[%select_n3A, %add3A_360, %dma_start3A_364] : memref<4x4096x1024xf32, #tpu.memory_space<hbm>> -> memref<1x16x1024xf32, #tpu.memory_space<hbm>>
    %dma_start3A_366 = tpu.memref_squeeze %dma_start3A_365 : memref<1x16x1024xf32, #tpu.memory_space<hbm>> -> memref<16x1024xf32, #tpu.memory_space<hbm>>
    tpu.enqueue_dma source(%arg11 : memref<16x1024xf32, #tpu.memory_space<vmem>>) target(%dma_start3A_366 : memref<16x1024xf32, #tpu.memory_space<hbm>>) target_semaphore(%arg25 : memref<!tpu.dma_semaphore, #tpu.memory_space<semaphore_mem>>)
    %dma_wait3A_367 = arith.constant 0 : i32
    %dma_wait3A_368 = tpu.memref_slice %arg4[%select_n3A, %add3A_360, %dma_wait3A_367] : memref<4x4096x1024xf32, #tpu.memory_space<hbm>> -> memref<1x16x1024xf32, #tpu.memory_space<hbm>>
    %dma_wait3A_369 = tpu.memref_squeeze %dma_wait3A_368 : memref<1x16x1024xf32, #tpu.memory_space<hbm>> -> memref<16x1024xf32, #tpu.memory_space<hbm>>
    %dma_wait3A_370 = arith.constant 0 : i32
    %dma_wait3A_371 = tpu.memref_slice %arg4[%select_n3A, %add3A_360, %dma_wait3A_370] : memref<4x4096x1024xf32, #tpu.memory_space<hbm>> -> memref<1x16x1024xf32, #tpu.memory_space<hbm>>
    %dma_wait3A_372 = tpu.memref_squeeze %dma_wait3A_371 : memref<1x16x1024xf32, #tpu.memory_space<hbm>> -> memref<16x1024xf32, #tpu.memory_space<hbm>>
    tpu.wait_dma2 semaphore(%arg25 : memref<!tpu.dma_semaphore, #tpu.memory_space<semaphore_mem>>) src(%arg11 : memref<16x1024xf32, #tpu.memory_space<vmem>>) dst(%dma_wait3A_372 : memref<16x1024xf32, #tpu.memory_space<hbm>>)
    %dma_start3A_373 = arith.constant 304 : i32
    %dma_start3A_374 = tpu.memref_slice %arg5[%dma_start3A_373] : memref<512xi32, #tpu.memory_space<vmem>> -> memref<16xi32, #tpu.memory_space<vmem>>
    %dma_start3A_375 = arith.constant 0 : i32
    %dma_start3A_376 = arith.constant 0 : i32
    %dma_start3A_377 = tpu.memref_slice %arg3[%dma_start3A_375, %dma_start3A_376] : memref<100000x1024xf32, #tpu.memory_space<hbm>> -> memref<100000x1024xf32, #tpu.memory_space<hbm>>
    tpu.enqueue_indirect_dma source(%dma_start3A_377 : memref<100000x1024xf32, #tpu.memory_space<hbm>>) target(%arg11 : memref<16x1024xf32, #tpu.memory_space<vmem>>) offsets(%dma_start3A_374 : memref<16xi32, #tpu.memory_space<vmem>>) semaphore(%arg18 : memref<!tpu.dma_semaphore, #tpu.memory_space<semaphore_mem>>)
    %dma_wait3A_378 = arith.constant 208 : i32
    %dma_wait3A_379 = tpu.memref_slice %arg5[%dma_wait3A_378] : memref<512xi32, #tpu.memory_space<vmem>> -> memref<16xi32, #tpu.memory_space<vmem>>
    %dma_wait3A_380 = arith.constant 0 : i32
    %dma_wait3A_381 = arith.constant 0 : i32
    %dma_wait3A_382 = tpu.memref_slice %arg3[%dma_wait3A_380, %dma_wait3A_381] : memref<100000x1024xf32, #tpu.memory_space<hbm>> -> memref<100000x1024xf32, #tpu.memory_space<hbm>>
    tpu.wait_indirect_dma semaphore(%arg19 : memref<!tpu.dma_semaphore, #tpu.memory_space<semaphore_mem>>) src(%dma_wait3A_382 : memref<100000x1024xf32, #tpu.memory_space<hbm>>) dst(%arg12 : memref<16x1024xf32, #tpu.memory_space<vmem>>)
    %add3A_383 = arith.constant 208 : i32
    %add3A_384 = arith.addi %mul3A_32, %add3A_383 : i32
    %dma_start3A_385 = arith.constant 0 : i32
    %dma_start3A_386 = tpu.memref_slice %arg4[%select_n3A, %add3A_384, %dma_start3A_385] : memref<4x4096x1024xf32, #tpu.memory_space<hbm>> -> memref<1x16x1024xf32, #tpu.memory_space<hbm>>
    %dma_start3A_387 = tpu.memref_squeeze %dma_start3A_386 : memref<1x16x1024xf32, #tpu.memory_space<hbm>> -> memref<16x1024xf32, #tpu.memory_space<hbm>>
    %dma_start3A_388 = arith.constant 0 : i32
    %dma_start3A_389 = tpu.memref_slice %arg4[%select_n3A, %add3A_384, %dma_start3A_388] : memref<4x4096x1024xf32, #tpu.memory_space<hbm>> -> memref<1x16x1024xf32, #tpu.memory_space<hbm>>
    %dma_start3A_390 = tpu.memref_squeeze %dma_start3A_389 : memref<1x16x1024xf32, #tpu.memory_space<hbm>> -> memref<16x1024xf32, #tpu.memory_space<hbm>>
    tpu.enqueue_dma source(%arg12 : memref<16x1024xf32, #tpu.memory_space<vmem>>) target(%dma_start3A_390 : memref<16x1024xf32, #tpu.memory_space<hbm>>) target_semaphore(%arg26 : memref<!tpu.dma_semaphore, #tpu.memory_space<semaphore_mem>>)
    %dma_wait3A_391 = arith.constant 0 : i32
    %dma_wait3A_392 = tpu.memref_slice %arg4[%select_n3A, %add3A_384, %dma_wait3A_391] : memref<4x4096x1024xf32, #tpu.memory_space<hbm>> -> memref<1x16x1024xf32, #tpu.memory_space<hbm>>
    %dma_wait3A_393 = tpu.memref_squeeze %dma_wait3A_392 : memref<1x16x1024xf32, #tpu.memory_space<hbm>> -> memref<16x1024xf32, #tpu.memory_space<hbm>>
    %dma_wait3A_394 = arith.constant 0 : i32
    %dma_wait3A_395 = tpu.memref_slice %arg4[%select_n3A, %add3A_384, %dma_wait3A_394] : memref<4x4096x1024xf32, #tpu.memory_space<hbm>> -> memref<1x16x1024xf32, #tpu.memory_space<hbm>>
    %dma_wait3A_396 = tpu.memref_squeeze %dma_wait3A_395 : memref<1x16x1024xf32, #tpu.memory_space<hbm>> -> memref<16x1024xf32, #tpu.memory_space<hbm>>
    tpu.wait_dma2 semaphore(%arg26 : memref<!tpu.dma_semaphore, #tpu.memory_space<semaphore_mem>>) src(%arg12 : memref<16x1024xf32, #tpu.memory_space<vmem>>) dst(%dma_wait3A_396 : memref<16x1024xf32, #tpu.memory_space<hbm>>)
    %dma_start3A_397 = arith.constant 320 : i32
    %dma_start3A_398 = tpu.memref_slice %arg5[%dma_start3A_397] : memref<512xi32, #tpu.memory_space<vmem>> -> memref<16xi32, #tpu.memory_space<vmem>>
    %dma_start3A_399 = arith.constant 0 : i32
    %dma_start3A_400 = arith.constant 0 : i32
    %dma_start3A_401 = tpu.memref_slice %arg3[%dma_start3A_399, %dma_start3A_400] : memref<100000x1024xf32, #tpu.memory_space<hbm>> -> memref<100000x1024xf32, #tpu.memory_space<hbm>>
    tpu.enqueue_indirect_dma source(%dma_start3A_401 : memref<100000x1024xf32, #tpu.memory_space<hbm>>) target(%arg12 : memref<16x1024xf32, #tpu.memory_space<vmem>>) offsets(%dma_start3A_398 : memref<16xi32, #tpu.memory_space<vmem>>) semaphore(%arg19 : memref<!tpu.dma_semaphore, #tpu.memory_space<semaphore_mem>>)
    %dma_wait3A_402 = arith.constant 224 : i32
    %dma_wait3A_403 = tpu.memref_slice %arg5[%dma_wait3A_402] : memref<512xi32, #tpu.memory_space<vmem>> -> memref<16xi32, #tpu.memory_space<vmem>>
    %dma_wait3A_404 = arith.constant 0 : i32
    %dma_wait3A_405 = arith.constant 0 : i32
    %dma_wait3A_406 = tpu.memref_slice %arg3[%dma_wait3A_404, %dma_wait3A_405] : memref<100000x1024xf32, #tpu.memory_space<hbm>> -> memref<100000x1024xf32, #tpu.memory_space<hbm>>
    tpu.wait_indirect_dma semaphore(%arg13 : memref<!tpu.dma_semaphore, #tpu.memory_space<semaphore_mem>>) src(%dma_wait3A_406 : memref<100000x1024xf32, #tpu.memory_space<hbm>>) dst(%arg6 : memref<16x1024xf32, #tpu.memory_space<vmem>>)
    %add3A_407 = arith.constant 224 : i32
    %add3A_408 = arith.addi %mul3A_32, %add3A_407 : i32
    %dma_start3A_409 = arith.constant 0 : i32
    %dma_start3A_410 = tpu.memref_slice %arg4[%select_n3A, %add3A_408, %dma_start3A_409] : memref<4x4096x1024xf32, #tpu.memory_space<hbm>> -> memref<1x16x1024xf32, #tpu.memory_space<hbm>>
    %dma_start3A_411 = tpu.memref_squeeze %dma_start3A_410 : memref<1x16x1024xf32, #tpu.memory_space<hbm>> -> memref<16x1024xf32, #tpu.memory_space<hbm>>
    %dma_start3A_412 = arith.constant 0 : i32
    %dma_start3A_413 = tpu.memref_slice %arg4[%select_n3A, %add3A_408, %dma_start3A_412] : memref<4x4096x1024xf32, #tpu.memory_space<hbm>> -> memref<1x16x1024xf32, #tpu.memory_space<hbm>>
    %dma_start3A_414 = tpu.memref_squeeze %dma_start3A_413 : memref<1x16x1024xf32, #tpu.memory_space<hbm>> -> memref<16x1024xf32, #tpu.memory_space<hbm>>
    tpu.enqueue_dma source(%arg6 : memref<16x1024xf32, #tpu.memory_space<vmem>>) target(%dma_start3A_414 : memref<16x1024xf32, #tpu.memory_space<hbm>>) target_semaphore(%arg20 : memref<!tpu.dma_semaphore, #tpu.memory_space<semaphore_mem>>)
    %dma_wait3A_415 = arith.constant 0 : i32
    %dma_wait3A_416 = tpu.memref_slice %arg4[%select_n3A, %add3A_408, %dma_wait3A_415] : memref<4x4096x1024xf32, #tpu.memory_space<hbm>> -> memref<1x16x1024xf32, #tpu.memory_space<hbm>>
    %dma_wait3A_417 = tpu.memref_squeeze %dma_wait3A_416 : memref<1x16x1024xf32, #tpu.memory_space<hbm>> -> memref<16x1024xf32, #tpu.memory_space<hbm>>
    %dma_wait3A_418 = arith.constant 0 : i32
    %dma_wait3A_419 = tpu.memref_slice %arg4[%select_n3A, %add3A_408, %dma_wait3A_418] : memref<4x4096x1024xf32, #tpu.memory_space<hbm>> -> memref<1x16x1024xf32, #tpu.memory_space<hbm>>
    %dma_wait3A_420 = tpu.memref_squeeze %dma_wait3A_419 : memref<1x16x1024xf32, #tpu.memory_space<hbm>> -> memref<16x1024xf32, #tpu.memory_space<hbm>>
    tpu.wait_dma2 semaphore(%arg20 : memref<!tpu.dma_semaphore, #tpu.memory_space<semaphore_mem>>) src(%arg6 : memref<16x1024xf32, #tpu.memory_space<vmem>>) dst(%dma_wait3A_420 : memref<16x1024xf32, #tpu.memory_space<hbm>>)
    %dma_start3A_421 = arith.constant 336 : i32
    %dma_start3A_422 = tpu.memref_slice %arg5[%dma_start3A_421] : memref<512xi32, #tpu.memory_space<vmem>> -> memref<16xi32, #tpu.memory_space<vmem>>
    %dma_start3A_423 = arith.constant 0 : i32
    %dma_start3A_424 = arith.constant 0 : i32
    %dma_start3A_425 = tpu.memref_slice %arg3[%dma_start3A_423, %dma_start3A_424] : memref<100000x1024xf32, #tpu.memory_space<hbm>> -> memref<100000x1024xf32, #tpu.memory_space<hbm>>
    tpu.enqueue_indirect_dma source(%dma_start3A_425 : memref<100000x1024xf32, #tpu.memory_space<hbm>>) target(%arg6 : memref<16x1024xf32, #tpu.memory_space<vmem>>) offsets(%dma_start3A_422 : memref<16xi32, #tpu.memory_space<vmem>>) semaphore(%arg13 : memref<!tpu.dma_semaphore, #tpu.memory_space<semaphore_mem>>)
    %dma_wait3A_426 = arith.constant 240 : i32
    %dma_wait3A_427 = tpu.memref_slice %arg5[%dma_wait3A_426] : memref<512xi32, #tpu.memory_space<vmem>> -> memref<16xi32, #tpu.memory_space<vmem>>
    %dma_wait3A_428 = arith.constant 0 : i32
    %dma_wait3A_429 = arith.constant 0 : i32
    %dma_wait3A_430 = tpu.memref_slice %arg3[%dma_wait3A_428, %dma_wait3A_429] : memref<100000x1024xf32, #tpu.memory_space<hbm>> -> memref<100000x1024xf32, #tpu.memory_space<hbm>>
    tpu.wait_indirect_dma semaphore(%arg14 : memref<!tpu.dma_semaphore, #tpu.memory_space<semaphore_mem>>) src(%dma_wait3A_430 : memref<100000x1024xf32, #tpu.memory_space<hbm>>) dst(%arg7 : memref<16x1024xf32, #tpu.memory_space<vmem>>)
    %add3A_431 = arith.constant 240 : i32
    %add3A_432 = arith.addi %mul3A_32, %add3A_431 : i32
    %dma_start3A_433 = arith.constant 0 : i32
    %dma_start3A_434 = tpu.memref_slice %arg4[%select_n3A, %add3A_432, %dma_start3A_433] : memref<4x4096x1024xf32, #tpu.memory_space<hbm>> -> memref<1x16x1024xf32, #tpu.memory_space<hbm>>
    %dma_start3A_435 = tpu.memref_squeeze %dma_start3A_434 : memref<1x16x1024xf32, #tpu.memory_space<hbm>> -> memref<16x1024xf32, #tpu.memory_space<hbm>>
    %dma_start3A_436 = arith.constant 0 : i32
    %dma_start3A_437 = tpu.memref_slice %arg4[%select_n3A, %add3A_432, %dma_start3A_436] : memref<4x4096x1024xf32, #tpu.memory_space<hbm>> -> memref<1x16x1024xf32, #tpu.memory_space<hbm>>
    %dma_start3A_438 = tpu.memref_squeeze %dma_start3A_437 : memref<1x16x1024xf32, #tpu.memory_space<hbm>> -> memref<16x1024xf32, #tpu.memory_space<hbm>>
    tpu.enqueue_dma source(%arg7 : memref<16x1024xf32, #tpu.memory_space<vmem>>) target(%dma_start3A_438 : memref<16x1024xf32, #tpu.memory_space<hbm>>) target_semaphore(%arg21 : memref<!tpu.dma_semaphore, #tpu.memory_space<semaphore_mem>>)
    %dma_wait3A_439 = arith.constant 0 : i32
    %dma_wait3A_440 = tpu.memref_slice %arg4[%select_n3A, %add3A_432, %dma_wait3A_439] : memref<4x4096x1024xf32, #tpu.memory_space<hbm>> -> memref<1x16x1024xf32, #tpu.memory_space<hbm>>
    %dma_wait3A_441 = tpu.memref_squeeze %dma_wait3A_440 : memref<1x16x1024xf32, #tpu.memory_space<hbm>> -> memref<16x1024xf32, #tpu.memory_space<hbm>>
    %dma_wait3A_442 = arith.constant 0 : i32
    %dma_wait3A_443 = tpu.memref_slice %arg4[%select_n3A, %add3A_432, %dma_wait3A_442] : memref<4x4096x1024xf32, #tpu.memory_space<hbm>> -> memref<1x16x1024xf32, #tpu.memory_space<hbm>>
    %dma_wait3A_444 = tpu.memref_squeeze %dma_wait3A_443 : memref<1x16x1024xf32, #tpu.memory_space<hbm>> -> memref<16x1024xf32, #tpu.memory_space<hbm>>
    tpu.wait_dma2 semaphore(%arg21 : memref<!tpu.dma_semaphore, #tpu.memory_space<semaphore_mem>>) src(%arg7 : memref<16x1024xf32, #tpu.memory_space<vmem>>) dst(%dma_wait3A_444 : memref<16x1024xf32, #tpu.memory_space<hbm>>)
    %dma_start3A_445 = arith.constant 352 : i32
    %dma_start3A_446 = tpu.memref_slice %arg5[%dma_start3A_445] : memref<512xi32, #tpu.memory_space<vmem>> -> memref<16xi32, #tpu.memory_space<vmem>>
    %dma_start3A_447 = arith.constant 0 : i32
    %dma_start3A_448 = arith.constant 0 : i32
    %dma_start3A_449 = tpu.memref_slice %arg3[%dma_start3A_447, %dma_start3A_448] : memref<100000x1024xf32, #tpu.memory_space<hbm>> -> memref<100000x1024xf32, #tpu.memory_space<hbm>>
    tpu.enqueue_indirect_dma source(%dma_start3A_449 : memref<100000x1024xf32, #tpu.memory_space<hbm>>) target(%arg7 : memref<16x1024xf32, #tpu.memory_space<vmem>>) offsets(%dma_start3A_446 : memref<16xi32, #tpu.memory_space<vmem>>) semaphore(%arg14 : memref<!tpu.dma_semaphore, #tpu.memory_space<semaphore_mem>>)
    %dma_wait3A_450 = arith.constant 256 : i32
    %dma_wait3A_451 = tpu.memref_slice %arg5[%dma_wait3A_450] : memref<512xi32, #tpu.memory_space<vmem>> -> memref<16xi32, #tpu.memory_space<vmem>>
    %dma_wait3A_452 = arith.constant 0 : i32
    %dma_wait3A_453 = arith.constant 0 : i32
    %dma_wait3A_454 = tpu.memref_slice %arg3[%dma_wait3A_452, %dma_wait3A_453] : memref<100000x1024xf32, #tpu.memory_space<hbm>> -> memref<100000x1024xf32, #tpu.memory_space<hbm>>
    tpu.wait_indirect_dma semaphore(%arg15 : memref<!tpu.dma_semaphore, #tpu.memory_space<semaphore_mem>>) src(%dma_wait3A_454 : memref<100000x1024xf32, #tpu.memory_space<hbm>>) dst(%arg8 : memref<16x1024xf32, #tpu.memory_space<vmem>>)
    %add3A_455 = arith.constant 256 : i32
    %add3A_456 = arith.addi %mul3A_32, %add3A_455 : i32
    %dma_start3A_457 = arith.constant 0 : i32
    %dma_start3A_458 = tpu.memref_slice %arg4[%select_n3A, %add3A_456, %dma_start3A_457] : memref<4x4096x1024xf32, #tpu.memory_space<hbm>> -> memref<1x16x1024xf32, #tpu.memory_space<hbm>>
    %dma_start3A_459 = tpu.memref_squeeze %dma_start3A_458 : memref<1x16x1024xf32, #tpu.memory_space<hbm>> -> memref<16x1024xf32, #tpu.memory_space<hbm>>
    %dma_start3A_460 = arith.constant 0 : i32
    %dma_start3A_461 = tpu.memref_slice %arg4[%select_n3A, %add3A_456, %dma_start3A_460] : memref<4x4096x1024xf32, #tpu.memory_space<hbm>> -> memref<1x16x1024xf32, #tpu.memory_space<hbm>>
    %dma_start3A_462 = tpu.memref_squeeze %dma_start3A_461 : memref<1x16x1024xf32, #tpu.memory_space<hbm>> -> memref<16x1024xf32, #tpu.memory_space<hbm>>
    tpu.enqueue_dma source(%arg8 : memref<16x1024xf32, #tpu.memory_space<vmem>>) target(%dma_start3A_462 : memref<16x1024xf32, #tpu.memory_space<hbm>>) target_semaphore(%arg22 : memref<!tpu.dma_semaphore, #tpu.memory_space<semaphore_mem>>)
    %dma_wait3A_463 = arith.constant 0 : i32
    %dma_wait3A_464 = tpu.memref_slice %arg4[%select_n3A, %add3A_456, %dma_wait3A_463] : memref<4x4096x1024xf32, #tpu.memory_space<hbm>> -> memref<1x16x1024xf32, #tpu.memory_space<hbm>>
    %dma_wait3A_465 = tpu.memref_squeeze %dma_wait3A_464 : memref<1x16x1024xf32, #tpu.memory_space<hbm>> -> memref<16x1024xf32, #tpu.memory_space<hbm>>
    %dma_wait3A_466 = arith.constant 0 : i32
    %dma_wait3A_467 = tpu.memref_slice %arg4[%select_n3A, %add3A_456, %dma_wait3A_466] : memref<4x4096x1024xf32, #tpu.memory_space<hbm>> -> memref<1x16x1024xf32, #tpu.memory_space<hbm>>
    %dma_wait3A_468 = tpu.memref_squeeze %dma_wait3A_467 : memref<1x16x1024xf32, #tpu.memory_space<hbm>> -> memref<16x1024xf32, #tpu.memory_space<hbm>>
    tpu.wait_dma2 semaphore(%arg22 : memref<!tpu.dma_semaphore, #tpu.memory_space<semaphore_mem>>) src(%arg8 : memref<16x1024xf32, #tpu.memory_space<vmem>>) dst(%dma_wait3A_468 : memref<16x1024xf32, #tpu.memory_space<hbm>>)
    %dma_start3A_469 = arith.constant 368 : i32
    %dma_start3A_470 = tpu.memref_slice %arg5[%dma_start3A_469] : memref<512xi32, #tpu.memory_space<vmem>> -> memref<16xi32, #tpu.memory_space<vmem>>
    %dma_start3A_471 = arith.constant 0 : i32
    %dma_start3A_472 = arith.constant 0 : i32
    %dma_start3A_473 = tpu.memref_slice %arg3[%dma_start3A_471, %dma_start3A_472] : memref<100000x1024xf32, #tpu.memory_space<hbm>> -> memref<100000x1024xf32, #tpu.memory_space<hbm>>
    tpu.enqueue_indirect_dma source(%dma_start3A_473 : memref<100000x1024xf32, #tpu.memory_space<hbm>>) target(%arg8 : memref<16x1024xf32, #tpu.memory_space<vmem>>) offsets(%dma_start3A_470 : memref<16xi32, #tpu.memory_space<vmem>>) semaphore(%arg15 : memref<!tpu.dma_semaphore, #tpu.memory_space<semaphore_mem>>)
    %dma_wait3A_474 = arith.constant 272 : i32
    %dma_wait3A_475 = tpu.memref_slice %arg5[%dma_wait3A_474] : memref<512xi32, #tpu.memory_space<vmem>> -> memref<16xi32, #tpu.memory_space<vmem>>
    %dma_wait3A_476 = arith.constant 0 : i32
    %dma_wait3A_477 = arith.constant 0 : i32
    %dma_wait3A_478 = tpu.memref_slice %arg3[%dma_wait3A_476, %dma_wait3A_477] : memref<100000x1024xf32, #tpu.memory_space<hbm>> -> memref<100000x1024xf32, #tpu.memory_space<hbm>>
    tpu.wait_indirect_dma semaphore(%arg16 : memref<!tpu.dma_semaphore, #tpu.memory_space<semaphore_mem>>) src(%dma_wait3A_478 : memref<100000x1024xf32, #tpu.memory_space<hbm>>) dst(%arg9 : memref<16x1024xf32, #tpu.memory_space<vmem>>)
    %add3A_479 = arith.constant 272 : i32
    %add3A_480 = arith.addi %mul3A_32, %add3A_479 : i32
    %dma_start3A_481 = arith.constant 0 : i32
    %dma_start3A_482 = tpu.memref_slice %arg4[%select_n3A, %add3A_480, %dma_start3A_481] : memref<4x4096x1024xf32, #tpu.memory_space<hbm>> -> memref<1x16x1024xf32, #tpu.memory_space<hbm>>
    %dma_start3A_483 = tpu.memref_squeeze %dma_start3A_482 : memref<1x16x1024xf32, #tpu.memory_space<hbm>> -> memref<16x1024xf32, #tpu.memory_space<hbm>>
    %dma_start3A_484 = arith.constant 0 : i32
    %dma_start3A_485 = tpu.memref_slice %arg4[%select_n3A, %add3A_480, %dma_start3A_484] : memref<4x4096x1024xf32, #tpu.memory_space<hbm>> -> memref<1x16x1024xf32, #tpu.memory_space<hbm>>
    %dma_start3A_486 = tpu.memref_squeeze %dma_start3A_485 : memref<1x16x1024xf32, #tpu.memory_space<hbm>> -> memref<16x1024xf32, #tpu.memory_space<hbm>>
    tpu.enqueue_dma source(%arg9 : memref<16x1024xf32, #tpu.memory_space<vmem>>) target(%dma_start3A_486 : memref<16x1024xf32, #tpu.memory_space<hbm>>) target_semaphore(%arg23 : memref<!tpu.dma_semaphore, #tpu.memory_space<semaphore_mem>>)
    %dma_wait3A_487 = arith.constant 0 : i32
    %dma_wait3A_488 = tpu.memref_slice %arg4[%select_n3A, %add3A_480, %dma_wait3A_487] : memref<4x4096x1024xf32, #tpu.memory_space<hbm>> -> memref<1x16x1024xf32, #tpu.memory_space<hbm>>
    %dma_wait3A_489 = tpu.memref_squeeze %dma_wait3A_488 : memref<1x16x1024xf32, #tpu.memory_space<hbm>> -> memref<16x1024xf32, #tpu.memory_space<hbm>>
    %dma_wait3A_490 = arith.constant 0 : i32
    %dma_wait3A_491 = tpu.memref_slice %arg4[%select_n3A, %add3A_480, %dma_wait3A_490] : memref<4x4096x1024xf32, #tpu.memory_space<hbm>> -> memref<1x16x1024xf32, #tpu.memory_space<hbm>>
    %dma_wait3A_492 = tpu.memref_squeeze %dma_wait3A_491 : memref<1x16x1024xf32, #tpu.memory_space<hbm>> -> memref<16x1024xf32, #tpu.memory_space<hbm>>
    tpu.wait_dma2 semaphore(%arg23 : memref<!tpu.dma_semaphore, #tpu.memory_space<semaphore_mem>>) src(%arg9 : memref<16x1024xf32, #tpu.memory_space<vmem>>) dst(%dma_wait3A_492 : memref<16x1024xf32, #tpu.memory_space<hbm>>)
    %dma_start3A_493 = arith.constant 384 : i32
    %dma_start3A_494 = tpu.memref_slice %arg5[%dma_start3A_493] : memref<512xi32, #tpu.memory_space<vmem>> -> memref<16xi32, #tpu.memory_space<vmem>>
    %dma_start3A_495 = arith.constant 0 : i32
    %dma_start3A_496 = arith.constant 0 : i32
    %dma_start3A_497 = tpu.memref_slice %arg3[%dma_start3A_495, %dma_start3A_496] : memref<100000x1024xf32, #tpu.memory_space<hbm>> -> memref<100000x1024xf32, #tpu.memory_space<hbm>>
    tpu.enqueue_indirect_dma source(%dma_start3A_497 : memref<100000x1024xf32, #tpu.memory_space<hbm>>) target(%arg9 : memref<16x1024xf32, #tpu.memory_space<vmem>>) offsets(%dma_start3A_494 : memref<16xi32, #tpu.memory_space<vmem>>) semaphore(%arg16 : memref<!tpu.dma_semaphore, #tpu.memory_space<semaphore_mem>>)
    %dma_wait3A_498 = arith.constant 288 : i32
    %dma_wait3A_499 = tpu.memref_slice %arg5[%dma_wait3A_498] : memref<512xi32, #tpu.memory_space<vmem>> -> memref<16xi32, #tpu.memory_space<vmem>>
    %dma_wait3A_500 = arith.constant 0 : i32
    %dma_wait3A_501 = arith.constant 0 : i32
    %dma_wait3A_502 = tpu.memref_slice %arg3[%dma_wait3A_500, %dma_wait3A_501] : memref<100000x1024xf32, #tpu.memory_space<hbm>> -> memref<100000x1024xf32, #tpu.memory_space<hbm>>
    tpu.wait_indirect_dma semaphore(%arg17 : memref<!tpu.dma_semaphore, #tpu.memory_space<semaphore_mem>>) src(%dma_wait3A_502 : memref<100000x1024xf32, #tpu.memory_space<hbm>>) dst(%arg10 : memref<16x1024xf32, #tpu.memory_space<vmem>>)
    %add3A_503 = arith.constant 288 : i32
    %add3A_504 = arith.addi %mul3A_32, %add3A_503 : i32
    %dma_start3A_505 = arith.constant 0 : i32
    %dma_start3A_506 = tpu.memref_slice %arg4[%select_n3A, %add3A_504, %dma_start3A_505] : memref<4x4096x1024xf32, #tpu.memory_space<hbm>> -> memref<1x16x1024xf32, #tpu.memory_space<hbm>>
    %dma_start3A_507 = tpu.memref_squeeze %dma_start3A_506 : memref<1x16x1024xf32, #tpu.memory_space<hbm>> -> memref<16x1024xf32, #tpu.memory_space<hbm>>
    %dma_start3A_508 = arith.constant 0 : i32
    %dma_start3A_509 = tpu.memref_slice %arg4[%select_n3A, %add3A_504, %dma_start3A_508] : memref<4x4096x1024xf32, #tpu.memory_space<hbm>> -> memref<1x16x1024xf32, #tpu.memory_space<hbm>>
    %dma_start3A_510 = tpu.memref_squeeze %dma_start3A_509 : memref<1x16x1024xf32, #tpu.memory_space<hbm>> -> memref<16x1024xf32, #tpu.memory_space<hbm>>
    tpu.enqueue_dma source(%arg10 : memref<16x1024xf32, #tpu.memory_space<vmem>>) target(%dma_start3A_510 : memref<16x1024xf32, #tpu.memory_space<hbm>>) target_semaphore(%arg24 : memref<!tpu.dma_semaphore, #tpu.memory_space<semaphore_mem>>)
    %dma_wait3A_511 = arith.constant 0 : i32
    %dma_wait3A_512 = tpu.memref_slice %arg4[%select_n3A, %add3A_504, %dma_wait3A_511] : memref<4x4096x1024xf32, #tpu.memory_space<hbm>> -> memref<1x16x1024xf32, #tpu.memory_space<hbm>>
    %dma_wait3A_513 = tpu.memref_squeeze %dma_wait3A_512 : memref<1x16x1024xf32, #tpu.memory_space<hbm>> -> memref<16x1024xf32, #tpu.memory_space<hbm>>
    %dma_wait3A_514 = arith.constant 0 : i32
    %dma_wait3A_515 = tpu.memref_slice %arg4[%select_n3A, %add3A_504, %dma_wait3A_514] : memref<4x4096x1024xf32, #tpu.memory_space<hbm>> -> memref<1x16x1024xf32, #tpu.memory_space<hbm>>
    %dma_wait3A_516 = tpu.memref_squeeze %dma_wait3A_515 : memref<1x16x1024xf32, #tpu.memory_space<hbm>> -> memref<16x1024xf32, #tpu.memory_space<hbm>>
    tpu.wait_dma2 semaphore(%arg24 : memref<!tpu.dma_semaphore, #tpu.memory_space<semaphore_mem>>) src(%arg10 : memref<16x1024xf32, #tpu.memory_space<vmem>>) dst(%dma_wait3A_516 : memref<16x1024xf32, #tpu.memory_space<hbm>>)
    %dma_start3A_517 = arith.constant 400 : i32
    %dma_start3A_518 = tpu.memref_slice %arg5[%dma_start3A_517] : memref<512xi32, #tpu.memory_space<vmem>> -> memref<16xi32, #tpu.memory_space<vmem>>
    %dma_start3A_519 = arith.constant 0 : i32
    %dma_start3A_520 = arith.constant 0 : i32
    %dma_start3A_521 = tpu.memref_slice %arg3[%dma_start3A_519, %dma_start3A_520] : memref<100000x1024xf32, #tpu.memory_space<hbm>> -> memref<100000x1024xf32, #tpu.memory_space<hbm>>
    tpu.enqueue_indirect_dma source(%dma_start3A_521 : memref<100000x1024xf32, #tpu.memory_space<hbm>>) target(%arg10 : memref<16x1024xf32, #tpu.memory_space<vmem>>) offsets(%dma_start3A_518 : memref<16xi32, #tpu.memory_space<vmem>>) semaphore(%arg17 : memref<!tpu.dma_semaphore, #tpu.memory_space<semaphore_mem>>)
    %dma_wait3A_522 = arith.constant 304 : i32
    %dma_wait3A_523 = tpu.memref_slice %arg5[%dma_wait3A_522] : memref<512xi32, #tpu.memory_space<vmem>> -> memref<16xi32, #tpu.memory_space<vmem>>
    %dma_wait3A_524 = arith.constant 0 : i32
    %dma_wait3A_525 = arith.constant 0 : i32
    %dma_wait3A_526 = tpu.memref_slice %arg3[%dma_wait3A_524, %dma_wait3A_525] : memref<100000x1024xf32, #tpu.memory_space<hbm>> -> memref<100000x1024xf32, #tpu.memory_space<hbm>>
    tpu.wait_indirect_dma semaphore(%arg18 : memref<!tpu.dma_semaphore, #tpu.memory_space<semaphore_mem>>) src(%dma_wait3A_526 : memref<100000x1024xf32, #tpu.memory_space<hbm>>) dst(%arg11 : memref<16x1024xf32, #tpu.memory_space<vmem>>)
    %add3A_527 = arith.constant 304 : i32
    %add3A_528 = arith.addi %mul3A_32, %add3A_527 : i32
    %dma_start3A_529 = arith.constant 0 : i32
    %dma_start3A_530 = tpu.memref_slice %arg4[%select_n3A, %add3A_528, %dma_start3A_529] : memref<4x4096x1024xf32, #tpu.memory_space<hbm>> -> memref<1x16x1024xf32, #tpu.memory_space<hbm>>
    %dma_start3A_531 = tpu.memref_squeeze %dma_start3A_530 : memref<1x16x1024xf32, #tpu.memory_space<hbm>> -> memref<16x1024xf32, #tpu.memory_space<hbm>>
    %dma_start3A_532 = arith.constant 0 : i32
    %dma_start3A_533 = tpu.memref_slice %arg4[%select_n3A, %add3A_528, %dma_start3A_532] : memref<4x4096x1024xf32, #tpu.memory_space<hbm>> -> memref<1x16x1024xf32, #tpu.memory_space<hbm>>
    %dma_start3A_534 = tpu.memref_squeeze %dma_start3A_533 : memref<1x16x1024xf32, #tpu.memory_space<hbm>> -> memref<16x1024xf32, #tpu.memory_space<hbm>>
    tpu.enqueue_dma source(%arg11 : memref<16x1024xf32, #tpu.memory_space<vmem>>) target(%dma_start3A_534 : memref<16x1024xf32, #tpu.memory_space<hbm>>) target_semaphore(%arg25 : memref<!tpu.dma_semaphore, #tpu.memory_space<semaphore_mem>>)
    %dma_wait3A_535 = arith.constant 0 : i32
    %dma_wait3A_536 = tpu.memref_slice %arg4[%select_n3A, %add3A_528, %dma_wait3A_535] : memref<4x4096x1024xf32, #tpu.memory_space<hbm>> -> memref<1x16x1024xf32, #tpu.memory_space<hbm>>
    %dma_wait3A_537 = tpu.memref_squeeze %dma_wait3A_536 : memref<1x16x1024xf32, #tpu.memory_space<hbm>> -> memref<16x1024xf32, #tpu.memory_space<hbm>>
    %dma_wait3A_538 = arith.constant 0 : i32
    %dma_wait3A_539 = tpu.memref_slice %arg4[%select_n3A, %add3A_528, %dma_wait3A_538] : memref<4x4096x1024xf32, #tpu.memory_space<hbm>> -> memref<1x16x1024xf32, #tpu.memory_space<hbm>>
    %dma_wait3A_540 = tpu.memref_squeeze %dma_wait3A_539 : memref<1x16x1024xf32, #tpu.memory_space<hbm>> -> memref<16x1024xf32, #tpu.memory_space<hbm>>
    tpu.wait_dma2 semaphore(%arg25 : memref<!tpu.dma_semaphore, #tpu.memory_space<semaphore_mem>>) src(%arg11 : memref<16x1024xf32, #tpu.memory_space<vmem>>) dst(%dma_wait3A_540 : memref<16x1024xf32, #tpu.memory_space<hbm>>)
    %dma_start3A_541 = arith.constant 416 : i32
    %dma_start3A_542 = tpu.memref_slice %arg5[%dma_start3A_541] : memref<512xi32, #tpu.memory_space<vmem>> -> memref<16xi32, #tpu.memory_space<vmem>>
    %dma_start3A_543 = arith.constant 0 : i32
    %dma_start3A_544 = arith.constant 0 : i32
    %dma_start3A_545 = tpu.memref_slice %arg3[%dma_start3A_543, %dma_start3A_544] : memref<100000x1024xf32, #tpu.memory_space<hbm>> -> memref<100000x1024xf32, #tpu.memory_space<hbm>>
    tpu.enqueue_indirect_dma source(%dma_start3A_545 : memref<100000x1024xf32, #tpu.memory_space<hbm>>) target(%arg11 : memref<16x1024xf32, #tpu.memory_space<vmem>>) offsets(%dma_start3A_542 : memref<16xi32, #tpu.memory_space<vmem>>) semaphore(%arg18 : memref<!tpu.dma_semaphore, #tpu.memory_space<semaphore_mem>>)
    %dma_wait3A_546 = arith.constant 320 : i32
    %dma_wait3A_547 = tpu.memref_slice %arg5[%dma_wait3A_546] : memref<512xi32, #tpu.memory_space<vmem>> -> memref<16xi32, #tpu.memory_space<vmem>>
    %dma_wait3A_548 = arith.constant 0 : i32
    %dma_wait3A_549 = arith.constant 0 : i32
    %dma_wait3A_550 = tpu.memref_slice %arg3[%dma_wait3A_548, %dma_wait3A_549] : memref<100000x1024xf32, #tpu.memory_space<hbm>> -> memref<100000x1024xf32, #tpu.memory_space<hbm>>
    tpu.wait_indirect_dma semaphore(%arg19 : memref<!tpu.dma_semaphore, #tpu.memory_space<semaphore_mem>>) src(%dma_wait3A_550 : memref<100000x1024xf32, #tpu.memory_space<hbm>>) dst(%arg12 : memref<16x1024xf32, #tpu.memory_space<vmem>>)
    %add3A_551 = arith.constant 320 : i32
    %add3A_552 = arith.addi %mul3A_32, %add3A_551 : i32
    %dma_start3A_553 = arith.constant 0 : i32
    %dma_start3A_554 = tpu.memref_slice %arg4[%select_n3A, %add3A_552, %dma_start3A_553] : memref<4x4096x1024xf32, #tpu.memory_space<hbm>> -> memref<1x16x1024xf32, #tpu.memory_space<hbm>>
    %dma_start3A_555 = tpu.memref_squeeze %dma_start3A_554 : memref<1x16x1024xf32, #tpu.memory_space<hbm>> -> memref<16x1024xf32, #tpu.memory_space<hbm>>
    %dma_start3A_556 = arith.constant 0 : i32
    %dma_start3A_557 = tpu.memref_slice %arg4[%select_n3A, %add3A_552, %dma_start3A_556] : memref<4x4096x1024xf32, #tpu.memory_space<hbm>> -> memref<1x16x1024xf32, #tpu.memory_space<hbm>>
    %dma_start3A_558 = tpu.memref_squeeze %dma_start3A_557 : memref<1x16x1024xf32, #tpu.memory_space<hbm>> -> memref<16x1024xf32, #tpu.memory_space<hbm>>
    tpu.enqueue_dma source(%arg12 : memref<16x1024xf32, #tpu.memory_space<vmem>>) target(%dma_start3A_558 : memref<16x1024xf32, #tpu.memory_space<hbm>>) target_semaphore(%arg26 : memref<!tpu.dma_semaphore, #tpu.memory_space<semaphore_mem>>)
    %dma_wait3A_559 = arith.constant 0 : i32
    %dma_wait3A_560 = tpu.memref_slice %arg4[%select_n3A, %add3A_552, %dma_wait3A_559] : memref<4x4096x1024xf32, #tpu.memory_space<hbm>> -> memref<1x16x1024xf32, #tpu.memory_space<hbm>>
    %dma_wait3A_561 = tpu.memref_squeeze %dma_wait3A_560 : memref<1x16x1024xf32, #tpu.memory_space<hbm>> -> memref<16x1024xf32, #tpu.memory_space<hbm>>
    %dma_wait3A_562 = arith.constant 0 : i32
    %dma_wait3A_563 = tpu.memref_slice %arg4[%select_n3A, %add3A_552, %dma_wait3A_562] : memref<4x4096x1024xf32, #tpu.memory_space<hbm>> -> memref<1x16x1024xf32, #tpu.memory_space<hbm>>
    %dma_wait3A_564 = tpu.memref_squeeze %dma_wait3A_563 : memref<1x16x1024xf32, #tpu.memory_space<hbm>> -> memref<16x1024xf32, #tpu.memory_space<hbm>>
    tpu.wait_dma2 semaphore(%arg26 : memref<!tpu.dma_semaphore, #tpu.memory_space<semaphore_mem>>) src(%arg12 : memref<16x1024xf32, #tpu.memory_space<vmem>>) dst(%dma_wait3A_564 : memref<16x1024xf32, #tpu.memory_space<hbm>>)
    %dma_start3A_565 = arith.constant 432 : i32
    %dma_start3A_566 = tpu.memref_slice %arg5[%dma_start3A_565] : memref<512xi32, #tpu.memory_space<vmem>> -> memref<16xi32, #tpu.memory_space<vmem>>
    %dma_start3A_567 = arith.constant 0 : i32
    %dma_start3A_568 = arith.constant 0 : i32
    %dma_start3A_569 = tpu.memref_slice %arg3[%dma_start3A_567, %dma_start3A_568] : memref<100000x1024xf32, #tpu.memory_space<hbm>> -> memref<100000x1024xf32, #tpu.memory_space<hbm>>
    tpu.enqueue_indirect_dma source(%dma_start3A_569 : memref<100000x1024xf32, #tpu.memory_space<hbm>>) target(%arg12 : memref<16x1024xf32, #tpu.memory_space<vmem>>) offsets(%dma_start3A_566 : memref<16xi32, #tpu.memory_space<vmem>>) semaphore(%arg19 : memref<!tpu.dma_semaphore, #tpu.memory_space<semaphore_mem>>)
    %dma_wait3A_570 = arith.constant 336 : i32
    %dma_wait3A_571 = tpu.memref_slice %arg5[%dma_wait3A_570] : memref<512xi32, #tpu.memory_space<vmem>> -> memref<16xi32, #tpu.memory_space<vmem>>
    %dma_wait3A_572 = arith.constant 0 : i32
    %dma_wait3A_573 = arith.constant 0 : i32
    %dma_wait3A_574 = tpu.memref_slice %arg3[%dma_wait3A_572, %dma_wait3A_573] : memref<100000x1024xf32, #tpu.memory_space<hbm>> -> memref<100000x1024xf32, #tpu.memory_space<hbm>>
    tpu.wait_indirect_dma semaphore(%arg13 : memref<!tpu.dma_semaphore, #tpu.memory_space<semaphore_mem>>) src(%dma_wait3A_574 : memref<100000x1024xf32, #tpu.memory_space<hbm>>) dst(%arg6 : memref<16x1024xf32, #tpu.memory_space<vmem>>)
    %add3A_575 = arith.constant 336 : i32
    %add3A_576 = arith.addi %mul3A_32, %add3A_575 : i32
    %dma_start3A_577 = arith.constant 0 : i32
    %dma_start3A_578 = tpu.memref_slice %arg4[%select_n3A, %add3A_576, %dma_start3A_577] : memref<4x4096x1024xf32, #tpu.memory_space<hbm>> -> memref<1x16x1024xf32, #tpu.memory_space<hbm>>
    %dma_start3A_579 = tpu.memref_squeeze %dma_start3A_578 : memref<1x16x1024xf32, #tpu.memory_space<hbm>> -> memref<16x1024xf32, #tpu.memory_space<hbm>>
    %dma_start3A_580 = arith.constant 0 : i32
    %dma_start3A_581 = tpu.memref_slice %arg4[%select_n3A, %add3A_576, %dma_start3A_580] : memref<4x4096x1024xf32, #tpu.memory_space<hbm>> -> memref<1x16x1024xf32, #tpu.memory_space<hbm>>
    %dma_start3A_582 = tpu.memref_squeeze %dma_start3A_581 : memref<1x16x1024xf32, #tpu.memory_space<hbm>> -> memref<16x1024xf32, #tpu.memory_space<hbm>>
    tpu.enqueue_dma source(%arg6 : memref<16x1024xf32, #tpu.memory_space<vmem>>) target(%dma_start3A_582 : memref<16x1024xf32, #tpu.memory_space<hbm>>) target_semaphore(%arg20 : memref<!tpu.dma_semaphore, #tpu.memory_space<semaphore_mem>>)
    %dma_wait3A_583 = arith.constant 0 : i32
    %dma_wait3A_584 = tpu.memref_slice %arg4[%select_n3A, %add3A_576, %dma_wait3A_583] : memref<4x4096x1024xf32, #tpu.memory_space<hbm>> -> memref<1x16x1024xf32, #tpu.memory_space<hbm>>
    %dma_wait3A_585 = tpu.memref_squeeze %dma_wait3A_584 : memref<1x16x1024xf32, #tpu.memory_space<hbm>> -> memref<16x1024xf32, #tpu.memory_space<hbm>>
    %dma_wait3A_586 = arith.constant 0 : i32
    %dma_wait3A_587 = tpu.memref_slice %arg4[%select_n3A, %add3A_576, %dma_wait3A_586] : memref<4x4096x1024xf32, #tpu.memory_space<hbm>> -> memref<1x16x1024xf32, #tpu.memory_space<hbm>>
    %dma_wait3A_588 = tpu.memref_squeeze %dma_wait3A_587 : memref<1x16x1024xf32, #tpu.memory_space<hbm>> -> memref<16x1024xf32, #tpu.memory_space<hbm>>
    tpu.wait_dma2 semaphore(%arg20 : memref<!tpu.dma_semaphore, #tpu.memory_space<semaphore_mem>>) src(%arg6 : memref<16x1024xf32, #tpu.memory_space<vmem>>) dst(%dma_wait3A_588 : memref<16x1024xf32, #tpu.memory_space<hbm>>)
    %dma_start3A_589 = arith.constant 448 : i32
    %dma_start3A_590 = tpu.memref_slice %arg5[%dma_start3A_589] : memref<512xi32, #tpu.memory_space<vmem>> -> memref<16xi32, #tpu.memory_space<vmem>>
    %dma_start3A_591 = arith.constant 0 : i32
    %dma_start3A_592 = arith.constant 0 : i32
    %dma_start3A_593 = tpu.memref_slice %arg3[%dma_start3A_591, %dma_start3A_592] : memref<100000x1024xf32, #tpu.memory_space<hbm>> -> memref<100000x1024xf32, #tpu.memory_space<hbm>>
    tpu.enqueue_indirect_dma source(%dma_start3A_593 : memref<100000x1024xf32, #tpu.memory_space<hbm>>) target(%arg6 : memref<16x1024xf32, #tpu.memory_space<vmem>>) offsets(%dma_start3A_590 : memref<16xi32, #tpu.memory_space<vmem>>) semaphore(%arg13 : memref<!tpu.dma_semaphore, #tpu.memory_space<semaphore_mem>>)
    %dma_wait3A_594 = arith.constant 352 : i32
    %dma_wait3A_595 = tpu.memref_slice %arg5[%dma_wait3A_594] : memref<512xi32, #tpu.memory_space<vmem>> -> memref<16xi32, #tpu.memory_space<vmem>>
    %dma_wait3A_596 = arith.constant 0 : i32
    %dma_wait3A_597 = arith.constant 0 : i32
    %dma_wait3A_598 = tpu.memref_slice %arg3[%dma_wait3A_596, %dma_wait3A_597] : memref<100000x1024xf32, #tpu.memory_space<hbm>> -> memref<100000x1024xf32, #tpu.memory_space<hbm>>
    tpu.wait_indirect_dma semaphore(%arg14 : memref<!tpu.dma_semaphore, #tpu.memory_space<semaphore_mem>>) src(%dma_wait3A_598 : memref<100000x1024xf32, #tpu.memory_space<hbm>>) dst(%arg7 : memref<16x1024xf32, #tpu.memory_space<vmem>>)
    %add3A_599 = arith.constant 352 : i32
    %add3A_600 = arith.addi %mul3A_32, %add3A_599 : i32
    %dma_start3A_601 = arith.constant 0 : i32
    %dma_start3A_602 = tpu.memref_slice %arg4[%select_n3A, %add3A_600, %dma_start3A_601] : memref<4x4096x1024xf32, #tpu.memory_space<hbm>> -> memref<1x16x1024xf32, #tpu.memory_space<hbm>>
    %dma_start3A_603 = tpu.memref_squeeze %dma_start3A_602 : memref<1x16x1024xf32, #tpu.memory_space<hbm>> -> memref<16x1024xf32, #tpu.memory_space<hbm>>
    %dma_start3A_604 = arith.constant 0 : i32
    %dma_start3A_605 = tpu.memref_slice %arg4[%select_n3A, %add3A_600, %dma_start3A_604] : memref<4x4096x1024xf32, #tpu.memory_space<hbm>> -> memref<1x16x1024xf32, #tpu.memory_space<hbm>>
    %dma_start3A_606 = tpu.memref_squeeze %dma_start3A_605 : memref<1x16x1024xf32, #tpu.memory_space<hbm>> -> memref<16x1024xf32, #tpu.memory_space<hbm>>
    tpu.enqueue_dma source(%arg7 : memref<16x1024xf32, #tpu.memory_space<vmem>>) target(%dma_start3A_606 : memref<16x1024xf32, #tpu.memory_space<hbm>>) target_semaphore(%arg21 : memref<!tpu.dma_semaphore, #tpu.memory_space<semaphore_mem>>)
    %dma_wait3A_607 = arith.constant 0 : i32
    %dma_wait3A_608 = tpu.memref_slice %arg4[%select_n3A, %add3A_600, %dma_wait3A_607] : memref<4x4096x1024xf32, #tpu.memory_space<hbm>> -> memref<1x16x1024xf32, #tpu.memory_space<hbm>>
    %dma_wait3A_609 = tpu.memref_squeeze %dma_wait3A_608 : memref<1x16x1024xf32, #tpu.memory_space<hbm>> -> memref<16x1024xf32, #tpu.memory_space<hbm>>
    %dma_wait3A_610 = arith.constant 0 : i32
    %dma_wait3A_611 = tpu.memref_slice %arg4[%select_n3A, %add3A_600, %dma_wait3A_610] : memref<4x4096x1024xf32, #tpu.memory_space<hbm>> -> memref<1x16x1024xf32, #tpu.memory_space<hbm>>
    %dma_wait3A_612 = tpu.memref_squeeze %dma_wait3A_611 : memref<1x16x1024xf32, #tpu.memory_space<hbm>> -> memref<16x1024xf32, #tpu.memory_space<hbm>>
    tpu.wait_dma2 semaphore(%arg21 : memref<!tpu.dma_semaphore, #tpu.memory_space<semaphore_mem>>) src(%arg7 : memref<16x1024xf32, #tpu.memory_space<vmem>>) dst(%dma_wait3A_612 : memref<16x1024xf32, #tpu.memory_space<hbm>>)
    %dma_start3A_613 = arith.constant 464 : i32
    %dma_start3A_614 = tpu.memref_slice %arg5[%dma_start3A_613] : memref<512xi32, #tpu.memory_space<vmem>> -> memref<16xi32, #tpu.memory_space<vmem>>
    %dma_start3A_615 = arith.constant 0 : i32
    %dma_start3A_616 = arith.constant 0 : i32
    %dma_start3A_617 = tpu.memref_slice %arg3[%dma_start3A_615, %dma_start3A_616] : memref<100000x1024xf32, #tpu.memory_space<hbm>> -> memref<100000x1024xf32, #tpu.memory_space<hbm>>
    tpu.enqueue_indirect_dma source(%dma_start3A_617 : memref<100000x1024xf32, #tpu.memory_space<hbm>>) target(%arg7 : memref<16x1024xf32, #tpu.memory_space<vmem>>) offsets(%dma_start3A_614 : memref<16xi32, #tpu.memory_space<vmem>>) semaphore(%arg14 : memref<!tpu.dma_semaphore, #tpu.memory_space<semaphore_mem>>)
    %dma_wait3A_618 = arith.constant 368 : i32
    %dma_wait3A_619 = tpu.memref_slice %arg5[%dma_wait3A_618] : memref<512xi32, #tpu.memory_space<vmem>> -> memref<16xi32, #tpu.memory_space<vmem>>
    %dma_wait3A_620 = arith.constant 0 : i32
    %dma_wait3A_621 = arith.constant 0 : i32
    %dma_wait3A_622 = tpu.memref_slice %arg3[%dma_wait3A_620, %dma_wait3A_621] : memref<100000x1024xf32, #tpu.memory_space<hbm>> -> memref<100000x1024xf32, #tpu.memory_space<hbm>>
    tpu.wait_indirect_dma semaphore(%arg15 : memref<!tpu.dma_semaphore, #tpu.memory_space<semaphore_mem>>) src(%dma_wait3A_622 : memref<100000x1024xf32, #tpu.memory_space<hbm>>) dst(%arg8 : memref<16x1024xf32, #tpu.memory_space<vmem>>)
    %add3A_623 = arith.constant 368 : i32
    %add3A_624 = arith.addi %mul3A_32, %add3A_623 : i32
    %dma_start3A_625 = arith.constant 0 : i32
    %dma_start3A_626 = tpu.memref_slice %arg4[%select_n3A, %add3A_624, %dma_start3A_625] : memref<4x4096x1024xf32, #tpu.memory_space<hbm>> -> memref<1x16x1024xf32, #tpu.memory_space<hbm>>
    %dma_start3A_627 = tpu.memref_squeeze %dma_start3A_626 : memref<1x16x1024xf32, #tpu.memory_space<hbm>> -> memref<16x1024xf32, #tpu.memory_space<hbm>>
    %dma_start3A_628 = arith.constant 0 : i32
    %dma_start3A_629 = tpu.memref_slice %arg4[%select_n3A, %add3A_624, %dma_start3A_628] : memref<4x4096x1024xf32, #tpu.memory_space<hbm>> -> memref<1x16x1024xf32, #tpu.memory_space<hbm>>
    %dma_start3A_630 = tpu.memref_squeeze %dma_start3A_629 : memref<1x16x1024xf32, #tpu.memory_space<hbm>> -> memref<16x1024xf32, #tpu.memory_space<hbm>>
    tpu.enqueue_dma source(%arg8 : memref<16x1024xf32, #tpu.memory_space<vmem>>) target(%dma_start3A_630 : memref<16x1024xf32, #tpu.memory_space<hbm>>) target_semaphore(%arg22 : memref<!tpu.dma_semaphore, #tpu.memory_space<semaphore_mem>>)
    %dma_wait3A_631 = arith.constant 0 : i32
    %dma_wait3A_632 = tpu.memref_slice %arg4[%select_n3A, %add3A_624, %dma_wait3A_631] : memref<4x4096x1024xf32, #tpu.memory_space<hbm>> -> memref<1x16x1024xf32, #tpu.memory_space<hbm>>
    %dma_wait3A_633 = tpu.memref_squeeze %dma_wait3A_632 : memref<1x16x1024xf32, #tpu.memory_space<hbm>> -> memref<16x1024xf32, #tpu.memory_space<hbm>>
    %dma_wait3A_634 = arith.constant 0 : i32
    %dma_wait3A_635 = tpu.memref_slice %arg4[%select_n3A, %add3A_624, %dma_wait3A_634] : memref<4x4096x1024xf32, #tpu.memory_space<hbm>> -> memref<1x16x1024xf32, #tpu.memory_space<hbm>>
    %dma_wait3A_636 = tpu.memref_squeeze %dma_wait3A_635 : memref<1x16x1024xf32, #tpu.memory_space<hbm>> -> memref<16x1024xf32, #tpu.memory_space<hbm>>
    tpu.wait_dma2 semaphore(%arg22 : memref<!tpu.dma_semaphore, #tpu.memory_space<semaphore_mem>>) src(%arg8 : memref<16x1024xf32, #tpu.memory_space<vmem>>) dst(%dma_wait3A_636 : memref<16x1024xf32, #tpu.memory_space<hbm>>)
    %dma_start3A_637 = arith.constant 480 : i32
    %dma_start3A_638 = tpu.memref_slice %arg5[%dma_start3A_637] : memref<512xi32, #tpu.memory_space<vmem>> -> memref<16xi32, #tpu.memory_space<vmem>>
    %dma_start3A_639 = arith.constant 0 : i32
    %dma_start3A_640 = arith.constant 0 : i32
    %dma_start3A_641 = tpu.memref_slice %arg3[%dma_start3A_639, %dma_start3A_640] : memref<100000x1024xf32, #tpu.memory_space<hbm>> -> memref<100000x1024xf32, #tpu.memory_space<hbm>>
    tpu.enqueue_indirect_dma source(%dma_start3A_641 : memref<100000x1024xf32, #tpu.memory_space<hbm>>) target(%arg8 : memref<16x1024xf32, #tpu.memory_space<vmem>>) offsets(%dma_start3A_638 : memref<16xi32, #tpu.memory_space<vmem>>) semaphore(%arg15 : memref<!tpu.dma_semaphore, #tpu.memory_space<semaphore_mem>>)
    %dma_wait3A_642 = arith.constant 384 : i32
    %dma_wait3A_643 = tpu.memref_slice %arg5[%dma_wait3A_642] : memref<512xi32, #tpu.memory_space<vmem>> -> memref<16xi32, #tpu.memory_space<vmem>>
    %dma_wait3A_644 = arith.constant 0 : i32
    %dma_wait3A_645 = arith.constant 0 : i32
    %dma_wait3A_646 = tpu.memref_slice %arg3[%dma_wait3A_644, %dma_wait3A_645] : memref<100000x1024xf32, #tpu.memory_space<hbm>> -> memref<100000x1024xf32, #tpu.memory_space<hbm>>
    tpu.wait_indirect_dma semaphore(%arg16 : memref<!tpu.dma_semaphore, #tpu.memory_space<semaphore_mem>>) src(%dma_wait3A_646 : memref<100000x1024xf32, #tpu.memory_space<hbm>>) dst(%arg9 : memref<16x1024xf32, #tpu.memory_space<vmem>>)
    %add3A_647 = arith.constant 384 : i32
    %add3A_648 = arith.addi %mul3A_32, %add3A_647 : i32
    %dma_start3A_649 = arith.constant 0 : i32
    %dma_start3A_650 = tpu.memref_slice %arg4[%select_n3A, %add3A_648, %dma_start3A_649] : memref<4x4096x1024xf32, #tpu.memory_space<hbm>> -> memref<1x16x1024xf32, #tpu.memory_space<hbm>>
    %dma_start3A_651 = tpu.memref_squeeze %dma_start3A_650 : memref<1x16x1024xf32, #tpu.memory_space<hbm>> -> memref<16x1024xf32, #tpu.memory_space<hbm>>
    %dma_start3A_652 = arith.constant 0 : i32
    %dma_start3A_653 = tpu.memref_slice %arg4[%select_n3A, %add3A_648, %dma_start3A_652] : memref<4x4096x1024xf32, #tpu.memory_space<hbm>> -> memref<1x16x1024xf32, #tpu.memory_space<hbm>>
    %dma_start3A_654 = tpu.memref_squeeze %dma_start3A_653 : memref<1x16x1024xf32, #tpu.memory_space<hbm>> -> memref<16x1024xf32, #tpu.memory_space<hbm>>
    tpu.enqueue_dma source(%arg9 : memref<16x1024xf32, #tpu.memory_space<vmem>>) target(%dma_start3A_654 : memref<16x1024xf32, #tpu.memory_space<hbm>>) target_semaphore(%arg23 : memref<!tpu.dma_semaphore, #tpu.memory_space<semaphore_mem>>)
    %dma_wait3A_655 = arith.constant 0 : i32
    %dma_wait3A_656 = tpu.memref_slice %arg4[%select_n3A, %add3A_648, %dma_wait3A_655] : memref<4x4096x1024xf32, #tpu.memory_space<hbm>> -> memref<1x16x1024xf32, #tpu.memory_space<hbm>>
    %dma_wait3A_657 = tpu.memref_squeeze %dma_wait3A_656 : memref<1x16x1024xf32, #tpu.memory_space<hbm>> -> memref<16x1024xf32, #tpu.memory_space<hbm>>
    %dma_wait3A_658 = arith.constant 0 : i32
    %dma_wait3A_659 = tpu.memref_slice %arg4[%select_n3A, %add3A_648, %dma_wait3A_658] : memref<4x4096x1024xf32, #tpu.memory_space<hbm>> -> memref<1x16x1024xf32, #tpu.memory_space<hbm>>
    %dma_wait3A_660 = tpu.memref_squeeze %dma_wait3A_659 : memref<1x16x1024xf32, #tpu.memory_space<hbm>> -> memref<16x1024xf32, #tpu.memory_space<hbm>>
    tpu.wait_dma2 semaphore(%arg23 : memref<!tpu.dma_semaphore, #tpu.memory_space<semaphore_mem>>) src(%arg9 : memref<16x1024xf32, #tpu.memory_space<vmem>>) dst(%dma_wait3A_660 : memref<16x1024xf32, #tpu.memory_space<hbm>>)
    %dma_start3A_661 = arith.constant 496 : i32
    %dma_start3A_662 = tpu.memref_slice %arg5[%dma_start3A_661] : memref<512xi32, #tpu.memory_space<vmem>> -> memref<16xi32, #tpu.memory_space<vmem>>
    %dma_start3A_663 = arith.constant 0 : i32
    %dma_start3A_664 = arith.constant 0 : i32
    %dma_start3A_665 = tpu.memref_slice %arg3[%dma_start3A_663, %dma_start3A_664] : memref<100000x1024xf32, #tpu.memory_space<hbm>> -> memref<100000x1024xf32, #tpu.memory_space<hbm>>
    tpu.enqueue_indirect_dma source(%dma_start3A_665 : memref<100000x1024xf32, #tpu.memory_space<hbm>>) target(%arg9 : memref<16x1024xf32, #tpu.memory_space<vmem>>) offsets(%dma_start3A_662 : memref<16xi32, #tpu.memory_space<vmem>>) semaphore(%arg16 : memref<!tpu.dma_semaphore, #tpu.memory_space<semaphore_mem>>)
    %dma_wait3A_666 = arith.constant 400 : i32
    %dma_wait3A_667 = tpu.memref_slice %arg5[%dma_wait3A_666] : memref<512xi32, #tpu.memory_space<vmem>> -> memref<16xi32, #tpu.memory_space<vmem>>
    %dma_wait3A_668 = arith.constant 0 : i32
    %dma_wait3A_669 = arith.constant 0 : i32
    %dma_wait3A_670 = tpu.memref_slice %arg3[%dma_wait3A_668, %dma_wait3A_669] : memref<100000x1024xf32, #tpu.memory_space<hbm>> -> memref<100000x1024xf32, #tpu.memory_space<hbm>>
    tpu.wait_indirect_dma semaphore(%arg17 : memref<!tpu.dma_semaphore, #tpu.memory_space<semaphore_mem>>) src(%dma_wait3A_670 : memref<100000x1024xf32, #tpu.memory_space<hbm>>) dst(%arg10 : memref<16x1024xf32, #tpu.memory_space<vmem>>)
    %add3A_671 = arith.constant 400 : i32
    %add3A_672 = arith.addi %mul3A_32, %add3A_671 : i32
    %dma_start3A_673 = arith.constant 0 : i32
    %dma_start3A_674 = tpu.memref_slice %arg4[%select_n3A, %add3A_672, %dma_start3A_673] : memref<4x4096x1024xf32, #tpu.memory_space<hbm>> -> memref<1x16x1024xf32, #tpu.memory_space<hbm>>
    %dma_start3A_675 = tpu.memref_squeeze %dma_start3A_674 : memref<1x16x1024xf32, #tpu.memory_space<hbm>> -> memref<16x1024xf32, #tpu.memory_space<hbm>>
    %dma_start3A_676 = arith.constant 0 : i32
    %dma_start3A_677 = tpu.memref_slice %arg4[%select_n3A, %add3A_672, %dma_start3A_676] : memref<4x4096x1024xf32, #tpu.memory_space<hbm>> -> memref<1x16x1024xf32, #tpu.memory_space<hbm>>
    %dma_start3A_678 = tpu.memref_squeeze %dma_start3A_677 : memref<1x16x1024xf32, #tpu.memory_space<hbm>> -> memref<16x1024xf32, #tpu.memory_space<hbm>>
    tpu.enqueue_dma source(%arg10 : memref<16x1024xf32, #tpu.memory_space<vmem>>) target(%dma_start3A_678 : memref<16x1024xf32, #tpu.memory_space<hbm>>) target_semaphore(%arg24 : memref<!tpu.dma_semaphore, #tpu.memory_space<semaphore_mem>>)
    %dma_wait3A_679 = arith.constant 416 : i32
    %dma_wait3A_680 = tpu.memref_slice %arg5[%dma_wait3A_679] : memref<512xi32, #tpu.memory_space<vmem>> -> memref<16xi32, #tpu.memory_space<vmem>>
    %dma_wait3A_681 = arith.constant 0 : i32
    %dma_wait3A_682 = arith.constant 0 : i32
    %dma_wait3A_683 = tpu.memref_slice %arg3[%dma_wait3A_681, %dma_wait3A_682] : memref<100000x1024xf32, #tpu.memory_space<hbm>> -> memref<100000x1024xf32, #tpu.memory_space<hbm>>
    tpu.wait_indirect_dma semaphore(%arg18 : memref<!tpu.dma_semaphore, #tpu.memory_space<semaphore_mem>>) src(%dma_wait3A_683 : memref<100000x1024xf32, #tpu.memory_space<hbm>>) dst(%arg11 : memref<16x1024xf32, #tpu.memory_space<vmem>>)
    %add3A_684 = arith.constant 416 : i32
    %add3A_685 = arith.addi %mul3A_32, %add3A_684 : i32
    %dma_start3A_686 = arith.constant 0 : i32
    %dma_start3A_687 = tpu.memref_slice %arg4[%select_n3A, %add3A_685, %dma_start3A_686] : memref<4x4096x1024xf32, #tpu.memory_space<hbm>> -> memref<1x16x1024xf32, #tpu.memory_space<hbm>>
    %dma_start3A_688 = tpu.memref_squeeze %dma_start3A_687 : memref<1x16x1024xf32, #tpu.memory_space<hbm>> -> memref<16x1024xf32, #tpu.memory_space<hbm>>
    %dma_start3A_689 = arith.constant 0 : i32
    %dma_start3A_690 = tpu.memref_slice %arg4[%select_n3A, %add3A_685, %dma_start3A_689] : memref<4x4096x1024xf32, #tpu.memory_space<hbm>> -> memref<1x16x1024xf32, #tpu.memory_space<hbm>>
    %dma_start3A_691 = tpu.memref_squeeze %dma_start3A_690 : memref<1x16x1024xf32, #tpu.memory_space<hbm>> -> memref<16x1024xf32, #tpu.memory_space<hbm>>
    tpu.enqueue_dma source(%arg11 : memref<16x1024xf32, #tpu.memory_space<vmem>>) target(%dma_start3A_691 : memref<16x1024xf32, #tpu.memory_space<hbm>>) target_semaphore(%arg25 : memref<!tpu.dma_semaphore, #tpu.memory_space<semaphore_mem>>)
    %dma_wait3A_692 = arith.constant 432 : i32
    %dma_wait3A_693 = tpu.memref_slice %arg5[%dma_wait3A_692] : memref<512xi32, #tpu.memory_space<vmem>> -> memref<16xi32, #tpu.memory_space<vmem>>
    %dma_wait3A_694 = arith.constant 0 : i32
    %dma_wait3A_695 = arith.constant 0 : i32
    %dma_wait3A_696 = tpu.memref_slice %arg3[%dma_wait3A_694, %dma_wait3A_695] : memref<100000x1024xf32, #tpu.memory_space<hbm>> -> memref<100000x1024xf32, #tpu.memory_space<hbm>>
    tpu.wait_indirect_dma semaphore(%arg19 : memref<!tpu.dma_semaphore, #tpu.memory_space<semaphore_mem>>) src(%dma_wait3A_696 : memref<100000x1024xf32, #tpu.memory_space<hbm>>) dst(%arg12 : memref<16x1024xf32, #tpu.memory_space<vmem>>)
    %add3A_697 = arith.constant 432 : i32
    %add3A_698 = arith.addi %mul3A_32, %add3A_697 : i32
    %dma_start3A_699 = arith.constant 0 : i32
    %dma_start3A_700 = tpu.memref_slice %arg4[%select_n3A, %add3A_698, %dma_start3A_699] : memref<4x4096x1024xf32, #tpu.memory_space<hbm>> -> memref<1x16x1024xf32, #tpu.memory_space<hbm>>
    %dma_start3A_701 = tpu.memref_squeeze %dma_start3A_700 : memref<1x16x1024xf32, #tpu.memory_space<hbm>> -> memref<16x1024xf32, #tpu.memory_space<hbm>>
    %dma_start3A_702 = arith.constant 0 : i32
    %dma_start3A_703 = tpu.memref_slice %arg4[%select_n3A, %add3A_698, %dma_start3A_702] : memref<4x4096x1024xf32, #tpu.memory_space<hbm>> -> memref<1x16x1024xf32, #tpu.memory_space<hbm>>
    %dma_start3A_704 = tpu.memref_squeeze %dma_start3A_703 : memref<1x16x1024xf32, #tpu.memory_space<hbm>> -> memref<16x1024xf32, #tpu.memory_space<hbm>>
    tpu.enqueue_dma source(%arg12 : memref<16x1024xf32, #tpu.memory_space<vmem>>) target(%dma_start3A_704 : memref<16x1024xf32, #tpu.memory_space<hbm>>) target_semaphore(%arg26 : memref<!tpu.dma_semaphore, #tpu.memory_space<semaphore_mem>>)
    %dma_wait3A_705 = arith.constant 448 : i32
    %dma_wait3A_706 = tpu.memref_slice %arg5[%dma_wait3A_705] : memref<512xi32, #tpu.memory_space<vmem>> -> memref<16xi32, #tpu.memory_space<vmem>>
    %dma_wait3A_707 = arith.constant 0 : i32
    %dma_wait3A_708 = arith.constant 0 : i32
    %dma_wait3A_709 = tpu.memref_slice %arg3[%dma_wait3A_707, %dma_wait3A_708] : memref<100000x1024xf32, #tpu.memory_space<hbm>> -> memref<100000x1024xf32, #tpu.memory_space<hbm>>
    tpu.wait_indirect_dma semaphore(%arg13 : memref<!tpu.dma_semaphore, #tpu.memory_space<semaphore_mem>>) src(%dma_wait3A_709 : memref<100000x1024xf32, #tpu.memory_space<hbm>>) dst(%arg6 : memref<16x1024xf32, #tpu.memory_space<vmem>>)
    %add3A_710 = arith.constant 448 : i32
    %add3A_711 = arith.addi %mul3A_32, %add3A_710 : i32
    %dma_start3A_712 = arith.constant 0 : i32
    %dma_start3A_713 = tpu.memref_slice %arg4[%select_n3A, %add3A_711, %dma_start3A_712] : memref<4x4096x1024xf32, #tpu.memory_space<hbm>> -> memref<1x16x1024xf32, #tpu.memory_space<hbm>>
    %dma_start3A_714 = tpu.memref_squeeze %dma_start3A_713 : memref<1x16x1024xf32, #tpu.memory_space<hbm>> -> memref<16x1024xf32, #tpu.memory_space<hbm>>
    %dma_start3A_715 = arith.constant 0 : i32
    %dma_start3A_716 = tpu.memref_slice %arg4[%select_n3A, %add3A_711, %dma_start3A_715] : memref<4x4096x1024xf32, #tpu.memory_space<hbm>> -> memref<1x16x1024xf32, #tpu.memory_space<hbm>>
    %dma_start3A_717 = tpu.memref_squeeze %dma_start3A_716 : memref<1x16x1024xf32, #tpu.memory_space<hbm>> -> memref<16x1024xf32, #tpu.memory_space<hbm>>
    tpu.enqueue_dma source(%arg6 : memref<16x1024xf32, #tpu.memory_space<vmem>>) target(%dma_start3A_717 : memref<16x1024xf32, #tpu.memory_space<hbm>>) target_semaphore(%arg20 : memref<!tpu.dma_semaphore, #tpu.memory_space<semaphore_mem>>)
    %dma_wait3A_718 = arith.constant 464 : i32
    %dma_wait3A_719 = tpu.memref_slice %arg5[%dma_wait3A_718] : memref<512xi32, #tpu.memory_space<vmem>> -> memref<16xi32, #tpu.memory_space<vmem>>
    %dma_wait3A_720 = arith.constant 0 : i32
    %dma_wait3A_721 = arith.constant 0 : i32
    %dma_wait3A_722 = tpu.memref_slice %arg3[%dma_wait3A_720, %dma_wait3A_721] : memref<100000x1024xf32, #tpu.memory_space<hbm>> -> memref<100000x1024xf32, #tpu.memory_space<hbm>>
    tpu.wait_indirect_dma semaphore(%arg14 : memref<!tpu.dma_semaphore, #tpu.memory_space<semaphore_mem>>) src(%dma_wait3A_722 : memref<100000x1024xf32, #tpu.memory_space<hbm>>) dst(%arg7 : memref<16x1024xf32, #tpu.memory_space<vmem>>)
    %add3A_723 = arith.constant 464 : i32
    %add3A_724 = arith.addi %mul3A_32, %add3A_723 : i32
    %dma_start3A_725 = arith.constant 0 : i32
    %dma_start3A_726 = tpu.memref_slice %arg4[%select_n3A, %add3A_724, %dma_start3A_725] : memref<4x4096x1024xf32, #tpu.memory_space<hbm>> -> memref<1x16x1024xf32, #tpu.memory_space<hbm>>
    %dma_start3A_727 = tpu.memref_squeeze %dma_start3A_726 : memref<1x16x1024xf32, #tpu.memory_space<hbm>> -> memref<16x1024xf32, #tpu.memory_space<hbm>>
    %dma_start3A_728 = arith.constant 0 : i32
    %dma_start3A_729 = tpu.memref_slice %arg4[%select_n3A, %add3A_724, %dma_start3A_728] : memref<4x4096x1024xf32, #tpu.memory_space<hbm>> -> memref<1x16x1024xf32, #tpu.memory_space<hbm>>
    %dma_start3A_730 = tpu.memref_squeeze %dma_start3A_729 : memref<1x16x1024xf32, #tpu.memory_space<hbm>> -> memref<16x1024xf32, #tpu.memory_space<hbm>>
    tpu.enqueue_dma source(%arg7 : memref<16x1024xf32, #tpu.memory_space<vmem>>) target(%dma_start3A_730 : memref<16x1024xf32, #tpu.memory_space<hbm>>) target_semaphore(%arg21 : memref<!tpu.dma_semaphore, #tpu.memory_space<semaphore_mem>>)
    %dma_wait3A_731 = arith.constant 480 : i32
    %dma_wait3A_732 = tpu.memref_slice %arg5[%dma_wait3A_731] : memref<512xi32, #tpu.memory_space<vmem>> -> memref<16xi32, #tpu.memory_space<vmem>>
    %dma_wait3A_733 = arith.constant 0 : i32
    %dma_wait3A_734 = arith.constant 0 : i32
    %dma_wait3A_735 = tpu.memref_slice %arg3[%dma_wait3A_733, %dma_wait3A_734] : memref<100000x1024xf32, #tpu.memory_space<hbm>> -> memref<100000x1024xf32, #tpu.memory_space<hbm>>
    tpu.wait_indirect_dma semaphore(%arg15 : memref<!tpu.dma_semaphore, #tpu.memory_space<semaphore_mem>>) src(%dma_wait3A_735 : memref<100000x1024xf32, #tpu.memory_space<hbm>>) dst(%arg8 : memref<16x1024xf32, #tpu.memory_space<vmem>>)
    %add3A_736 = arith.constant 480 : i32
    %add3A_737 = arith.addi %mul3A_32, %add3A_736 : i32
    %dma_start3A_738 = arith.constant 0 : i32
    %dma_start3A_739 = tpu.memref_slice %arg4[%select_n3A, %add3A_737, %dma_start3A_738] : memref<4x4096x1024xf32, #tpu.memory_space<hbm>> -> memref<1x16x1024xf32, #tpu.memory_space<hbm>>
    %dma_start3A_740 = tpu.memref_squeeze %dma_start3A_739 : memref<1x16x1024xf32, #tpu.memory_space<hbm>> -> memref<16x1024xf32, #tpu.memory_space<hbm>>
    %dma_start3A_741 = arith.constant 0 : i32
    %dma_start3A_742 = tpu.memref_slice %arg4[%select_n3A, %add3A_737, %dma_start3A_741] : memref<4x4096x1024xf32, #tpu.memory_space<hbm>> -> memref<1x16x1024xf32, #tpu.memory_space<hbm>>
    %dma_start3A_743 = tpu.memref_squeeze %dma_start3A_742 : memref<1x16x1024xf32, #tpu.memory_space<hbm>> -> memref<16x1024xf32, #tpu.memory_space<hbm>>
    tpu.enqueue_dma source(%arg8 : memref<16x1024xf32, #tpu.memory_space<vmem>>) target(%dma_start3A_743 : memref<16x1024xf32, #tpu.memory_space<hbm>>) target_semaphore(%arg22 : memref<!tpu.dma_semaphore, #tpu.memory_space<semaphore_mem>>)
    %dma_wait3A_744 = arith.constant 496 : i32
    %dma_wait3A_745 = tpu.memref_slice %arg5[%dma_wait3A_744] : memref<512xi32, #tpu.memory_space<vmem>> -> memref<16xi32, #tpu.memory_space<vmem>>
    %dma_wait3A_746 = arith.constant 0 : i32
    %dma_wait3A_747 = arith.constant 0 : i32
    %dma_wait3A_748 = tpu.memref_slice %arg3[%dma_wait3A_746, %dma_wait3A_747] : memref<100000x1024xf32, #tpu.memory_space<hbm>> -> memref<100000x1024xf32, #tpu.memory_space<hbm>>
    tpu.wait_indirect_dma semaphore(%arg16 : memref<!tpu.dma_semaphore, #tpu.memory_space<semaphore_mem>>) src(%dma_wait3A_748 : memref<100000x1024xf32, #tpu.memory_space<hbm>>) dst(%arg9 : memref<16x1024xf32, #tpu.memory_space<vmem>>)
    %add3A_749 = arith.constant 496 : i32
    %add3A_750 = arith.addi %mul3A_32, %add3A_749 : i32
    %dma_start3A_751 = arith.constant 0 : i32
    %dma_start3A_752 = tpu.memref_slice %arg4[%select_n3A, %add3A_750, %dma_start3A_751] : memref<4x4096x1024xf32, #tpu.memory_space<hbm>> -> memref<1x16x1024xf32, #tpu.memory_space<hbm>>
    %dma_start3A_753 = tpu.memref_squeeze %dma_start3A_752 : memref<1x16x1024xf32, #tpu.memory_space<hbm>> -> memref<16x1024xf32, #tpu.memory_space<hbm>>
    %dma_start3A_754 = arith.constant 0 : i32
    %dma_start3A_755 = tpu.memref_slice %arg4[%select_n3A, %add3A_750, %dma_start3A_754] : memref<4x4096x1024xf32, #tpu.memory_space<hbm>> -> memref<1x16x1024xf32, #tpu.memory_space<hbm>>
    %dma_start3A_756 = tpu.memref_squeeze %dma_start3A_755 : memref<1x16x1024xf32, #tpu.memory_space<hbm>> -> memref<16x1024xf32, #tpu.memory_space<hbm>>
    tpu.enqueue_dma source(%arg9 : memref<16x1024xf32, #tpu.memory_space<vmem>>) target(%dma_start3A_756 : memref<16x1024xf32, #tpu.memory_space<hbm>>) target_semaphore(%arg23 : memref<!tpu.dma_semaphore, #tpu.memory_space<semaphore_mem>>)
    %dma_wait3A_757 = arith.constant 0 : i32
    %dma_wait3A_758 = tpu.memref_slice %arg4[%select_n3A, %add3A_672, %dma_wait3A_757] : memref<4x4096x1024xf32, #tpu.memory_space<hbm>> -> memref<1x16x1024xf32, #tpu.memory_space<hbm>>
    %dma_wait3A_759 = tpu.memref_squeeze %dma_wait3A_758 : memref<1x16x1024xf32, #tpu.memory_space<hbm>> -> memref<16x1024xf32, #tpu.memory_space<hbm>>
    %dma_wait3A_760 = arith.constant 0 : i32
    %dma_wait3A_761 = tpu.memref_slice %arg4[%select_n3A, %add3A_672, %dma_wait3A_760] : memref<4x4096x1024xf32, #tpu.memory_space<hbm>> -> memref<1x16x1024xf32, #tpu.memory_space<hbm>>
    %dma_wait3A_762 = tpu.memref_squeeze %dma_wait3A_761 : memref<1x16x1024xf32, #tpu.memory_space<hbm>> -> memref<16x1024xf32, #tpu.memory_space<hbm>>
    tpu.wait_dma2 semaphore(%arg24 : memref<!tpu.dma_semaphore, #tpu.memory_space<semaphore_mem>>) src(%arg10 : memref<16x1024xf32, #tpu.memory_space<vmem>>) dst(%dma_wait3A_762 : memref<16x1024xf32, #tpu.memory_space<hbm>>)
    %dma_wait3A_763 = arith.constant 0 : i32
    %dma_wait3A_764 = tpu.memref_slice %arg4[%select_n3A, %add3A_685, %dma_wait3A_763] : memref<4x4096x1024xf32, #tpu.memory_space<hbm>> -> memref<1x16x1024xf32, #tpu.memory_space<hbm>>
    %dma_wait3A_765 = tpu.memref_squeeze %dma_wait3A_764 : memref<1x16x1024xf32, #tpu.memory_space<hbm>> -> memref<16x1024xf32, #tpu.memory_space<hbm>>
    %dma_wait3A_766 = arith.constant 0 : i32
    %dma_wait3A_767 = tpu.memref_slice %arg4[%select_n3A, %add3A_685, %dma_wait3A_766] : memref<4x4096x1024xf32, #tpu.memory_space<hbm>> -> memref<1x16x1024xf32, #tpu.memory_space<hbm>>
    %dma_wait3A_768 = tpu.memref_squeeze %dma_wait3A_767 : memref<1x16x1024xf32, #tpu.memory_space<hbm>> -> memref<16x1024xf32, #tpu.memory_space<hbm>>
    tpu.wait_dma2 semaphore(%arg25 : memref<!tpu.dma_semaphore, #tpu.memory_space<semaphore_mem>>) src(%arg11 : memref<16x1024xf32, #tpu.memory_space<vmem>>) dst(%dma_wait3A_768 : memref<16x1024xf32, #tpu.memory_space<hbm>>)
    %dma_wait3A_769 = arith.constant 0 : i32
    %dma_wait3A_770 = tpu.memref_slice %arg4[%select_n3A, %add3A_698, %dma_wait3A_769] : memref<4x4096x1024xf32, #tpu.memory_space<hbm>> -> memref<1x16x1024xf32, #tpu.memory_space<hbm>>
    %dma_wait3A_771 = tpu.memref_squeeze %dma_wait3A_770 : memref<1x16x1024xf32, #tpu.memory_space<hbm>> -> memref<16x1024xf32, #tpu.memory_space<hbm>>
    %dma_wait3A_772 = arith.constant 0 : i32
    %dma_wait3A_773 = tpu.memref_slice %arg4[%select_n3A, %add3A_698, %dma_wait3A_772] : memref<4x4096x1024xf32, #tpu.memory_space<hbm>> -> memref<1x16x1024xf32, #tpu.memory_space<hbm>>
    %dma_wait3A_774 = tpu.memref_squeeze %dma_wait3A_773 : memref<1x16x1024xf32, #tpu.memory_space<hbm>> -> memref<16x1024xf32, #tpu.memory_space<hbm>>
    tpu.wait_dma2 semaphore(%arg26 : memref<!tpu.dma_semaphore, #tpu.memory_space<semaphore_mem>>) src(%arg12 : memref<16x1024xf32, #tpu.memory_space<vmem>>) dst(%dma_wait3A_774 : memref<16x1024xf32, #tpu.memory_space<hbm>>)
    %dma_wait3A_775 = arith.constant 0 : i32
    %dma_wait3A_776 = tpu.memref_slice %arg4[%select_n3A, %add3A_711, %dma_wait3A_775] : memref<4x4096x1024xf32, #tpu.memory_space<hbm>> -> memref<1x16x1024xf32, #tpu.memory_space<hbm>>
    %dma_wait3A_777 = tpu.memref_squeeze %dma_wait3A_776 : memref<1x16x1024xf32, #tpu.memory_space<hbm>> -> memref<16x1024xf32, #tpu.memory_space<hbm>>
    %dma_wait3A_778 = arith.constant 0 : i32
    %dma_wait3A_779 = tpu.memref_slice %arg4[%select_n3A, %add3A_711, %dma_wait3A_778] : memref<4x4096x1024xf32, #tpu.memory_space<hbm>> -> memref<1x16x1024xf32, #tpu.memory_space<hbm>>
    %dma_wait3A_780 = tpu.memref_squeeze %dma_wait3A_779 : memref<1x16x1024xf32, #tpu.memory_space<hbm>> -> memref<16x1024xf32, #tpu.memory_space<hbm>>
    tpu.wait_dma2 semaphore(%arg20 : memref<!tpu.dma_semaphore, #tpu.memory_space<semaphore_mem>>) src(%arg6 : memref<16x1024xf32, #tpu.memory_space<vmem>>) dst(%dma_wait3A_780 : memref<16x1024xf32, #tpu.memory_space<hbm>>)
    %dma_wait3A_781 = arith.constant 0 : i32
    %dma_wait3A_782 = tpu.memref_slice %arg4[%select_n3A, %add3A_724, %dma_wait3A_781] : memref<4x4096x1024xf32, #tpu.memory_space<hbm>> -> memref<1x16x1024xf32, #tpu.memory_space<hbm>>
    %dma_wait3A_783 = tpu.memref_squeeze %dma_wait3A_782 : memref<1x16x1024xf32, #tpu.memory_space<hbm>> -> memref<16x1024xf32, #tpu.memory_space<hbm>>
    %dma_wait3A_784 = arith.constant 0 : i32
    %dma_wait3A_785 = tpu.memref_slice %arg4[%select_n3A, %add3A_724, %dma_wait3A_784] : memref<4x4096x1024xf32, #tpu.memory_space<hbm>> -> memref<1x16x1024xf32, #tpu.memory_space<hbm>>
    %dma_wait3A_786 = tpu.memref_squeeze %dma_wait3A_785 : memref<1x16x1024xf32, #tpu.memory_space<hbm>> -> memref<16x1024xf32, #tpu.memory_space<hbm>>
    tpu.wait_dma2 semaphore(%arg21 : memref<!tpu.dma_semaphore, #tpu.memory_space<semaphore_mem>>) src(%arg7 : memref<16x1024xf32, #tpu.memory_space<vmem>>) dst(%dma_wait3A_786 : memref<16x1024xf32, #tpu.memory_space<hbm>>)
    %dma_wait3A_787 = arith.constant 0 : i32
    %dma_wait3A_788 = tpu.memref_slice %arg4[%select_n3A, %add3A_737, %dma_wait3A_787] : memref<4x4096x1024xf32, #tpu.memory_space<hbm>> -> memref<1x16x1024xf32, #tpu.memory_space<hbm>>
    %dma_wait3A_789 = tpu.memref_squeeze %dma_wait3A_788 : memref<1x16x1024xf32, #tpu.memory_space<hbm>> -> memref<16x1024xf32, #tpu.memory_space<hbm>>
    %dma_wait3A_790 = arith.constant 0 : i32
    %dma_wait3A_791 = tpu.memref_slice %arg4[%select_n3A, %add3A_737, %dma_wait3A_790] : memref<4x4096x1024xf32, #tpu.memory_space<hbm>> -> memref<1x16x1024xf32, #tpu.memory_space<hbm>>
    %dma_wait3A_792 = tpu.memref_squeeze %dma_wait3A_791 : memref<1x16x1024xf32, #tpu.memory_space<hbm>> -> memref<16x1024xf32, #tpu.memory_space<hbm>>
    tpu.wait_dma2 semaphore(%arg22 : memref<!tpu.dma_semaphore, #tpu.memory_space<semaphore_mem>>) src(%arg8 : memref<16x1024xf32, #tpu.memory_space<vmem>>) dst(%dma_wait3A_792 : memref<16x1024xf32, #tpu.memory_space<hbm>>)
    %dma_wait3A_793 = arith.constant 0 : i32
    %dma_wait3A_794 = tpu.memref_slice %arg4[%select_n3A, %add3A_750, %dma_wait3A_793] : memref<4x4096x1024xf32, #tpu.memory_space<hbm>> -> memref<1x16x1024xf32, #tpu.memory_space<hbm>>
    %dma_wait3A_795 = tpu.memref_squeeze %dma_wait3A_794 : memref<1x16x1024xf32, #tpu.memory_space<hbm>> -> memref<16x1024xf32, #tpu.memory_space<hbm>>
    %dma_wait3A_796 = arith.constant 0 : i32
    %dma_wait3A_797 = tpu.memref_slice %arg4[%select_n3A, %add3A_750, %dma_wait3A_796] : memref<4x4096x1024xf32, #tpu.memory_space<hbm>> -> memref<1x16x1024xf32, #tpu.memory_space<hbm>>
    %dma_wait3A_798 = tpu.memref_squeeze %dma_wait3A_797 : memref<1x16x1024xf32, #tpu.memory_space<hbm>> -> memref<16x1024xf32, #tpu.memory_space<hbm>>
    tpu.wait_dma2 semaphore(%arg23 : memref<!tpu.dma_semaphore, #tpu.memory_space<semaphore_mem>>) src(%arg9 : memref<16x1024xf32, #tpu.memory_space<vmem>>) dst(%dma_wait3A_798 : memref<16x1024xf32, #tpu.memory_space<hbm>>)
    return
  }
}

</mosaic_0001>

<sc_bundles>
// kernel: kernel.3.cloned.1.call-start
scs
__scs_entry_jumppad:
0x0: {  	(pc) =	sbr.rel $0x88, $3  }
0x1: {  	(tag) =	ssettag $0x0;
	lr =	simm.s32 $0x1  }
0x2: {  	[smem:$0x3F9F] =	sst lr;
	_ =	strace $0xD0000000  }
0x3: {  	_ = 	snop  }
0x4: {  	_ = 	snop  }
0x5: {  	_ = 	snop  }
0x6: {  	_ = 	snop  }
0x7: {  	_ = 	snop  }
__scs_overlays_trampoline_lowered:
0x8: {  	[smem:$0x3FAE] =	sst s0  }
0x9: {  	[smem:$0x3FAF] =	sst s1  }
0xa: {  	[smem:$0x3FB0] =	sst s2  }
0xb: {  	[smem:$0x3FB1] =	sst s3  }
0xc: {  	[smem:$0x3FB2] =	sst s4  }
0xd: {  	[smem:$0x3FB3] =	sst s5  }
0xe: {  	[smem:$0x3FB4] =	sst s6  }
0xf: {  	[smem:$0x3FB5] =	sst s7  }
0x10: {  	[smem:$0x3FB6] =	sst s8  }
0x11: {  	[smem:$0x3FB7] =	sst s9;
	s0 =	simm.s32 @!p0 $0x0  }
0x12: {  	s1 =	sld [smem:$0x3F9D];
	s0 =	simm.s32 @p0 $0x1  }
0x13: {  	[smem:$0x3FB8] =	sst s0;
	s0 =	simm.s32 @!p1 $0x0  }
0x14: {  	s2 =	sld [smem:$0x3F9C];
	s0 =	simm.s32 @p1 $0x1  }
0x15: {  	[smem:$0x3FB9] =	sst s0;
	s0 =	simm.s32 @!p2 $0x0  }
0x16: {  	s3 =	sld [smem:$0x3FDB];
	s0 =	simm.s32 @p2 $0x1  }
0x17: {  	s4 =	simm.s32 $0x1BF5;
	[smem:$0x3FBB] =	sst s0  }
0x18: {  	s0 =	sld [smem:$0x3F9E];
	_ =	swait.ge [sflag:s4], $0x0  }
0x19: {  	s7 =	sld [smem:$0x3F9F]  }
0x1a: {  	s8 =	sadd.s32 $0xFFFFE003, lr  }
0x1b: {  	s9 =	sadd.s32 $0xFFFFFEF7, lr;
	s5 =	simm.s32 $0xFFFFFFFF;
	p2 =	slt.u32 s8, $0xFFFFF086  }
0x1c: {  	p1 =	slt.u32 s9, $0xF7A;
	s5 =	simm.s32 @!p2 $0x0  }
0x1d: {  	s5 =	simm.s32 @p1 $0x1;
	p0 =	seq.s32 s7, s2  }
0x1e: {  	s7 =	smul.u32 @!p0 $0xF7A, s2;
	p2 =	seq.s32 @!p0 s5, $0x0  }
0x1f: {  	s9 =	smul.u32 $0xF7A, s1;
	s8 =	simm.s32 @!p0 $0x1BF5;
	p2 =	por !p2, p0  }
0x20: {  	[sflag:s8] =	ssyncset.s32 @!p0 $0xFFFFF086;
	s6 =	sadd.s32 @!p0 s3, s7;
	s7 =	simm.s32 @!p0 $0x108  }
0x21: {  	s3 =	sadd.s32 s3, s9;
	s6 =	sadd.s32 @!p0 $0x88, s6;
	s7 =	simm.s32 @p2 $0x1082  }
0x22: {  	[simem:s7], [sflag:s8] =	dma.local @!p0 [hbm:s6], $0xF7A  }
0x23: {  	s9 =	sor.u32 $0xD0000000, s2;
	s6 =	simm.s32 $0x108;
	_ =	swait.ge @!p0 [sflag:s8], $0x0  }
0x24: {  	s3 =	sadd.s32 $0x88, s3;
	s6 =	simm.s32 @!p1 $0x1082;
	[sflag:s4] =	ssyncset.s32 $0xFFFFF086  }
0x25: {  	[simem:s6], [sflag:s4] =	dma.local [hbm:s3], $0xF7A  }
0x26: {  	[smem:$0x3F9F] =	sst s1;
	(tag) =	ssettag s2;
	_ =	strace s9  }
0x27: {  	s1 =	sld [smem:$0x3FAF]  }
0x28: {  	s2 =	sld [smem:$0x3FB0]  }
0x29: {  	s4 =	sld [smem:$0x3FB2]  }
0x2a: {  	p0 =	seq.s32 s5, $0x0;
	s5 =	sld [smem:$0x3FB3]  }
0x2b: {  	s6 =	sld [smem:$0x3FB4]  }
0x2c: {  	s7 =	sld [smem:$0x3FB5]  }
0x2d: {  	s3 =	simm.s32 $0x108;
	s8 =	sld [smem:$0x3FB6]  }
0x2e: {  	s3 =	simm.s32 @!p0 $0x1082;
	s9 =	sld [smem:$0x3FB7]  }
0x2f: {  	lr =	sadd.s32 s0, s3;
	s0 =	sld [smem:$0x3FAE]  }
0x30: {  	s3 =	sld [smem:$0x3FB1]  }
0x31: {  	[smem:$0x3FBA] =	sst s10  }
0x32: {  	s10 =	sld [smem:$0x3FB8];
	_ =	sdelay $0x3  }
0x33: {  	p0 =	seq.s32 s10, $0x1;
	s10 =	sld [smem:$0x3FBA];
	_ =	sdelay $0x3  }
0x34: {  	[smem:$0x3FBA] =	sst s10  }
0x35: {  	s10 =	sld [smem:$0x3FB9];
	_ =	sdelay $0x3  }
0x36: {  	p1 =	seq.s32 s10, $0x1;
	s10 =	sld [smem:$0x3FBA];
	_ =	sdelay $0x3  }
0x37: {  	[smem:$0x3FBA] =	sst s10  }
0x38: {  	s10 =	sld [smem:$0x3FBB]  }
0x39: {  	_ = 	snop;
	(pc) =	sbr.ind lr, $3  }
0x3a: {  	_ = 	snop  }
0x3b: {  	_ = 	snop  }
0x3c: {  	p2 =	seq.s32 s10, $0x1;
	s10 =	sld [smem:$0x3FBA]  }
0x3d: {  	_ =	shalt  }
0x3e: {  	_ =	shalt  }
0x3f: {  	_ =	shalt  }
0x40: {  	_ =	shalt  }
0x41: {  	_ =	shalt  }
0x42: {  	_ =	shalt  }
0x43: {  	_ =	shalt  }
0x44: {  	_ =	shalt  }
0x45: {  	_ =	shalt  }
0x46: {  	_ =	shalt  }
0x47: {  	_ =	shalt  }
0x48: {  	_ =	shalt  }
0x49: {  	_ =	shalt  }
0x4a: {  	_ =	shalt  }
0x4b: {  	_ =	shalt  }
0x4c: {  	_ =	shalt  }
0x4d: {  	_ =	shalt  }
0x4e: {  	_ =	shalt  }
0x4f: {  	_ =	shalt  }
0x50: {  	_ =	shalt  }
0x51: {  	_ =	shalt  }
0x52: {  	_ =	shalt  }
0x53: {  	_ =	shalt  }
0x54: {  	_ =	shalt  }
0x55: {  	_ =	shalt  }
0x56: {  	_ =	shalt  }
0x57: {  	_ =	shalt  }
0x58: {  	_ =	shalt  }
0x59: {  	_ =	shalt  }
0x5a: {  	_ =	shalt  }
0x5b: {  	_ =	shalt  }
0x5c: {  	_ =	shalt  }
0x5d: {  	_ =	shalt  }
0x5e: {  	_ =	shalt  }
0x5f: {  	_ =	shalt  }
0x60: {  	_ =	shalt  }
0x61: {  	_ =	shalt  }
0x62: {  	_ =	shalt  }
0x63: {  	_ =	shalt  }
0x64: {  	_ =	shalt  }
0x65: {  	_ =	shalt  }
0x66: {  	_ =	shalt  }
0x67: {  	_ =	shalt  }
0x68: {  	_ =	shalt  }
0x69: {  	_ =	shalt  }
0x6a: {  	_ =	shalt  }
0x6b: {  	_ =	shalt  }
0x6c: {  	_ =	shalt  }
0x6d: {  	_ =	shalt  }
0x6e: {  	_ =	shalt  }
0x6f: {  	_ =	shalt  }
0x70: {  	_ =	shalt  }
0x71: {  	_ =	shalt  }
0x72: {  	_ =	shalt  }
0x73: {  	_ =	shalt  }
0x74: {  	_ =	shalt  }
0x75: {  	_ =	shalt  }
0x76: {  	_ =	shalt  }
0x77: {  	_ =	shalt  }
0x78: {  	_ =	shalt  }
0x79: {  	_ =	shalt  }
0x7a: {  	_ =	shalt  }
0x7b: {  	_ =	shalt  }
0x7c: {  	_ =	shalt  }
0x7d: {  	_ =	shalt  }
0x7e: {  	_ =	shalt  }
0x7f: {  	_ =	shalt  }
0x80: {  	_ =	shalt  }
0x81: {  	_ =	shalt  }
0x82: {  	_ =	shalt  }
0x83: {  	_ =	shalt  }
0x84: {  	_ =	shalt  }
0x85: {  	_ =	shalt  }
0x86: {  	_ =	shalt  }
0x87: {  	_ =	shalt  }
.Lfunc_end0:
.L_simem_size_0:
called_computation_lowered:
.L_overlay_start_0:
0x88: {  	s2 =	sld [smem:$0x3FD9]  }
0x89: {  	s3 =	sld [smem:$0x3FFE];
	_ =	sdelay $0x1  }
0x8a: {  	s1 =	srdreg.scid  }
0x8b: {  	s0 =	sand.u32 $0x1, s1  }
0x8c: {  	s18 =	sshll.u32 s0, $0xA;
	s2 =	sadd.s32 s3, s2  }
0x8d: {  	s2 =	sadd.s32 s2, s18  }
0x8e: {  	[smem:$0x3FC6] =	sst s2  }
0x8f: {  	_ = 	snop  }
0x90: {  	s2 =	sld [smem:$0x3FC9]  }
0x91: {  	s19 =	sld [smem:$0x3FC8]  }
0x92: {  	s4 =	sld [smem:$0x3FD0];
	(tm) =	ssettm $0x1  }
0x93: {  	s5 =	sld [smem:$0x3FFB];
	_ =	sdelay $0x3  }
0x94: {  	_ =	strace s5  }
0x95: {  	s5 =	sld [smem:$0x3FFC];
	_ =	sdelay $0x3  }
0x96: {  	_ =	strace s5  }
0x97: {  	s5 =	sld [smem:$0x3FFD];
	_ =	sdelay $0x3  }
0x98: {  	_ =	strace s5  }
0x99: {  	_ =	strace $0x8FFFFFFF  }
0x9a: {  	s20 =	sld [smem:$0x3FDB];
	_ =	sdelay $0x1  }
0x9b: {  	s6 =	simm.s32 $_scs_section_size  }
0x9c: {  	s7 =	simm.s32 $_size__tile_overlayer_lowered;
	s8 =	simm.s32 $_tile_overlayer_lowered  }
0x9d: {  	s23 =	simm.s32 $0x1BFF;
	s22 =	sshll.u32 s8, $0x1;
	s5 =	sadd.s32 s6, s20  }
0x9e: {  	s9 =	simm.s32 $0x0;
	s21 =	sshll.u32 s7, $0x1;
	s7 =	sadd.s32 s22, s5  }
0x9f: {  	[timem:s9], [sflag:s23] =	dma.local [hbm:s7], s21  }
0xa0: {  	_ =	swait.ge [sflag:s23], s21  }
0xa1: {  	s6 =	ssub.s32 $0x0, s21;
	[sflag:s23] =	ssyncset.done $0x0  }
0xa2: {  	[sflag:s23] =	ssyncadd.s32 s6;
	_ =	sdelay $0x1  }
0xa3: {  	s24 =	simm.s32 $0x1B8B  }
0xa4: {  	_ =	swait.ge [sflag:s24], $0x1  }
0xa5: {  	[sflag:s24] =	ssyncset.done $0x0  }
0xa6: {  	s25 =	simm.s32 $0x1B8E;
	[sflag:s24] =	ssyncadd.s32 $0xFFFFFFFF  }
0xa7: {  	s26 =	simm.s32 $execute0_lowered;
	[smem:$0x3FD2] =	sst s25  }
0xa8: {  	s6 =	sshll.u32 s26, $0x1;
	_ =	strace $0x80000046;
	[dreg:$0x1] =	wrdreg $0xFFFFFFFF  }
0xa9: {  	s28 =	simm.s32 $_size_execute0_lowered;
	s5 =	sadd.s32 s5, s6;
	[dreg:$0x0] =	wrdreg $0x0  }
0xaa: {  	s6 =	sshll.u32 s28, $0x1;
	[dreg:$0x2] =	wrdreg s5  }
0xab: {  	[dreg:$0x3] =	wrdreg s6  }
0xac: {  	[dreg:$0x4] =	wrdreg $0xC0  }
0xad: {  	_ =	task [dreg:s9], $0x5FFFF  }
0xae: {  	[dreg:$0x1] =	wrdreg $0xFFFFFFFF  }
0xaf: {  	[dreg:$0x0] =	wrdreg $0x60  }
0xb0: {  	[dreg:$0x2] =	wrdreg s2  }
0xb1: {  	[dreg:$0x3] =	wrdreg s19  }
0xb2: {  	[dreg:$0x4] =	wrdreg s4  }
0xb3: {  	[dreg:$0x5] =	wrdreg $0x9  }
0xb4: {  	_ =	task.clear_ibuf [dreg:s9], $0x6FFFF;
	_ =	strace $0x90000046  }
0xb5: {  	s29 =	simm.s32 $0x9;
	_ =	strace $0x80000048  }
0xb6: {  	_ =	swait.ge [sflag:s29], $0x1  }
0xb7: {  	[sflag:s29] =	ssyncadd.s32 $0xFFFFFFFF  }
0xb8: {  	_ =	strace $0x90000048  }
0xb9: {  	_ =	sfence  }
0xba: {  	s30 =	sld [smem:$0x0];
	_ =	sdelay $0x2  }
0xbb: {  	s31 =	sshll.u32 s1, $0xD;
	s1 =	sshrl.u32 s1, $0x2  }
0xbc: {  	s3 =	sand.u32 $0x4000, s31;
	s1 =	sadd.s32 s1, s30  }
0xbd: {  	s0 =	sor.u32 s3, s0;
	s1 =	sshll.u32 s1, $0x11  }
0xbe: {  	s0 =	sor.u32 s1, s0  }
0xbf: {  	s0 =	sadd.s32 $0x8F2B, s0  }
0xc0: {  	[sflag:s0] =	ssyncadd.remote.s32 $0x1  }
0xc1: {  	_ =	sfence.sel $0xFFFF  }
0xc2: {  	[dreg:$0x0] =	wrdreg $0xFFFFFFFF;
	(pc) =	sbr.abs _section_cstart, $3  }
0xc3: {  	[dreg:$0x1] =	wrdreg $0xFFFFFFFF  }
0xc4: {  	_ =	task.clear_ibuf [dreg:s9], $0x2FFFF;
	_ =	strace $0x9FFFFFFF  }
0xc5: {  	(tm) =	ssettm $0x7FFFFFFF  }
tec
execute0_lowered:
.L_overlay_start_1:
0x0: {  	(tag) =	ssettag $0x1  }
0x1: {  	s1 =	rddreg [dreg:$0x0]  }
0x2: {  	s2 =	rddreg [dreg:$0x1]  }
0x3: {  	s4 =	rddreg [dreg:$0x2];
	s6 =	stileid.u32  }
0x4: {  	s0 =	srdreg.scid;
	s3 =	simm.s32 $0x0;
	s5 =	sshll.u32 s6, $0x1  }
0x5: {  	s0 =	sand.u32 $0x1, s0;
	s6 =	sshrl.u32 s6, $0x2;
	s5 =	sand.u32 $0x6, s5  }
0x6: {  	s8 =	sshll.u32 s6, $0x4;
	s6 =	sshll.u32 s6, $0x13;
	s5 =	sor.u32 s0, s5  }
0x7: {  	s1 =	sadd.s32 s1, s8;
	s7 =	sshll.u32 s5, $0x10;
	s5 =	sshll.u32 s5, $0x8  }
0x8: {  	[smem:$0x7FF] =	sst s3;
	s6 =	sor.u32 s6, s7;
	s1 =	sadd.s32 s5, s1  }
0x9: {  	_ =	strace $0x80000047;
	s8 =	sadd.s32 s4, s6;
	[dreg:$0x4] =	wrdreg s1  }
0xa: {  	s16 =	sadd.s32 $0x800, s8;
	[smem:$0x7FB] =	sst s8  }
0xb: {  	s17 =	sadd.s32 $0x1000, s8;
	[dreg:$0x5] =	wrdreg s16  }
0xc: {  	s18 =	sadd.s32 $0x1800, s8;
	[dreg:$0x6] =	wrdreg s17  }
0xd: {  	s19 =	sadd.s32 $0x2000, s8;
	[dreg:$0x7] =	wrdreg s18  }
0xe: {  	s20 =	sadd.s32 $0x2800, s8;
	[dreg:$0x8] =	wrdreg s19  }
0xf: {  	s21 =	sadd.s32 $0x3000, s8;
	[dreg:$0x9] =	wrdreg s20  }
0x10: {  	s22 =	sadd.s32 $0x3800, s8;
	[dreg:$0xa] =	wrdreg s21  }
0x11: {  	s23 =	sadd.s32 $0x4000, s8;
	[dreg:$0xb] =	wrdreg s22  }
0x12: {  	s24 =	sadd.s32 $0x4800, s8;
	[dreg:$0xc] =	wrdreg s23  }
0x13: {  	s25 =	sadd.s32 $0x5000, s8;
	[dreg:$0xd] =	wrdreg s24  }
0x14: {  	s26 =	sadd.s32 $0x5800, s8;
	[dreg:$0xe] =	wrdreg s25  }
0x15: {  	s4 =	sadd.s32 $0x6000, s8;
	[dreg:$0xf] =	wrdreg s26  }
0x16: {  	s5 =	sadd.s32 $0x6800, s8;
	[dreg:$0x10] =	wrdreg s4  }
0x17: {  	s6 =	sadd.s32 $0x7000, s8;
	[dreg:$0x11] =	wrdreg s5  }
0x18: {  	s7 =	sadd.s32 $0x7800, s8;
	[dreg:$0x12] =	wrdreg s6  }
0x19: {  	s9 =	sadd.s32 $0x8000, s8;
	[dreg:$0x13] =	wrdreg s7  }
0x1a: {  	s10 =	sadd.s32 $0x8800, s8;
	[dreg:$0x14] =	wrdreg s9  }
0x1b: {  	s11 =	sadd.s32 $0x9000, s8;
	[dreg:$0x15] =	wrdreg s10  }
0x1c: {  	s12 =	sadd.s32 $0x9800, s8;
	[dreg:$0x16] =	wrdreg s11  }
0x1d: {  	s13 =	sadd.s32 $0xA000, s8;
	[dreg:$0x17] =	wrdreg s12  }
0x1e: {  	s14 =	sadd.s32 $0xA800, s8;
	[dreg:$0x18] =	wrdreg s13  }
0x1f: {  	s15 =	sadd.s32 $0xB000, s8;
	[dreg:$0x19] =	wrdreg s14  }
0x20: {  	[dreg:$0x1a] =	wrdreg s15;
	s16 =	sadd.s32 $0xB800, s8  }
0x21: {  	s17 =	sadd.s32 $0xC000, s8;
	[dreg:$0x1b] =	wrdreg s16  }
0x22: {  	s28 =	simm.s32 $0x3;
	s18 =	sadd.s32 $0xC800, s8;
	[dreg:$0x1c] =	wrdreg s17  }
0x23: {  	s29 =	simm.s32 $0xA;
	s19 =	sadd.s32 $0xD000, s8;
	[dreg:$0x1d] =	wrdreg s18  }
0x24: {  	s30 =	simm.s32 $0x4;
	s21 =	sadd.s32 $0xD800, s8;
	[dreg:$0x1e] =	wrdreg s19  }
0x25: {  	s31 =	simm.s32 $0xB;
	s22 =	sadd.s32 $0xE000, s8;
	[dreg:$0x1f] =	wrdreg s21  }
0x26: {  	s0 =	ssub.s32 $0x2, s0;
	s23 =	sadd.s32 $0xE800, s8;
	[smem:$0x7F8] =	sst s22  }
0x27: {  	s20 =	sshrl.u32 s0, $0x1;
	s24 =	sadd.s32 $0xF000, s8;
	[smem:$0x7F9] =	sst s23  }
0x28: {  	s5 =	sadd.s32 $0x100, s2;
	s25 =	sadd.s32 $0xF800, s8;
	[smem:$0x7FA] =	sst s24  }
0x29: {  	s6 =	sadd.s32 $0x200, s2;
	s26 =	simm.s32 $0x80;
	[smem:$0x7FC] =	sst s25  }
0x2a: {  	v2 =	vlaneseq.u32;
	s7 =	sadd.s32 $0x300, s2;
	s0 =	ssub.s32 s0, s20;
	[smem:$0x7FD] =	sst s26  }
0x2b: {  	vm0 =	vmmov $0xffff;
	v1 =	vshrl.u32 v2, $0x3;
	s22 =	simm.s32 $0x1;
	s23 =	simm.s32 $0x8;
	s24 =	simm.s32 $0x2  }
0x2c: {  	v0 =	vand.u32 $0x7, v2;
	v2 =	vor.u32 $0x8, v2;
	v1 =	vmul.u32 $0x8, v1;
	s25 =	simm.s32 $0x9;
	s17 =	simm.s32 $0x200;
	s19 =	smax.u32 s0, $0x1  }
.LBB2_1:
0x2d: {  	s15 =	sld [smem:$0x7FD];
	_ =	sdelay $0x1  }
0x2e: {  	s14 =	rddreg [dreg:$0x4];
	s8 =	simm.s32 $0xF  }
0x2f: {  	[tilespmem:s3], [sflag:$0xF] =	stream.strided.gather [hbm4b:s14+s15], $0x200, s17, s15, $0x38;
	[tilespmem:$0x1C200] =	vst v63  }
0x30: {  	_ =	swait.ge [sflag:s8], $0x200  }
0x31: {  	[sflag:s8] =	ssyncset.done $0x0  }
0x32: {  	[sflag:s8] =	ssyncadd.s32 $0xFFFFFE00  }
0x33: {  	v3 =	vld [tilespmem:$0x0];
	_ =	sdelay $0x4  }
0x34: {  	v4 =	vshll.u32 v3, $0x3  }
0x35: {  	v3 =	vand.u32 $0x7, v3;
	v4 =	vand.u32 $0xFFFFFFC0, v4  }
0x36: {  	v3 =	vor.u32 v3, v4  }
0x37: {  	v4 =	vperm.xlane v3, v0;
	_ =	sdelay $0x1  }
0x38: {  	v4 =	vadd.s32 v1, v4;
	_ =	sdelay $0x4  }
0x39: {  	[tilespmem:s17], [sflag:$0x1] =	stream.indirect_vreg.gather [hbm4b:s2+s3], $0x80, v4, vm0, $0xb8;
	[tilespmem:$0x1C200] =	vst v63  }
0x3a: {  	s4 =	simm.s32 $0xA00;
	v3 =	vperm.xlane v3, v2  }
0x3b: {  	[tilespmem:s4], [sflag:$0x1] =	stream.indirect_vreg.gather [hbm4b:s5+s3], $0x80, v4, vm0, $0xb8;
	[tilespmem:$0x1C200] =	vst v63  }
0x3c: {  	s9 =	simm.s32 $0x1200;
	v3 =	vadd.s32 v1, v3  }
0x3d: {  	[tilespmem:s9], [sflag:$0x1] =	stream.indirect_vreg.gather [hbm4b:s6+s3], $0x80, v4, vm0, $0xb8;
	[tilespmem:$0x1C200] =	vst v63  }
0x3e: {  	s10 =	simm.s32 $0x1A00  }
0x3f: {  	[tilespmem:s10], [sflag:$0x1] =	stream.indirect_vreg.gather [hbm4b:s7+s3], $0x80, v4, vm0, $0xb8;
	[tilespmem:$0x1C200] =	vst v63  }
0x40: {  	s11 =	simm.s32 $0x2200  }
0x41: {  	[tilespmem:s11], [sflag:$0x1] =	stream.indirect_vreg.gather [hbm4b:s2+s3], $0x80, v3, vm0, $0xb8;
	[tilespmem:$0x1C200] =	vst v63  }
0x42: {  	s12 =	simm.s32 $0x2A00  }
0x43: {  	[tilespmem:s12], [sflag:$0x1] =	stream.indirect_vreg.gather [hbm4b:s5+s3], $0x80, v3, vm0, $0xb8;
	[tilespmem:$0x1C200] =	vst v63  }
0x44: {  	s13 =	simm.s32 $0x3200  }
0x45: {  	[tilespmem:s13], [sflag:$0x1] =	stream.indirect_vreg.gather [hbm4b:s6+s3], $0x80, v3, vm0, $0xb8;
	[tilespmem:$0x1C200] =	vst v63  }
0x46: {  	s14 =	simm.s32 $0x3A00  }
0x47: {  	[tilespmem:s14], [sflag:$0x1] =	stream.indirect_vreg.gather [hbm4b:s7+s3], $0x80, v3, vm0, $0xb8;
	[tilespmem:$0x1C200] =	vst v63  }
0x48: {  	v3 =	vld [tilespmem:$0x10];
	_ =	sdelay $0x4  }
0x49: {  	v33 =	vshll.u32 v3, $0x3  }
0x4a: {  	v3 =	vand.u32 $0x7, v3;
	v4 =	vand.u32 $0xFFFFFFC0, v33  }
0x4b: {  	v3 =	vor.u32 v3, v4  }
0x4c: {  	v4 =	vperm.xlane v3, v0;
	_ =	sdelay $0x1  }
0x4d: {  	v4 =	vadd.s32 v1, v4;
	_ =	sdelay $0x3  }
0x4e: {  	s1 =	simm.s32 $0x4200  }
0x4f: {  	[tilespmem:s1], [sflag:$0x2] =	stream.indirect_vreg.gather [hbm4b:s2+s3], $0x80, v4, vm0, $0xb8;
	[tilespmem:$0x1C200] =	vst v63  }
0x50: {  	s15 =	simm.s32 $0x4A00;
	v3 =	vperm.xlane v3, v2  }
0x51: {  	[tilespmem:s15], [sflag:$0x2] =	stream.indirect_vreg.gather [hbm4b:s5+s3], $0x80, v4, vm0, $0xb8;
	[tilespmem:$0x1C200] =	vst v63  }
0x52: {  	s16 =	simm.s32 $0x5200;
	v3 =	vadd.s32 v1, v3  }
0x53: {  	[tilespmem:s16], [sflag:$0x2] =	stream.indirect_vreg.gather [hbm4b:s6+s3], $0x80, v4, vm0, $0xb8;
	[tilespmem:$0x1C200] =	vst v63  }
0x54: {  	s9 =	simm.s32 $0x5A00  }
0x55: {  	[tilespmem:s9], [sflag:$0x2] =	stream.indirect_vreg.gather [hbm4b:s7+s3], $0x80, v4, vm0, $0xb8;
	[tilespmem:$0x1C200] =	vst v63  }
0x56: {  	s10 =	simm.s32 $0x6200  }
0x57: {  	[tilespmem:s10], [sflag:$0x2] =	stream.indirect_vreg.gather [hbm4b:s2+s3], $0x80, v3, vm0, $0xb8;
	[tilespmem:$0x1C200] =	vst v63  }
0x58: {  	s11 =	simm.s32 $0x6A00  }
0x59: {  	[tilespmem:s11], [sflag:$0x2] =	stream.indirect_vreg.gather [hbm4b:s5+s3], $0x80, v3, vm0, $0xb8;
	[tilespmem:$0x1C200] =	vst v63  }
0x5a: {  	s12 =	simm.s32 $0x7200  }
0x5b: {  	[tilespmem:s12], [sflag:$0x2] =	stream.indirect_vreg.gather [hbm4b:s6+s3], $0x80, v3, vm0, $0xb8;
	[tilespmem:$0x1C200] =	vst v63  }
0x5c: {  	s13 =	simm.s32 $0x7A00  }
0x5d: {  	[tilespmem:s13], [sflag:$0x2] =	stream.indirect_vreg.gather [hbm4b:s7+s3], $0x80, v3, vm0, $0xb8;
	[tilespmem:$0x1C200] =	vst v63  }
0x5e: {  	v3 =	vld [tilespmem:$0x20];
	_ =	sdelay $0x4  }
0x5f: {  	v34 =	vshll.u32 v3, $0x3  }
0x60: {  	v3 =	vand.u32 $0x7, v3;
	v4 =	vand.u32 $0xFFFFFFC0, v34  }
0x61: {  	v3 =	vor.u32 v3, v4  }
0x62: {  	v4 =	vperm.xlane v3, v0;
	_ =	sdelay $0x1  }
0x63: {  	v4 =	vadd.s32 v1, v4;
	_ =	sdelay $0x3  }
0x64: {  	s14 =	simm.s32 $0x8200  }
0x65: {  	[tilespmem:s14], [sflag:$0x3] =	stream.indirect_vreg.gather [hbm4b:s2+s3], $0x80, v4, vm0, $0xb8;
	[tilespmem:$0x1C200] =	vst v63  }
0x66: {  	s9 =	simm.s32 $0x8A00;
	v3 =	vperm.xlane v3, v2  }
0x67: {  	[tilespmem:s9], [sflag:$0x3] =	stream.indirect_vreg.gather [hbm4b:s5+s3], $0x80, v4, vm0, $0xb8;
	[tilespmem:$0x1C200] =	vst v63  }
0x68: {  	s15 =	simm.s32 $0x9200;
	v3 =	vadd.s32 v1, v3  }
0x69: {  	[tilespmem:s15], [sflag:$0x3] =	stream.indirect_vreg.gather [hbm4b:s6+s3], $0x80, v4, vm0, $0xb8;
	[tilespmem:$0x1C200] =	vst v63  }
0x6a: {  	s16 =	simm.s32 $0x9A00  }
0x6b: {  	[tilespmem:s16], [sflag:$0x3] =	stream.indirect_vreg.gather [hbm4b:s7+s3], $0x80, v4, vm0, $0xb8;
	[tilespmem:$0x1C200] =	vst v63  }
0x6c: {  	s10 =	simm.s32 $0xA200  }
0x6d: {  	[tilespmem:s10], [sflag:$0x3] =	stream.indirect_vreg.gather [hbm4b:s2+s3], $0x80, v3, vm0, $0xb8;
	[tilespmem:$0x1C200] =	vst v63  }
0x6e: {  	s11 =	simm.s32 $0xAA00  }
0x6f: {  	[tilespmem:s11], [sflag:$0x3] =	stream.indirect_vreg.gather [hbm4b:s5+s3], $0x80, v3, vm0, $0xb8;
	[tilespmem:$0x1C200] =	vst v63  }
0x70: {  	s12 =	simm.s32 $0xB200  }
0x71: {  	[tilespmem:s12], [sflag:$0x3] =	stream.indirect_vreg.gather [hbm4b:s6+s3], $0x80, v3, vm0, $0xb8;
	[tilespmem:$0x1C200] =	vst v63  }
0x72: {  	s13 =	simm.s32 $0xBA00  }
0x73: {  	[tilespmem:s13], [sflag:$0x3] =	stream.indirect_vreg.gather [hbm4b:s7+s3], $0x80, v3, vm0, $0xb8;
	[tilespmem:$0x1C200] =	vst v63  }
0x74: {  	v3 =	vld [tilespmem:$0x30];
	_ =	sdelay $0x4  }
0x75: {  	v35 =	vshll.u32 v3, $0x3  }
0x76: {  	v3 =	vand.u32 $0x7, v3;
	v4 =	vand.u32 $0xFFFFFFC0, v35  }
0x77: {  	v3 =	vor.u32 v3, v4  }
0x78: {  	v4 =	vperm.xlane v3, v0;
	_ =	sdelay $0x1  }
0x79: {  	v4 =	vadd.s32 v1, v4;
	_ =	sdelay $0x3  }
0x7a: {  	s14 =	simm.s32 $0xC200  }
0x7b: {  	[tilespmem:s14], [sflag:$0x4] =	stream.indirect_vreg.gather [hbm4b:s2+s3], $0x80, v4, vm0, $0xb8;
	[tilespmem:$0x1C200] =	vst v63  }
0x7c: {  	s15 =	simm.s32 $0xCA00;
	v3 =	vperm.xlane v3, v2  }
0x7d: {  	[tilespmem:s15], [sflag:$0x4] =	stream.indirect_vreg.gather [hbm4b:s5+s3], $0x80, v4, vm0, $0xb8;
	[tilespmem:$0x1C200] =	vst v63  }
0x7e: {  	s16 =	simm.s32 $0xD200;
	v3 =	vadd.s32 v1, v3  }
0x7f: {  	[tilespmem:s16], [sflag:$0x4] =	stream.indirect_vreg.gather [hbm4b:s6+s3], $0x80, v4, vm0, $0xb8;
	[tilespmem:$0x1C200] =	vst v63  }
0x80: {  	s9 =	simm.s32 $0xDA00  }
0x81: {  	[tilespmem:s9], [sflag:$0x4] =	stream.indirect_vreg.gather [hbm4b:s7+s3], $0x80, v4, vm0, $0xb8;
	[tilespmem:$0x1C200] =	vst v63  }
0x82: {  	s11 =	simm.s32 $0xE200  }
0x83: {  	[tilespmem:s11], [sflag:$0x4] =	stream.indirect_vreg.gather [hbm4b:s2+s3], $0x80, v3, vm0, $0xb8;
	[tilespmem:$0x1C200] =	vst v63  }
0x84: {  	s12 =	simm.s32 $0xEA00  }
0x85: {  	[tilespmem:s12], [sflag:$0x4] =	stream.indirect_vreg.gather [hbm4b:s5+s3], $0x80, v3, vm0, $0xb8;
	[tilespmem:$0x1C200] =	vst v63  }
0x86: {  	s13 =	simm.s32 $0xF200  }
0x87: {  	[tilespmem:s13], [sflag:$0x4] =	stream.indirect_vreg.gather [hbm4b:s6+s3], $0x80, v3, vm0, $0xb8;
	[tilespmem:$0x1C200] =	vst v63  }
0x88: {  	s15 =	simm.s32 $0xFA00  }
0x89: {  	[tilespmem:s15], [sflag:$0x4] =	stream.indirect_vreg.gather [hbm4b:s7+s3], $0x80, v3, vm0, $0xb8;
	[tilespmem:$0x1C200] =	vst v63  }
0x8a: {  	v3 =	vld [tilespmem:$0x40];
	_ =	sdelay $0x4  }
0x8b: {  	v36 =	vshll.u32 v3, $0x3  }
0x8c: {  	v3 =	vand.u32 $0x7, v3;
	v4 =	vand.u32 $0xFFFFFFC0, v36  }
0x8d: {  	v3 =	vor.u32 v3, v4  }
0x8e: {  	v4 =	vperm.xlane v3, v0;
	_ =	sdelay $0x1  }
0x8f: {  	v4 =	vadd.s32 v1, v4;
	_ =	sdelay $0x3  }
0x90: {  	s16 =	simm.s32 $0x10200  }
0x91: {  	[tilespmem:s16], [sflag:$0x5] =	stream.indirect_vreg.gather [hbm4b:s2+s3], $0x80, v4, vm0, $0xb8;
	[tilespmem:$0x1C200] =	vst v63  }
0x92: {  	s9 =	simm.s32 $0x10A00;
	v3 =	vperm.xlane v3, v2  }
0x93: {  	[tilespmem:s9], [sflag:$0x5] =	stream.indirect_vreg.gather [hbm4b:s5+s3], $0x80, v4, vm0, $0xb8;
	[tilespmem:$0x1C200] =	vst v63  }
0x94: {  	s11 =	simm.s32 $0x11200;
	v3 =	vadd.s32 v1, v3  }
0x95: {  	[tilespmem:s11], [sflag:$0x5] =	stream.indirect_vreg.gather [hbm4b:s6+s3], $0x80, v4, vm0, $0xb8;
	[tilespmem:$0x1C200] =	vst v63  }
0x96: {  	s12 =	simm.s32 $0x11A00  }
0x97: {  	[tilespmem:s12], [sflag:$0x5] =	stream.indirect_vreg.gather [hbm4b:s7+s3], $0x80, v4, vm0, $0xb8;
	[tilespmem:$0x1C200] =	vst v63  }
0x98: {  	s13 =	simm.s32 $0x12200  }
0x99: {  	[tilespmem:s13], [sflag:$0x5] =	stream.indirect_vreg.gather [hbm4b:s2+s3], $0x80, v3, vm0, $0xb8;
	[tilespmem:$0x1C200] =	vst v63  }
0x9a: {  	s16 =	simm.s32 $0x12A00  }
0x9b: {  	[tilespmem:s16], [sflag:$0x5] =	stream.indirect_vreg.gather [hbm4b:s5+s3], $0x80, v3, vm0, $0xb8;
	[tilespmem:$0x1C200] =	vst v63  }
0x9c: {  	s9 =	simm.s32 $0x13200  }
0x9d: {  	[tilespmem:s9], [sflag:$0x5] =	stream.indirect_vreg.gather [hbm4b:s6+s3], $0x80, v3, vm0, $0xb8;
	[tilespmem:$0x1C200] =	vst v63  }
0x9e: {  	s13 =	simm.s32 $0x13A00  }
0x9f: {  	[tilespmem:s13], [sflag:$0x5] =	stream.indirect_vreg.gather [hbm4b:s7+s3], $0x80, v3, vm0, $0xb8;
	[tilespmem:$0x1C200] =	vst v63  }
0xa0: {  	v3 =	vld [tilespmem:$0x50];
	_ =	sdelay $0x4  }
0xa1: {  	v37 =	vshll.u32 v3, $0x3  }
0xa2: {  	v3 =	vand.u32 $0x7, v3;
	v4 =	vand.u32 $0xFFFFFFC0, v37  }
0xa3: {  	v3 =	vor.u32 v3, v4  }
0xa4: {  	v4 =	vperm.xlane v3, v0;
	_ =	sdelay $0x1  }
0xa5: {  	v4 =	vadd.s32 v1, v4;
	_ =	sdelay $0x3  }
0xa6: {  	s16 =	simm.s32 $0x14200  }
0xa7: {  	[tilespmem:s16], [sflag:$0x6] =	stream.indirect_vreg.gather [hbm4b:s2+s3], $0x80, v4, vm0, $0xb8;
	[tilespmem:$0x1C200] =	vst v63  }
0xa8: {  	s9 =	simm.s32 $0x14A00;
	v3 =	vperm.xlane v3, v2  }
0xa9: {  	[tilespmem:s9], [sflag:$0x6] =	stream.indirect_vreg.gather [hbm4b:s5+s3], $0x80, v4, vm0, $0xb8;
	[tilespmem:$0x1C200] =	vst v63  }
0xaa: {  	v3 =	vadd.s32 v1, v3;
	s16 =	simm.s32 $0x15200  }
0xab: {  	[tilespmem:s16], [sflag:$0x6] =	stream.indirect_vreg.gather [hbm4b:s6+s3], $0x80, v4, vm0, $0xb8;
	[tilespmem:$0x1C200] =	vst v63  }
0xac: {  	s9 =	simm.s32 $0x15A00  }
0xad: {  	[tilespmem:s9], [sflag:$0x6] =	stream.indirect_vreg.gather [hbm4b:s7+s3], $0x80, v4, vm0, $0xb8;
	[tilespmem:$0x1C200] =	vst v63  }
0xae: {  	s9 =	simm.s32 $0x16200  }
0xaf: {  	[tilespmem:s9], [sflag:$0x6] =	stream.indirect_vreg.gather [hbm4b:s2+s3], $0x80, v3, vm0, $0xb8;
	[tilespmem:$0x1C200] =	vst v63  }
0xb0: {  	s9 =	simm.s32 $0x16A00  }
0xb1: {  	[tilespmem:s9], [sflag:$0x6] =	stream.indirect_vreg.gather [hbm4b:s5+s3], $0x80, v3, vm0, $0xb8;
	[tilespmem:$0x1C200] =	vst v63  }
0xb2: {  	s9 =	simm.s32 $0x17200  }
0xb3: {  	[tilespmem:s9], [sflag:$0x6] =	stream.indirect_vreg.gather [hbm4b:s6+s3], $0x80, v3, vm0, $0xb8;
	[tilespmem:$0x1C200] =	vst v63  }
0xb4: {  	s9 =	simm.s32 $0x17A00  }
0xb5: {  	[tilespmem:s9], [sflag:$0x6] =	stream.indirect_vreg.gather [hbm4b:s7+s3], $0x80, v3, vm0, $0xb8;
	[tilespmem:$0x1C200] =	vst v63  }
0xb6: {  	v3 =	vld [tilespmem:$0x60];
	_ =	sdelay $0x4  }
0xb7: {  	v38 =	vshll.u32 v3, $0x3  }
0xb8: {  	v3 =	vand.u32 $0x7, v3;
	v4 =	vand.u32 $0xFFFFFFC0, v38  }
0xb9: {  	v3 =	vor.u32 v3, v4  }
0xba: {  	v4 =	vperm.xlane v3, v0;
	_ =	sdelay $0x1  }
0xbb: {  	v4 =	vadd.s32 v1, v4;
	_ =	sdelay $0x3  }
0xbc: {  	s9 =	simm.s32 $0x18200  }
0xbd: {  	[tilespmem:s9], [sflag:$0x7] =	stream.indirect_vreg.gather [hbm4b:s2+s3], $0x80, v4, vm0, $0xb8;
	[tilespmem:$0x1C200] =	vst v63  }
0xbe: {  	v3 =	vperm.xlane v3, v2;
	s9 =	simm.s32 $0x18A00  }
0xbf: {  	[tilespmem:s9], [sflag:$0x7] =	stream.indirect_vreg.gather [hbm4b:s5+s3], $0x80, v4, vm0, $0xb8;
	[tilespmem:$0x1C200] =	vst v63  }
0xc0: {  	v3 =	vadd.s32 v1, v3;
	s9 =	simm.s32 $0x19200  }
0xc1: {  	[tilespmem:s9], [sflag:$0x7] =	stream.indirect_vreg.gather [hbm4b:s6+s3], $0x80, v4, vm0, $0xb8;
	[tilespmem:$0x1C200] =	vst v63  }
0xc2: {  	s9 =	simm.s32 $0x19A00  }
0xc3: {  	[tilespmem:s9], [sflag:$0x7] =	stream.indirect_vreg.gather [hbm4b:s7+s3], $0x80, v4, vm0, $0xb8;
	[tilespmem:$0x1C200] =	vst v63  }
0xc4: {  	s9 =	simm.s32 $0x1A200  }
0xc5: {  	[tilespmem:s9], [sflag:$0x7] =	stream.indirect_vreg.gather [hbm4b:s2+s3], $0x80, v3, vm0, $0xb8;
	[tilespmem:$0x1C200] =	vst v63  }
0xc6: {  	s9 =	simm.s32 $0x1AA00  }
0xc7: {  	[tilespmem:s9], [sflag:$0x7] =	stream.indirect_vreg.gather [hbm4b:s5+s3], $0x80, v3, vm0, $0xb8;
	[tilespmem:$0x1C200] =	vst v63  }
0xc8: {  	s9 =	simm.s32 $0x1B200  }
0xc9: {  	[tilespmem:s9], [sflag:$0x7] =	stream.indirect_vreg.gather [hbm4b:s6+s3], $0x80, v3, vm0, $0xb8;
	[tilespmem:$0x1C200] =	vst v63  }
0xca: {  	s9 =	simm.s32 $0x1BA00  }
0xcb: {  	[tilespmem:s9], [sflag:$0x7] =	stream.indirect_vreg.gather [hbm4b:s7+s3], $0x80, v3, vm0, $0xb8;
	[tilespmem:$0x1C200] =	vst v63  }
0xcc: {  	_ =	swait.ge [sflag:s22], $0x4000  }
0xcd: {  	s9 =	sld [smem:$0x7FB]  }
0xce: {  	[sflag:s22] =	ssyncset.done $0x0  }
0xcf: {  	[sflag:s22] =	ssyncadd.s32 $0xFFFFC000  }
0xd0: {  	[hbm4b:s9+s3] =	stream.linear.scatter [tilespmem:s17], [sflag:$0x8], $0x4000, $0x38;
	[tilespmem:$0x1C200] =	vst v63  }
0xd1: {  	_ =	swait.ge [sflag:s23], $0x4000  }
0xd2: {  	[sflag:s23] =	ssyncset.done $0x0  }
0xd3: {  	[sflag:s23] =	ssyncadd.s32 $0xFFFFC000  }
0xd4: {  	v3 =	vld [tilespmem:$0x70];
	_ =	sdelay $0x4  }
0xd5: {  	v39 =	vshll.u32 v3, $0x3  }
0xd6: {  	v3 =	vand.u32 $0x7, v3;
	v4 =	vand.u32 $0xFFFFFFC0, v39  }
0xd7: {  	v3 =	vor.u32 v3, v4  }
0xd8: {  	v4 =	vperm.xlane v3, v0;
	_ =	sdelay $0x1  }
0xd9: {  	v4 =	vadd.s32 v1, v4;
	_ =	sdelay $0x4  }
0xda: {  	[tilespmem:s17], [sflag:$0x1] =	stream.indirect_vreg.gather [hbm4b:s2+s3], $0x80, v4, vm0, $0xb8;
	[tilespmem:$0x1C200] =	vst v63  }
0xdb: {  	s0 =	simm.s32 $0xA00;
	v3 =	vperm.xlane v3, v2  }
0xdc: {  	[tilespmem:s0], [sflag:$0x1] =	stream.indirect_vreg.gather [hbm4b:s5+s3], $0x80, v4, vm0, $0xb8;
	[tilespmem:$0x1C200] =	vst v63  }
0xdd: {  	s26 =	simm.s32 $0x1200;
	v3 =	vadd.s32 v1, v3  }
0xde: {  	[tilespmem:s26], [sflag:$0x1] =	stream.indirect_vreg.gather [hbm4b:s6+s3], $0x80, v4, vm0, $0xb8;
	[tilespmem:$0x1C200] =	vst v63  }
0xdf: {  	s14 =	simm.s32 $0x1A00  }
0xe0: {  	[tilespmem:s14], [sflag:$0x1] =	stream.indirect_vreg.gather [hbm4b:s7+s3], $0x80, v4, vm0, $0xb8;
	[tilespmem:$0x1C200] =	vst v63  }
0xe1: {  	s8 =	simm.s32 $0x2200  }
0xe2: {  	[tilespmem:s8], [sflag:$0x1] =	stream.indirect_vreg.gather [hbm4b:s2+s3], $0x80, v3, vm0, $0xb8;
	[tilespmem:$0x1C200] =	vst v63  }
0xe3: {  	s20 =	simm.s32 $0x2A00  }
0xe4: {  	[tilespmem:s20], [sflag:$0x1] =	stream.indirect_vreg.gather [hbm4b:s5+s3], $0x80, v3, vm0, $0xb8;
	[tilespmem:$0x1C200] =	vst v63  }
0xe5: {  	s21 =	simm.s32 $0x3200  }
0xe6: {  	[tilespmem:s21], [sflag:$0x1] =	stream.indirect_vreg.gather [hbm4b:s6+s3], $0x80, v3, vm0, $0xb8;
	[tilespmem:$0x1C200] =	vst v63  }
0xe7: {  	s18 =	simm.s32 $0x3A00  }
0xe8: {  	[tilespmem:s18], [sflag:$0x1] =	stream.indirect_vreg.gather [hbm4b:s7+s3], $0x80, v3, vm0, $0xb8;
	[tilespmem:$0x1C200] =	vst v63  }
0xe9: {  	_ =	swait.ge [sflag:s24], $0x4000  }
0xea: {  	[sflag:s24] =	ssyncset.done $0x0  }
0xeb: {  	s1 =	simm.s32 $0x4200;
	s0 =	rddreg [dreg:$0x5];
	[sflag:s24] =	ssyncadd.s32 $0xFFFFC000  }
0xec: {  	[hbm4b:s0+s3] =	stream.linear.scatter [tilespmem:s1], [sflag:$0x9], $0x4000, $0x38;
	[tilespmem:$0x1C200] =	vst v63  }
0xed: {  	_ =	swait.ge [sflag:s25], $0x4000  }
0xee: {  	[sflag:s25] =	ssyncset.done $0x0  }
0xef: {  	[sflag:s25] =	ssyncadd.s32 $0xFFFFC000  }
0xf0: {  	v3 =	vld [tilespmem:$0x80];
	_ =	sdelay $0x4  }
0xf1: {  	v40 =	vshll.u32 v3, $0x3  }
0xf2: {  	v3 =	vand.u32 $0x7, v3;
	v4 =	vand.u32 $0xFFFFFFC0, v40  }
0xf3: {  	v3 =	vor.u32 v3, v4  }
0xf4: {  	v4 =	vperm.xlane v3, v0;
	_ =	sdelay $0x1  }
0xf5: {  	v4 =	vadd.s32 v1, v4;
	_ =	sdelay $0x4  }
0xf6: {  	[tilespmem:s1], [sflag:$0x2] =	stream.indirect_vreg.gather [hbm4b:s2+s3], $0x80, v4, vm0, $0xb8;
	[tilespmem:$0x1C200] =	vst v63  }
0xf7: {  	v3 =	vperm.xlane v3, v2;
	s1 =	simm.s32 $0x4A00  }
0xf8: {  	[tilespmem:s1], [sflag:$0x2] =	stream.indirect_vreg.gather [hbm4b:s5+s3], $0x80, v4, vm0, $0xb8;
	[tilespmem:$0x1C200] =	vst v63  }
0xf9: {  	s8 =	simm.s32 $0x5200;
	v3 =	vadd.s32 v1, v3  }
0xfa: {  	[tilespmem:s8], [sflag:$0x2] =	stream.indirect_vreg.gather [hbm4b:s6+s3], $0x80, v4, vm0, $0xb8;
	[tilespmem:$0x1C200] =	vst v63  }
0xfb: {  	s9 =	simm.s32 $0x5A00  }
0xfc: {  	[tilespmem:s9], [sflag:$0x2] =	stream.indirect_vreg.gather [hbm4b:s7+s3], $0x80, v4, vm0, $0xb8;
	[tilespmem:$0x1C200] =	vst v63  }
0xfd: {  	s14 =	simm.s32 $0x6200  }
0xfe: {  	[tilespmem:s14], [sflag:$0x2] =	stream.indirect_vreg.gather [hbm4b:s2+s3], $0x80, v3, vm0, $0xb8;
	[tilespmem:$0x1C200] =	vst v63  }
0xff: {  	s18 =	simm.s32 $0x6A00  }
0x100: {  	[tilespmem:s18], [sflag:$0x2] =	stream.indirect_vreg.gather [hbm4b:s5+s3], $0x80, v3, vm0, $0xb8;
	[tilespmem:$0x1C200] =	vst v63  }
0x101: {  	s20 =	simm.s32 $0x7200  }
0x102: {  	[tilespmem:s20], [sflag:$0x2] =	stream.indirect_vreg.gather [hbm4b:s6+s3], $0x80, v3, vm0, $0xb8;
	[tilespmem:$0x1C200] =	vst v63  }
0x103: {  	s21 =	simm.s32 $0x7A00  }
0x104: {  	[tilespmem:s21], [sflag:$0x2] =	stream.indirect_vreg.gather [hbm4b:s7+s3], $0x80, v3, vm0, $0xb8;
	[tilespmem:$0x1C200] =	vst v63  }
0x105: {  	_ =	swait.ge [sflag:s28], $0x4000  }
0x106: {  	[sflag:s28] =	ssyncset.done $0x0  }
0x107: {  	s4 =	simm.s32 $0x8200;
	s1 =	rddreg [dreg:$0x6];
	[sflag:s28] =	ssyncadd.s32 $0xFFFFC000  }
0x108: {  	[hbm4b:s1+s3] =	stream.linear.scatter [tilespmem:s4], [sflag:$0xA], $0x4000, $0x38;
	[tilespmem:$0x1C200] =	vst v63  }
0x109: {  	_ =	swait.ge [sflag:s29], $0x4000  }
0x10a: {  	[sflag:s29] =	ssyncset.done $0x0  }
0x10b: {  	[sflag:s29] =	ssyncadd.s32 $0xFFFFC000  }
0x10c: {  	v3 =	vld [tilespmem:$0x90];
	_ =	sdelay $0x4  }
0x10d: {  	v41 =	vshll.u32 v3, $0x3  }
0x10e: {  	v3 =	vand.u32 $0x7, v3;
	v4 =	vand.u32 $0xFFFFFFC0, v41  }
0x10f: {  	v3 =	vor.u32 v3, v4  }
0x110: {  	v4 =	vperm.xlane v3, v0;
	_ =	sdelay $0x1  }
0x111: {  	v4 =	vadd.s32 v1, v4;
	_ =	sdelay $0x4  }
0x112: {  	[tilespmem:s4], [sflag:$0x3] =	stream.indirect_vreg.gather [hbm4b:s2+s3], $0x80, v4, vm0, $0xb8;
	[tilespmem:$0x1C200] =	vst v63  }
0x113: {  	s9 =	simm.s32 $0x8A00;
	v3 =	vperm.xlane v3, v2  }
0x114: {  	[tilespmem:s9], [sflag:$0x3] =	stream.indirect_vreg.gather [hbm4b:s5+s3], $0x80, v4, vm0, $0xb8;
	[tilespmem:$0x1C200] =	vst v63  }
0x115: {  	v3 =	vadd.s32 v1, v3;
	s4 =	simm.s32 $0x9200  }
0x116: {  	[tilespmem:s4], [sflag:$0x3] =	stream.indirect_vreg.gather [hbm4b:s6+s3], $0x80, v4, vm0, $0xb8;
	[tilespmem:$0x1C200] =	vst v63  }
0x117: {  	s21 =	simm.s32 $0x9A00  }
0x118: {  	[tilespmem:s21], [sflag:$0x3] =	stream.indirect_vreg.gather [hbm4b:s7+s3], $0x80, v4, vm0, $0xb8;
	[tilespmem:$0x1C200] =	vst v63  }
0x119: {  	s9 =	simm.s32 $0xA200  }
0x11a: {  	[tilespmem:s9], [sflag:$0x3] =	stream.indirect_vreg.gather [hbm4b:s2+s3], $0x80, v3, vm0, $0xb8;
	[tilespmem:$0x1C200] =	vst v63  }
0x11b: {  	s20 =	simm.s32 $0xAA00  }
0x11c: {  	[tilespmem:s20], [sflag:$0x3] =	stream.indirect_vreg.gather [hbm4b:s5+s3], $0x80, v3, vm0, $0xb8;
	[tilespmem:$0x1C200] =	vst v63  }
0x11d: {  	s18 =	simm.s32 $0xB200  }
0x11e: {  	[tilespmem:s18], [sflag:$0x3] =	stream.indirect_vreg.gather [hbm4b:s6+s3], $0x80, v3, vm0, $0xb8;
	[tilespmem:$0x1C200] =	vst v63  }
0x11f: {  	s14 =	simm.s32 $0xBA00  }
0x120: {  	[tilespmem:s14], [sflag:$0x3] =	stream.indirect_vreg.gather [hbm4b:s7+s3], $0x80, v3, vm0, $0xb8;
	[tilespmem:$0x1C200] =	vst v63  }
0x121: {  	_ =	swait.ge [sflag:s30], $0x4000  }
0x122: {  	[sflag:s30] =	ssyncset.done $0x0  }
0x123: {  	s10 =	simm.s32 $0xC200;
	s0 =	rddreg [dreg:$0x7];
	[sflag:s30] =	ssyncadd.s32 $0xFFFFC000  }
0x124: {  	[hbm4b:s0+s3] =	stream.linear.scatter [tilespmem:s10], [sflag:$0xB], $0x4000, $0x38;
	[tilespmem:$0x1C200] =	vst v63  }
0x125: {  	_ =	swait.ge [sflag:s31], $0x4000  }
0x126: {  	[sflag:s31] =	ssyncset.done $0x0  }
0x127: {  	[sflag:s31] =	ssyncadd.s32 $0xFFFFC000  }
0x128: {  	v3 =	vld [tilespmem:$0xA0];
	_ =	sdelay $0x4  }
0x129: {  	v42 =	vshll.u32 v3, $0x3  }
0x12a: {  	v3 =	vand.u32 $0x7, v3;
	v4 =	vand.u32 $0xFFFFFFC0, v42  }
0x12b: {  	v3 =	vor.u32 v3, v4  }
0x12c: {  	v4 =	vperm.xlane v3, v0;
	_ =	sdelay $0x1  }
0x12d: {  	v4 =	vadd.s32 v1, v4;
	_ =	sdelay $0x4  }
0x12e: {  	[tilespmem:s10], [sflag:$0x4] =	stream.indirect_vreg.gather [hbm4b:s2+s3], $0x80, v4, vm0, $0xb8;
	[tilespmem:$0x1C200] =	vst v63  }
0x12f: {  	s1 =	simm.s32 $0xCA00;
	v3 =	vperm.xlane v3, v2  }
0x130: {  	[tilespmem:s1], [sflag:$0x4] =	stream.indirect_vreg.gather [hbm4b:s5+s3], $0x80, v4, vm0, $0xb8;
	[tilespmem:$0x1C200] =	vst v63  }
0x131: {  	v3 =	vadd.s32 v1, v3;
	s10 =	simm.s32 $0xD200  }
0x132: {  	[tilespmem:s10], [sflag:$0x4] =	stream.indirect_vreg.gather [hbm4b:s6+s3], $0x80, v4, vm0, $0xb8;
	[tilespmem:$0x1C200] =	vst v63  }
0x133: {  	s14 =	simm.s32 $0xDA00  }
0x134: {  	[tilespmem:s14], [sflag:$0x4] =	stream.indirect_vreg.gather [hbm4b:s7+s3], $0x80, v4, vm0, $0xb8;
	[tilespmem:$0x1C200] =	vst v63  }
0x135: {  	s1 =	simm.s32 $0xE200  }
0x136: {  	[tilespmem:s1], [sflag:$0x4] =	stream.indirect_vreg.gather [hbm4b:s2+s3], $0x80, v3, vm0, $0xb8;
	[tilespmem:$0x1C200] =	vst v63  }
0x137: {  	s10 =	simm.s32 $0xEA00  }
0x138: {  	[tilespmem:s10], [sflag:$0x4] =	stream.indirect_vreg.gather [hbm4b:s5+s3], $0x80, v3, vm0, $0xb8;
	[tilespmem:$0x1C200] =	vst v63  }
0x139: {  	s14 =	simm.s32 $0xF200  }
0x13a: {  	[tilespmem:s14], [sflag:$0x4] =	stream.indirect_vreg.gather [hbm4b:s6+s3], $0x80, v3, vm0, $0xb8;
	[tilespmem:$0x1C200] =	vst v63  }
0x13b: {  	s1 =	simm.s32 $0xFA00  }
0x13c: {  	[tilespmem:s1], [sflag:$0x4] =	stream.indirect_vreg.gather [hbm4b:s7+s3], $0x80, v3, vm0, $0xb8;
	[tilespmem:$0x1C200] =	vst v63  }
0x13d: {  	s1 =	simm.s32 $0x5  }
0x13e: {  	_ =	swait.ge [sflag:s1], $0x4000  }
0x13f: {  	[sflag:s1] =	ssyncset.done $0x0  }
0x140: {  	s15 =	simm.s32 $0x10200;
	s10 =	rddreg [dreg:$0x8];
	[sflag:s1] =	ssyncadd.s32 $0xFFFFC000  }
0x141: {  	[hbm4b:s10+s3] =	stream.linear.scatter [tilespmem:s15], [sflag:$0xC], $0x4000, $0x38;
	[tilespmem:$0x1C200] =	vst v63  }
0x142: {  	s10 =	simm.s32 $0xC  }
0x143: {  	_ =	swait.ge [sflag:s10], $0x4000  }
0x144: {  	[sflag:s10] =	ssyncset.done $0x0  }
0x145: {  	[sflag:s10] =	ssyncadd.s32 $0xFFFFC000  }
0x146: {  	v3 =	vld [tilespmem:$0xB0];
	_ =	sdelay $0x4  }
0x147: {  	v43 =	vshll.u32 v3, $0x3  }
0x148: {  	v3 =	vand.u32 $0x7, v3;
	v4 =	vand.u32 $0xFFFFFFC0, v43  }
0x149: {  	v3 =	vor.u32 v3, v4  }
0x14a: {  	v4 =	vperm.xlane v3, v0;
	_ =	sdelay $0x1  }
0x14b: {  	v4 =	vadd.s32 v1, v4;
	_ =	sdelay $0x4  }
0x14c: {  	[tilespmem:s15], [sflag:$0x5] =	stream.indirect_vreg.gather [hbm4b:s2+s3], $0x80, v4, vm0, $0xb8;
	[tilespmem:$0x1C200] =	vst v63  }
0x14d: {  	s14 =	simm.s32 $0x10A00;
	v3 =	vperm.xlane v3, v2  }
0x14e: {  	[tilespmem:s14], [sflag:$0x5] =	stream.indirect_vreg.gather [hbm4b:s5+s3], $0x80, v4, vm0, $0xb8;
	[tilespmem:$0x1C200] =	vst v63  }
0x14f: {  	s11 =	simm.s32 $0x11200;
	v3 =	vadd.s32 v1, v3  }
0x150: {  	[tilespmem:s11], [sflag:$0x5] =	stream.indirect_vreg.gather [hbm4b:s6+s3], $0x80, v4, vm0, $0xb8;
	[tilespmem:$0x1C200] =	vst v63  }
0x151: {  	s12 =	simm.s32 $0x11A00  }
0x152: {  	[tilespmem:s12], [sflag:$0x5] =	stream.indirect_vreg.gather [hbm4b:s7+s3], $0x80, v4, vm0, $0xb8;
	[tilespmem:$0x1C200] =	vst v63  }
0x153: {  	s11 =	simm.s32 $0x12200  }
0x154: {  	[tilespmem:s11], [sflag:$0x5] =	stream.indirect_vreg.gather [hbm4b:s2+s3], $0x80, v3, vm0, $0xb8;
	[tilespmem:$0x1C200] =	vst v63  }
0x155: {  	s12 =	simm.s32 $0x12A00  }
0x156: {  	[tilespmem:s12], [sflag:$0x5] =	stream.indirect_vreg.gather [hbm4b:s5+s3], $0x80, v3, vm0, $0xb8;
	[tilespmem:$0x1C200] =	vst v63  }
0x157: {  	s14 =	simm.s32 $0x13200  }
0x158: {  	[tilespmem:s14], [sflag:$0x5] =	stream.indirect_vreg.gather [hbm4b:s6+s3], $0x80, v3, vm0, $0xb8;
	[tilespmem:$0x1C200] =	vst v63  }
0x159: {  	s11 =	simm.s32 $0x13A00  }
0x15a: {  	[tilespmem:s11], [sflag:$0x5] =	stream.indirect_vreg.gather [hbm4b:s7+s3], $0x80, v3, vm0, $0xb8;
	[tilespmem:$0x1C200] =	vst v63  }
0x15b: {  	s11 =	simm.s32 $0x6  }
0x15c: {  	_ =	swait.ge [sflag:s11], $0x4000  }
0x15d: {  	[sflag:s11] =	ssyncset.done $0x0  }
0x15e: {  	s13 =	simm.s32 $0x14200;
	s12 =	rddreg [dreg:$0x9];
	[sflag:s11] =	ssyncadd.s32 $0xFFFFC000  }
0x15f: {  	[hbm4b:s12+s3] =	stream.linear.scatter [tilespmem:s13], [sflag:$0xD], $0x4000, $0x38;
	[tilespmem:$0x1C200] =	vst v63  }
0x160: {  	s12 =	simm.s32 $0xD  }
0x161: {  	_ =	swait.ge [sflag:s12], $0x4000  }
0x162: {  	[sflag:s12] =	ssyncset.done $0x0  }
0x163: {  	[sflag:s12] =	ssyncadd.s32 $0xFFFFC000  }
0x164: {  	v3 =	vld [tilespmem:$0xC0];
	_ =	sdelay $0x4  }
0x165: {  	v44 =	vshll.u32 v3, $0x3  }
0x166: {  	v3 =	vand.u32 $0x7, v3;
	v4 =	vand.u32 $0xFFFFFFC0, v44  }
0x167: {  	v3 =	vor.u32 v3, v4  }
0x168: {  	v4 =	vperm.xlane v3, v0;
	_ =	sdelay $0x1  }
0x169: {  	v4 =	vadd.s32 v1, v4;
	_ =	sdelay $0x4  }
0x16a: {  	[tilespmem:s13], [sflag:$0x6] =	stream.indirect_vreg.gather [hbm4b:s2+s3], $0x80, v4, vm0, $0xb8;
	[tilespmem:$0x1C200] =	vst v63  }
0x16b: {  	v3 =	vperm.xlane v3, v2;
	s13 =	simm.s32 $0x14A00  }
0x16c: {  	[tilespmem:s13], [sflag:$0x6] =	stream.indirect_vreg.gather [hbm4b:s5+s3], $0x80, v4, vm0, $0xb8;
	[tilespmem:$0x1C200] =	vst v63  }
0x16d: {  	s16 =	simm.s32 $0x15200;
	v3 =	vadd.s32 v1, v3  }
0x16e: {  	[tilespmem:s16], [sflag:$0x6] =	stream.indirect_vreg.gather [hbm4b:s6+s3], $0x80, v4, vm0, $0xb8;
	[tilespmem:$0x1C200] =	vst v63  }
0x16f: {  	s14 =	simm.s32 $0x15A00  }
0x170: {  	[tilespmem:s14], [sflag:$0x6] =	stream.indirect_vreg.gather [hbm4b:s7+s3], $0x80, v4, vm0, $0xb8;
	[tilespmem:$0x1C200] =	vst v63  }
0x171: {  	s16 =	simm.s32 $0x16200  }
0x172: {  	[tilespmem:s16], [sflag:$0x6] =	stream.indirect_vreg.gather [hbm4b:s2+s3], $0x80, v3, vm0, $0xb8;
	[tilespmem:$0x1C200] =	vst v63  }
0x173: {  	s13 =	simm.s32 $0x16A00  }
0x174: {  	[tilespmem:s13], [sflag:$0x6] =	stream.indirect_vreg.gather [hbm4b:s5+s3], $0x80, v3, vm0, $0xb8;
	[tilespmem:$0x1C200] =	vst v63  }
0x175: {  	s14 =	simm.s32 $0x17200  }
0x176: {  	[tilespmem:s14], [sflag:$0x6] =	stream.indirect_vreg.gather [hbm4b:s6+s3], $0x80, v3, vm0, $0xb8;
	[tilespmem:$0x1C200] =	vst v63  }
0x177: {  	s16 =	simm.s32 $0x17A00;
	s13 =	simm.s32 $0x7  }
0x178: {  	[tilespmem:s16], [sflag:$0x6] =	stream.indirect_vreg.gather [hbm4b:s7+s3], $0x80, v3, vm0, $0xb8;
	[tilespmem:$0x1C200] =	vst v63  }
0x179: {  	_ =	swait.ge [sflag:s13], $0x4000  }
0x17a: {  	[sflag:s13] =	ssyncset.done $0x0  }
0x17b: {  	s16 =	simm.s32 $0x18200;
	s0 =	rddreg [dreg:$0xa];
	[sflag:s13] =	ssyncadd.s32 $0xFFFFC000  }
0x17c: {  	[hbm4b:s0+s3] =	stream.linear.scatter [tilespmem:s16], [sflag:$0xE], $0x4000, $0x38;
	[tilespmem:$0x1C200] =	vst v63  }
0x17d: {  	s0 =	simm.s32 $0xE  }
0x17e: {  	_ =	swait.ge [sflag:s0], $0x4000  }
0x17f: {  	[sflag:s0] =	ssyncset.done $0x0  }
0x180: {  	[sflag:s0] =	ssyncadd.s32 $0xFFFFC000  }
0x181: {  	v3 =	vld [tilespmem:$0xD0];
	_ =	sdelay $0x4  }
0x182: {  	v45 =	vshll.u32 v3, $0x3  }
0x183: {  	v3 =	vand.u32 $0x7, v3;
	v4 =	vand.u32 $0xFFFFFFC0, v45  }
0x184: {  	v3 =	vor.u32 v3, v4  }
0x185: {  	v4 =	vperm.xlane v3, v0;
	_ =	sdelay $0x1  }
0x186: {  	v4 =	vadd.s32 v1, v4;
	_ =	sdelay $0x4  }
0x187: {  	[tilespmem:s16], [sflag:$0x7] =	stream.indirect_vreg.gather [hbm4b:s2+s3], $0x80, v4, vm0, $0xb8;
	[tilespmem:$0x1C200] =	vst v63  }
0x188: {  	s14 =	simm.s32 $0x18A00;
	v3 =	vperm.xlane v3, v2  }
0x189: {  	[tilespmem:s14], [sflag:$0x7] =	stream.indirect_vreg.gather [hbm4b:s5+s3], $0x80, v4, vm0, $0xb8;
	[tilespmem:$0x1C200] =	vst v63  }
0x18a: {  	v3 =	vadd.s32 v1, v3;
	s14 =	simm.s32 $0x19200  }
0x18b: {  	[tilespmem:s14], [sflag:$0x7] =	stream.indirect_vreg.gather [hbm4b:s6+s3], $0x80, v4, vm0, $0xb8;
	[tilespmem:$0x1C200] =	vst v63  }
0x18c: {  	s14 =	simm.s32 $0x19A00  }
0x18d: {  	[tilespmem:s14], [sflag:$0x7] =	stream.indirect_vreg.gather [hbm4b:s7+s3], $0x80, v4, vm0, $0xb8;
	[tilespmem:$0x1C200] =	vst v63  }
0x18e: {  	s14 =	simm.s32 $0x1A200  }
0x18f: {  	[tilespmem:s14], [sflag:$0x7] =	stream.indirect_vreg.gather [hbm4b:s2+s3], $0x80, v3, vm0, $0xb8;
	[tilespmem:$0x1C200] =	vst v63  }
0x190: {  	s14 =	simm.s32 $0x1AA00  }
0x191: {  	[tilespmem:s14], [sflag:$0x7] =	stream.indirect_vreg.gather [hbm4b:s5+s3], $0x80, v3, vm0, $0xb8;
	[tilespmem:$0x1C200] =	vst v63  }
0x192: {  	s14 =	simm.s32 $0x1B200  }
0x193: {  	[tilespmem:s14], [sflag:$0x7] =	stream.indirect_vreg.gather [hbm4b:s6+s3], $0x80, v3, vm0, $0xb8;
	[tilespmem:$0x1C200] =	vst v63  }
0x194: {  	s14 =	simm.s32 $0x1BA00  }
0x195: {  	[tilespmem:s14], [sflag:$0x7] =	stream.indirect_vreg.gather [hbm4b:s7+s3], $0x80, v3, vm0, $0xb8;
	[tilespmem:$0x1C200] =	vst v63  }
0x196: {  	_ =	swait.ge [sflag:s22], $0x4000  }
0x197: {  	[sflag:s22] =	ssyncset.done $0x0  }
0x198: {  	s14 =	rddreg [dreg:$0xb];
	[sflag:s22] =	ssyncadd.s32 $0xFFFFC000  }
0x199: {  	[hbm4b:s14+s3] =	stream.linear.scatter [tilespmem:s17], [sflag:$0x8], $0x4000, $0x38;
	[tilespmem:$0x1C200] =	vst v63  }
0x19a: {  	_ =	swait.ge [sflag:s23], $0x4000  }
0x19b: {  	[sflag:s23] =	ssyncset.done $0x0  }
0x19c: {  	[sflag:s23] =	ssyncadd.s32 $0xFFFFC000  }
0x19d: {  	v3 =	vld [tilespmem:$0xE0];
	_ =	sdelay $0x4  }
0x19e: {  	v46 =	vshll.u32 v3, $0x3  }
0x19f: {  	v3 =	vand.u32 $0x7, v3;
	v4 =	vand.u32 $0xFFFFFFC0, v46  }
0x1a0: {  	v3 =	vor.u32 v3, v4  }
0x1a1: {  	v4 =	vperm.xlane v3, v0;
	_ =	sdelay $0x1  }
0x1a2: {  	v4 =	vadd.s32 v1, v4;
	_ =	sdelay $0x4  }
0x1a3: {  	[tilespmem:s17], [sflag:$0x1] =	stream.indirect_vreg.gather [hbm4b:s2+s3], $0x80, v4, vm0, $0xb8;
	[tilespmem:$0x1C200] =	vst v63  }
0x1a4: {  	s14 =	simm.s32 $0xA00;
	v3 =	vperm.xlane v3, v2  }
0x1a5: {  	[tilespmem:s14], [sflag:$0x1] =	stream.indirect_vreg.gather [hbm4b:s5+s3], $0x80, v4, vm0, $0xb8;
	[tilespmem:$0x1C200] =	vst v63  }
0x1a6: {  	s26 =	simm.s32 $0x1200;
	v3 =	vadd.s32 v1, v3  }
0x1a7: {  	[tilespmem:s26], [sflag:$0x1] =	stream.indirect_vreg.gather [hbm4b:s6+s3], $0x80, v4, vm0, $0xb8;
	[tilespmem:$0x1C200] =	vst v63  }
0x1a8: {  	s26 =	simm.s32 $0x1A00  }
0x1a9: {  	[tilespmem:s26], [sflag:$0x1] =	stream.indirect_vreg.gather [hbm4b:s7+s3], $0x80, v4, vm0, $0xb8;
	[tilespmem:$0x1C200] =	vst v63  }
0x1aa: {  	s26 =	simm.s32 $0x2200  }
0x1ab: {  	[tilespmem:s26], [sflag:$0x1] =	stream.indirect_vreg.gather [hbm4b:s2+s3], $0x80, v3, vm0, $0xb8;
	[tilespmem:$0x1C200] =	vst v63  }
0x1ac: {  	s26 =	simm.s32 $0x2A00  }
0x1ad: {  	[tilespmem:s26], [sflag:$0x1] =	stream.indirect_vreg.gather [hbm4b:s5+s3], $0x80, v3, vm0, $0xb8;
	[tilespmem:$0x1C200] =	vst v63  }
0x1ae: {  	s26 =	simm.s32 $0x3200  }
0x1af: {  	[tilespmem:s26], [sflag:$0x1] =	stream.indirect_vreg.gather [hbm4b:s6+s3], $0x80, v3, vm0, $0xb8;
	[tilespmem:$0x1C200] =	vst v63  }
0x1b0: {  	s26 =	simm.s32 $0x3A00  }
0x1b1: {  	[tilespmem:s26], [sflag:$0x1] =	stream.indirect_vreg.gather [hbm4b:s7+s3], $0x80, v3, vm0, $0xb8;
	[tilespmem:$0x1C200] =	vst v63  }
0x1b2: {  	_ =	swait.ge [sflag:s24], $0x4000  }
0x1b3: {  	[sflag:s24] =	ssyncset.done $0x0  }
0x1b4: {  	s26 =	simm.s32 $0x4200;
	s14 =	rddreg [dreg:$0xc];
	[sflag:s24] =	ssyncadd.s32 $0xFFFFC000  }
0x1b5: {  	[hbm4b:s14+s3] =	stream.linear.scatter [tilespmem:s26], [sflag:$0x9], $0x4000, $0x38;
	[tilespmem:$0x1C200] =	vst v63  }
0x1b6: {  	_ =	swait.ge [sflag:s25], $0x4000  }
0x1b7: {  	[sflag:s25] =	ssyncset.done $0x0  }
0x1b8: {  	[sflag:s25] =	ssyncadd.s32 $0xFFFFC000  }
0x1b9: {  	v3 =	vld [tilespmem:$0xF0];
	_ =	sdelay $0x4  }
0x1ba: {  	v47 =	vshll.u32 v3, $0x3  }
0x1bb: {  	v3 =	vand.u32 $0x7, v3;
	v4 =	vand.u32 $0xFFFFFFC0, v47  }
0x1bc: {  	v3 =	vor.u32 v3, v4  }
0x1bd: {  	v4 =	vperm.xlane v3, v0;
	_ =	sdelay $0x1  }
0x1be: {  	v4 =	vadd.s32 v1, v4;
	_ =	sdelay $0x4  }
0x1bf: {  	[tilespmem:s26], [sflag:$0x2] =	stream.indirect_vreg.gather [hbm4b:s2+s3], $0x80, v4, vm0, $0xb8;
	[tilespmem:$0x1C200] =	vst v63  }
0x1c0: {  	s14 =	simm.s32 $0x4A00;
	v3 =	vperm.xlane v3, v2  }
0x1c1: {  	[tilespmem:s14], [sflag:$0x2] =	stream.indirect_vreg.gather [hbm4b:s5+s3], $0x80, v4, vm0, $0xb8;
	[tilespmem:$0x1C200] =	vst v63  }
0x1c2: {  	s8 =	simm.s32 $0x5200;
	v3 =	vadd.s32 v1, v3  }
0x1c3: {  	[tilespmem:s8], [sflag:$0x2] =	stream.indirect_vreg.gather [hbm4b:s6+s3], $0x80, v4, vm0, $0xb8;
	[tilespmem:$0x1C200] =	vst v63  }
0x1c4: {  	s14 =	simm.s32 $0x5A00  }
0x1c5: {  	[tilespmem:s14], [sflag:$0x2] =	stream.indirect_vreg.gather [hbm4b:s7+s3], $0x80, v4, vm0, $0xb8;
	[tilespmem:$0x1C200] =	vst v63  }
0x1c6: {  	s14 =	simm.s32 $0x6200  }
0x1c7: {  	[tilespmem:s14], [sflag:$0x2] =	stream.indirect_vreg.gather [hbm4b:s2+s3], $0x80, v3, vm0, $0xb8;
	[tilespmem:$0x1C200] =	vst v63  }
0x1c8: {  	s14 =	simm.s32 $0x6A00  }
0x1c9: {  	[tilespmem:s14], [sflag:$0x2] =	stream.indirect_vreg.gather [hbm4b:s5+s3], $0x80, v3, vm0, $0xb8;
	[tilespmem:$0x1C200] =	vst v63  }
0x1ca: {  	s14 =	simm.s32 $0x7200  }
0x1cb: {  	[tilespmem:s14], [sflag:$0x2] =	stream.indirect_vreg.gather [hbm4b:s6+s3], $0x80, v3, vm0, $0xb8;
	[tilespmem:$0x1C200] =	vst v63  }
0x1cc: {  	s14 =	simm.s32 $0x7A00  }
0x1cd: {  	[tilespmem:s14], [sflag:$0x2] =	stream.indirect_vreg.gather [hbm4b:s7+s3], $0x80, v3, vm0, $0xb8;
	[tilespmem:$0x1C200] =	vst v63  }
0x1ce: {  	_ =	swait.ge [sflag:s28], $0x4000  }
0x1cf: {  	[sflag:s28] =	ssyncset.done $0x0  }
0x1d0: {  	s8 =	simm.s32 $0x8200;
	s14 =	rddreg [dreg:$0xd];
	[sflag:s28] =	ssyncadd.s32 $0xFFFFC000  }
0x1d1: {  	[hbm4b:s14+s3] =	stream.linear.scatter [tilespmem:s8], [sflag:$0xA], $0x4000, $0x38;
	[tilespmem:$0x1C200] =	vst v63  }
0x1d2: {  	_ =	swait.ge [sflag:s29], $0x4000  }
0x1d3: {  	[sflag:s29] =	ssyncset.done $0x0  }
0x1d4: {  	[sflag:s29] =	ssyncadd.s32 $0xFFFFC000  }
0x1d5: {  	v3 =	vld [tilespmem:$0x100];
	_ =	sdelay $0x4  }
0x1d6: {  	v48 =	vshll.u32 v3, $0x3  }
0x1d7: {  	v3 =	vand.u32 $0x7, v3;
	v4 =	vand.u32 $0xFFFFFFC0, v48  }
0x1d8: {  	v3 =	vor.u32 v3, v4  }
0x1d9: {  	v4 =	vperm.xlane v3, v0;
	_ =	sdelay $0x1  }
0x1da: {  	v4 =	vadd.s32 v1, v4;
	_ =	sdelay $0x4  }
0x1db: {  	[tilespmem:s8], [sflag:$0x3] =	stream.indirect_vreg.gather [hbm4b:s2+s3], $0x80, v4, vm0, $0xb8;
	[tilespmem:$0x1C200] =	vst v63  }
0x1dc: {  	s14 =	simm.s32 $0x8A00;
	v3 =	vperm.xlane v3, v2  }
0x1dd: {  	[tilespmem:s14], [sflag:$0x3] =	stream.indirect_vreg.gather [hbm4b:s5+s3], $0x80, v4, vm0, $0xb8;
	[tilespmem:$0x1C200] =	vst v63  }
0x1de: {  	v3 =	vadd.s32 v1, v3  }
0x1df: {  	[tilespmem:s4], [sflag:$0x3] =	stream.indirect_vreg.gather [hbm4b:s6+s3], $0x80, v4, vm0, $0xb8;
	[tilespmem:$0x1C200] =	vst v63  }
0x1e0: {  	_ = 	snop  }
0x1e1: {  	[tilespmem:s21], [sflag:$0x3] =	stream.indirect_vreg.gather [hbm4b:s7+s3], $0x80, v4, vm0, $0xb8;
	[tilespmem:$0x1C200] =	vst v63  }
0x1e2: {  	_ = 	snop  }
0x1e3: {  	[tilespmem:s9], [sflag:$0x3] =	stream.indirect_vreg.gather [hbm4b:s2+s3], $0x80, v3, vm0, $0xb8;
	[tilespmem:$0x1C200] =	vst v63  }
0x1e4: {  	_ = 	snop  }
0x1e5: {  	[tilespmem:s20], [sflag:$0x3] =	stream.indirect_vreg.gather [hbm4b:s5+s3], $0x80, v3, vm0, $0xb8;
	[tilespmem:$0x1C200] =	vst v63  }
0x1e6: {  	_ = 	snop  }
0x1e7: {  	[tilespmem:s18], [sflag:$0x3] =	stream.indirect_vreg.gather [hbm4b:s6+s3], $0x80, v3, vm0, $0xb8;
	[tilespmem:$0x1C200] =	vst v63  }
0x1e8: {  	s20 =	simm.s32 $0xBA00  }
0x1e9: {  	[tilespmem:s20], [sflag:$0x3] =	stream.indirect_vreg.gather [hbm4b:s7+s3], $0x80, v3, vm0, $0xb8;
	[tilespmem:$0x1C200] =	vst v63  }
0x1ea: {  	_ =	swait.ge [sflag:s30], $0x4000  }
0x1eb: {  	[sflag:s30] =	ssyncset.done $0x0  }
0x1ec: {  	s9 =	simm.s32 $0xC200;
	s8 =	rddreg [dreg:$0xe];
	[sflag:s30] =	ssyncadd.s32 $0xFFFFC000  }
0x1ed: {  	[hbm4b:s8+s3] =	stream.linear.scatter [tilespmem:s9], [sflag:$0xB], $0x4000, $0x38;
	[tilespmem:$0x1C200] =	vst v63  }
0x1ee: {  	_ =	swait.ge [sflag:s31], $0x4000  }
0x1ef: {  	[sflag:s31] =	ssyncset.done $0x0  }
0x1f0: {  	[sflag:s31] =	ssyncadd.s32 $0xFFFFC000  }
0x1f1: {  	v3 =	vld [tilespmem:$0x110];
	_ =	sdelay $0x4  }
0x1f2: {  	v49 =	vshll.u32 v3, $0x3  }
0x1f3: {  	v3 =	vand.u32 $0x7, v3;
	v4 =	vand.u32 $0xFFFFFFC0, v49  }
0x1f4: {  	v3 =	vor.u32 v3, v4  }
0x1f5: {  	v4 =	vperm.xlane v3, v0;
	_ =	sdelay $0x1  }
0x1f6: {  	v4 =	vadd.s32 v1, v4;
	_ =	sdelay $0x4  }
0x1f7: {  	[tilespmem:s9], [sflag:$0x4] =	stream.indirect_vreg.gather [hbm4b:s2+s3], $0x80, v4, vm0, $0xb8;
	[tilespmem:$0x1C200] =	vst v63  }
0x1f8: {  	s14 =	simm.s32 $0xCA00;
	v3 =	vperm.xlane v3, v2  }
0x1f9: {  	[tilespmem:s14], [sflag:$0x4] =	stream.indirect_vreg.gather [hbm4b:s5+s3], $0x80, v4, vm0, $0xb8;
	[tilespmem:$0x1C200] =	vst v63  }
0x1fa: {  	s20 =	simm.s32 $0xD200;
	v3 =	vadd.s32 v1, v3  }
0x1fb: {  	[tilespmem:s20], [sflag:$0x4] =	stream.indirect_vreg.gather [hbm4b:s6+s3], $0x80, v4, vm0, $0xb8;
	[tilespmem:$0x1C200] =	vst v63  }
0x1fc: {  	s14 =	simm.s32 $0xDA00  }
0x1fd: {  	[tilespmem:s14], [sflag:$0x4] =	stream.indirect_vreg.gather [hbm4b:s7+s3], $0x80, v4, vm0, $0xb8;
	[tilespmem:$0x1C200] =	vst v63  }
0x1fe: {  	s20 =	simm.s32 $0xE200  }
0x1ff: {  	[tilespmem:s20], [sflag:$0x4] =	stream.indirect_vreg.gather [hbm4b:s2+s3], $0x80, v3, vm0, $0xb8;
	[tilespmem:$0x1C200] =	vst v63  }
0x200: {  	s14 =	simm.s32 $0xEA00  }
0x201: {  	[tilespmem:s14], [sflag:$0x4] =	stream.indirect_vreg.gather [hbm4b:s5+s3], $0x80, v3, vm0, $0xb8;
	[tilespmem:$0x1C200] =	vst v63  }
0x202: {  	s20 =	simm.s32 $0xF200  }
0x203: {  	[tilespmem:s20], [sflag:$0x4] =	stream.indirect_vreg.gather [hbm4b:s6+s3], $0x80, v3, vm0, $0xb8;
	[tilespmem:$0x1C200] =	vst v63  }
0x204: {  	s14 =	simm.s32 $0xFA00  }
0x205: {  	[tilespmem:s14], [sflag:$0x4] =	stream.indirect_vreg.gather [hbm4b:s7+s3], $0x80, v3, vm0, $0xb8;
	[tilespmem:$0x1C200] =	vst v63  }
0x206: {  	_ =	swait.ge [sflag:s1], $0x4000  }
0x207: {  	[sflag:s1] =	ssyncset.done $0x0  }
0x208: {  	s20 =	rddreg [dreg:$0xf];
	[sflag:s1] =	ssyncadd.s32 $0xFFFFC000  }
0x209: {  	[hbm4b:s20+s3] =	stream.linear.scatter [tilespmem:s15], [sflag:$0xC], $0x4000, $0x38;
	[tilespmem:$0x1C200] =	vst v63  }
0x20a: {  	_ =	swait.ge [sflag:s10], $0x4000  }
0x20b: {  	[sflag:s10] =	ssyncset.done $0x0  }
0x20c: {  	[sflag:s10] =	ssyncadd.s32 $0xFFFFC000  }
0x20d: {  	v3 =	vld [tilespmem:$0x120];
	_ =	sdelay $0x4  }
0x20e: {  	v50 =	vshll.u32 v3, $0x3  }
0x20f: {  	v3 =	vand.u32 $0x7, v3;
	v4 =	vand.u32 $0xFFFFFFC0, v50  }
0x210: {  	v3 =	vor.u32 v3, v4  }
0x211: {  	v4 =	vperm.xlane v3, v0;
	_ =	sdelay $0x1  }
0x212: {  	v4 =	vadd.s32 v1, v4;
	_ =	sdelay $0x4  }
0x213: {  	[tilespmem:s15], [sflag:$0x5] =	stream.indirect_vreg.gather [hbm4b:s2+s3], $0x80, v4, vm0, $0xb8;
	[tilespmem:$0x1C200] =	vst v63  }
0x214: {  	s8 =	simm.s32 $0x10A00;
	v3 =	vperm.xlane v3, v2  }
0x215: {  	[tilespmem:s8], [sflag:$0x5] =	stream.indirect_vreg.gather [hbm4b:s5+s3], $0x80, v4, vm0, $0xb8;
	[tilespmem:$0x1C200] =	vst v63  }
0x216: {  	v3 =	vadd.s32 v1, v3;
	s15 =	simm.s32 $0x11200  }
0x217: {  	[tilespmem:s15], [sflag:$0x5] =	stream.indirect_vreg.gather [hbm4b:s6+s3], $0x80, v4, vm0, $0xb8;
	[tilespmem:$0x1C200] =	vst v63  }
0x218: {  	s20 =	simm.s32 $0x11A00  }
0x219: {  	[tilespmem:s20], [sflag:$0x5] =	stream.indirect_vreg.gather [hbm4b:s7+s3], $0x80, v4, vm0, $0xb8;
	[tilespmem:$0x1C200] =	vst v63  }
0x21a: {  	s8 =	simm.s32 $0x12200  }
0x21b: {  	[tilespmem:s8], [sflag:$0x5] =	stream.indirect_vreg.gather [hbm4b:s2+s3], $0x80, v3, vm0, $0xb8;
	[tilespmem:$0x1C200] =	vst v63  }
0x21c: {  	s15 =	simm.s32 $0x12A00  }
0x21d: {  	[tilespmem:s15], [sflag:$0x5] =	stream.indirect_vreg.gather [hbm4b:s5+s3], $0x80, v3, vm0, $0xb8;
	[tilespmem:$0x1C200] =	vst v63  }
0x21e: {  	s20 =	simm.s32 $0x13200  }
0x21f: {  	[tilespmem:s20], [sflag:$0x5] =	stream.indirect_vreg.gather [hbm4b:s6+s3], $0x80, v3, vm0, $0xb8;
	[tilespmem:$0x1C200] =	vst v63  }
0x220: {  	s8 =	simm.s32 $0x13A00  }
0x221: {  	[tilespmem:s8], [sflag:$0x5] =	stream.indirect_vreg.gather [hbm4b:s7+s3], $0x80, v3, vm0, $0xb8;
	[tilespmem:$0x1C200] =	vst v63  }
0x222: {  	_ =	swait.ge [sflag:s11], $0x4000  }
0x223: {  	[sflag:s11] =	ssyncset.done $0x0  }
0x224: {  	s20 =	simm.s32 $0x14200;
	s15 =	rddreg [dreg:$0x10];
	[sflag:s11] =	ssyncadd.s32 $0xFFFFC000  }
0x225: {  	[hbm4b:s15+s3] =	stream.linear.scatter [tilespmem:s20], [sflag:$0xD], $0x4000, $0x38;
	[tilespmem:$0x1C200] =	vst v63  }
0x226: {  	_ =	swait.ge [sflag:s12], $0x4000  }
0x227: {  	[sflag:s12] =	ssyncset.done $0x0  }
0x228: {  	[sflag:s12] =	ssyncadd.s32 $0xFFFFC000  }
0x229: {  	v3 =	vld [tilespmem:$0x130];
	_ =	sdelay $0x4  }
0x22a: {  	v51 =	vshll.u32 v3, $0x3  }
0x22b: {  	v3 =	vand.u32 $0x7, v3;
	v4 =	vand.u32 $0xFFFFFFC0, v51  }
0x22c: {  	v3 =	vor.u32 v3, v4  }
0x22d: {  	v4 =	vperm.xlane v3, v0;
	_ =	sdelay $0x1  }
0x22e: {  	v4 =	vadd.s32 v1, v4;
	_ =	sdelay $0x4  }
0x22f: {  	[tilespmem:s20], [sflag:$0x6] =	stream.indirect_vreg.gather [hbm4b:s2+s3], $0x80, v4, vm0, $0xb8;
	[tilespmem:$0x1C200] =	vst v63  }
0x230: {  	s8 =	simm.s32 $0x14A00;
	v3 =	vperm.xlane v3, v2  }
0x231: {  	[tilespmem:s8], [sflag:$0x6] =	stream.indirect_vreg.gather [hbm4b:s5+s3], $0x80, v4, vm0, $0xb8;
	[tilespmem:$0x1C200] =	vst v63  }
0x232: {  	s15 =	simm.s32 $0x15200;
	v3 =	vadd.s32 v1, v3  }
0x233: {  	[tilespmem:s15], [sflag:$0x6] =	stream.indirect_vreg.gather [hbm4b:s6+s3], $0x80, v4, vm0, $0xb8;
	[tilespmem:$0x1C200] =	vst v63  }
0x234: {  	s20 =	simm.s32 $0x15A00  }
0x235: {  	[tilespmem:s20], [sflag:$0x6] =	stream.indirect_vreg.gather [hbm4b:s7+s3], $0x80, v4, vm0, $0xb8;
	[tilespmem:$0x1C200] =	vst v63  }
0x236: {  	s8 =	simm.s32 $0x16200  }
0x237: {  	[tilespmem:s8], [sflag:$0x6] =	stream.indirect_vreg.gather [hbm4b:s2+s3], $0x80, v3, vm0, $0xb8;
	[tilespmem:$0x1C200] =	vst v63  }
0x238: {  	s15 =	simm.s32 $0x16A00  }
0x239: {  	[tilespmem:s15], [sflag:$0x6] =	stream.indirect_vreg.gather [hbm4b:s5+s3], $0x80, v3, vm0, $0xb8;
	[tilespmem:$0x1C200] =	vst v63  }
0x23a: {  	s20 =	simm.s32 $0x17200  }
0x23b: {  	[tilespmem:s20], [sflag:$0x6] =	stream.indirect_vreg.gather [hbm4b:s6+s3], $0x80, v3, vm0, $0xb8;
	[tilespmem:$0x1C200] =	vst v63  }
0x23c: {  	s8 =	simm.s32 $0x17A00  }
0x23d: {  	[tilespmem:s8], [sflag:$0x6] =	stream.indirect_vreg.gather [hbm4b:s7+s3], $0x80, v3, vm0, $0xb8;
	[tilespmem:$0x1C200] =	vst v63  }
0x23e: {  	_ =	swait.ge [sflag:s13], $0x4000  }
0x23f: {  	[sflag:s13] =	ssyncset.done $0x0  }
0x240: {  	s16 =	simm.s32 $0x18200;
	s15 =	rddreg [dreg:$0x11];
	[sflag:s13] =	ssyncadd.s32 $0xFFFFC000  }
0x241: {  	[hbm4b:s15+s3] =	stream.linear.scatter [tilespmem:s16], [sflag:$0xE], $0x4000, $0x38;
	[tilespmem:$0x1C200] =	vst v63  }
0x242: {  	_ =	swait.ge [sflag:s0], $0x4000  }
0x243: {  	[sflag:s0] =	ssyncset.done $0x0  }
0x244: {  	[sflag:s0] =	ssyncadd.s32 $0xFFFFC000  }
0x245: {  	v3 =	vld [tilespmem:$0x140];
	_ =	sdelay $0x4  }
0x246: {  	v52 =	vshll.u32 v3, $0x3  }
0x247: {  	v3 =	vand.u32 $0x7, v3;
	v4 =	vand.u32 $0xFFFFFFC0, v52  }
0x248: {  	v3 =	vor.u32 v3, v4  }
0x249: {  	v4 =	vperm.xlane v3, v0;
	_ =	sdelay $0x1  }
0x24a: {  	v4 =	vadd.s32 v1, v4;
	_ =	sdelay $0x4  }
0x24b: {  	[tilespmem:s16], [sflag:$0x7] =	stream.indirect_vreg.gather [hbm4b:s2+s3], $0x80, v4, vm0, $0xb8;
	[tilespmem:$0x1C200] =	vst v63  }
0x24c: {  	s20 =	simm.s32 $0x18A00;
	v3 =	vperm.xlane v3, v2  }
0x24d: {  	[tilespmem:s20], [sflag:$0x7] =	stream.indirect_vreg.gather [hbm4b:s5+s3], $0x80, v4, vm0, $0xb8;
	[tilespmem:$0x1C200] =	vst v63  }
0x24e: {  	s8 =	simm.s32 $0x19200;
	v3 =	vadd.s32 v1, v3  }
0x24f: {  	[tilespmem:s8], [sflag:$0x7] =	stream.indirect_vreg.gather [hbm4b:s6+s3], $0x80, v4, vm0, $0xb8;
	[tilespmem:$0x1C200] =	vst v63  }
0x250: {  	s15 =	simm.s32 $0x19A00  }
0x251: {  	[tilespmem:s15], [sflag:$0x7] =	stream.indirect_vreg.gather [hbm4b:s7+s3], $0x80, v4, vm0, $0xb8;
	[tilespmem:$0x1C200] =	vst v63  }
0x252: {  	s16 =	simm.s32 $0x1A200  }
0x253: {  	[tilespmem:s16], [sflag:$0x7] =	stream.indirect_vreg.gather [hbm4b:s2+s3], $0x80, v3, vm0, $0xb8;
	[tilespmem:$0x1C200] =	vst v63  }
0x254: {  	s20 =	simm.s32 $0x1AA00  }
0x255: {  	[tilespmem:s20], [sflag:$0x7] =	stream.indirect_vreg.gather [hbm4b:s5+s3], $0x80, v3, vm0, $0xb8;
	[tilespmem:$0x1C200] =	vst v63  }
0x256: {  	s8 =	simm.s32 $0x1B200  }
0x257: {  	[tilespmem:s8], [sflag:$0x7] =	stream.indirect_vreg.gather [hbm4b:s6+s3], $0x80, v3, vm0, $0xb8;
	[tilespmem:$0x1C200] =	vst v63  }
0x258: {  	s15 =	simm.s32 $0x1BA00  }
0x259: {  	[tilespmem:s15], [sflag:$0x7] =	stream.indirect_vreg.gather [hbm4b:s7+s3], $0x80, v3, vm0, $0xb8;
	[tilespmem:$0x1C200] =	vst v63  }
0x25a: {  	_ =	swait.ge [sflag:s22], $0x4000  }
0x25b: {  	[sflag:s22] =	ssyncset.done $0x0  }
0x25c: {  	s16 =	rddreg [dreg:$0x12];
	[sflag:s22] =	ssyncadd.s32 $0xFFFFC000  }
0x25d: {  	[hbm4b:s16+s3] =	stream.linear.scatter [tilespmem:s17], [sflag:$0x8], $0x4000, $0x38;
	[tilespmem:$0x1C200] =	vst v63  }
0x25e: {  	_ =	swait.ge [sflag:s23], $0x4000  }
0x25f: {  	[sflag:s23] =	ssyncset.done $0x0  }
0x260: {  	[sflag:s23] =	ssyncadd.s32 $0xFFFFC000  }
0x261: {  	v3 =	vld [tilespmem:$0x150];
	_ =	sdelay $0x4  }
0x262: {  	v53 =	vshll.u32 v3, $0x3  }
0x263: {  	v3 =	vand.u32 $0x7, v3;
	v4 =	vand.u32 $0xFFFFFFC0, v53  }
0x264: {  	v3 =	vor.u32 v3, v4  }
0x265: {  	v4 =	vperm.xlane v3, v0;
	_ =	sdelay $0x1  }
0x266: {  	v4 =	vadd.s32 v1, v4;
	_ =	sdelay $0x4  }
0x267: {  	[tilespmem:s17], [sflag:$0x1] =	stream.indirect_vreg.gather [hbm4b:s2+s3], $0x80, v4, vm0, $0xb8;
	[tilespmem:$0x1C200] =	vst v63  }
0x268: {  	s20 =	simm.s32 $0xA00;
	v3 =	vperm.xlane v3, v2  }
0x269: {  	[tilespmem:s20], [sflag:$0x1] =	stream.indirect_vreg.gather [hbm4b:s5+s3], $0x80, v4, vm0, $0xb8;
	[tilespmem:$0x1C200] =	vst v63  }
0x26a: {  	s8 =	simm.s32 $0x1200;
	v3 =	vadd.s32 v1, v3  }
0x26b: {  	[tilespmem:s8], [sflag:$0x1] =	stream.indirect_vreg.gather [hbm4b:s6+s3], $0x80, v4, vm0, $0xb8;
	[tilespmem:$0x1C200] =	vst v63  }
0x26c: {  	s15 =	simm.s32 $0x1A00  }
0x26d: {  	[tilespmem:s15], [sflag:$0x1] =	stream.indirect_vreg.gather [hbm4b:s7+s3], $0x80, v4, vm0, $0xb8;
	[tilespmem:$0x1C200] =	vst v63  }
0x26e: {  	s20 =	simm.s32 $0x2200  }
0x26f: {  	[tilespmem:s20], [sflag:$0x1] =	stream.indirect_vreg.gather [hbm4b:s2+s3], $0x80, v3, vm0, $0xb8;
	[tilespmem:$0x1C200] =	vst v63  }
0x270: {  	s8 =	simm.s32 $0x2A00  }
0x271: {  	[tilespmem:s8], [sflag:$0x1] =	stream.indirect_vreg.gather [hbm4b:s5+s3], $0x80, v3, vm0, $0xb8;
	[tilespmem:$0x1C200] =	vst v63  }
0x272: {  	s15 =	simm.s32 $0x3200  }
0x273: {  	[tilespmem:s15], [sflag:$0x1] =	stream.indirect_vreg.gather [hbm4b:s6+s3], $0x80, v3, vm0, $0xb8;
	[tilespmem:$0x1C200] =	vst v63  }
0x274: {  	s20 =	simm.s32 $0x3A00  }
0x275: {  	[tilespmem:s20], [sflag:$0x1] =	stream.indirect_vreg.gather [hbm4b:s7+s3], $0x80, v3, vm0, $0xb8;
	[tilespmem:$0x1C200] =	vst v63  }
0x276: {  	_ =	swait.ge [sflag:s24], $0x4000  }
0x277: {  	[sflag:s24] =	ssyncset.done $0x0  }
0x278: {  	s26 =	simm.s32 $0x4200;
	s8 =	rddreg [dreg:$0x13];
	[sflag:s24] =	ssyncadd.s32 $0xFFFFC000  }
0x279: {  	[hbm4b:s8+s3] =	stream.linear.scatter [tilespmem:s26], [sflag:$0x9], $0x4000, $0x38;
	[tilespmem:$0x1C200] =	vst v63  }
0x27a: {  	_ =	swait.ge [sflag:s25], $0x4000  }
0x27b: {  	[sflag:s25] =	ssyncset.done $0x0  }
0x27c: {  	[sflag:s25] =	ssyncadd.s32 $0xFFFFC000  }
0x27d: {  	v3 =	vld [tilespmem:$0x160];
	_ =	sdelay $0x4  }
0x27e: {  	v54 =	vshll.u32 v3, $0x3  }
0x27f: {  	v3 =	vand.u32 $0x7, v3;
	v4 =	vand.u32 $0xFFFFFFC0, v54  }
0x280: {  	v3 =	vor.u32 v3, v4  }
0x281: {  	v4 =	vperm.xlane v3, v0;
	_ =	sdelay $0x1  }
0x282: {  	v4 =	vadd.s32 v1, v4;
	_ =	sdelay $0x4  }
0x283: {  	[tilespmem:s26], [sflag:$0x2] =	stream.indirect_vreg.gather [hbm4b:s2+s3], $0x80, v4, vm0, $0xb8;
	[tilespmem:$0x1C200] =	vst v63  }
0x284: {  	s15 =	simm.s32 $0x4A00;
	v3 =	vperm.xlane v3, v2  }
0x285: {  	[tilespmem:s15], [sflag:$0x2] =	stream.indirect_vreg.gather [hbm4b:s5+s3], $0x80, v4, vm0, $0xb8;
	[tilespmem:$0x1C200] =	vst v63  }
0x286: {  	s20 =	simm.s32 $0x5200;
	v3 =	vadd.s32 v1, v3  }
0x287: {  	[tilespmem:s20], [sflag:$0x2] =	stream.indirect_vreg.gather [hbm4b:s6+s3], $0x80, v4, vm0, $0xb8;
	[tilespmem:$0x1C200] =	vst v63  }
0x288: {  	s26 =	simm.s32 $0x5A00  }
0x289: {  	[tilespmem:s26], [sflag:$0x2] =	stream.indirect_vreg.gather [hbm4b:s7+s3], $0x80, v4, vm0, $0xb8;
	[tilespmem:$0x1C200] =	vst v63  }
0x28a: {  	s8 =	simm.s32 $0x6200  }
0x28b: {  	[tilespmem:s8], [sflag:$0x2] =	stream.indirect_vreg.gather [hbm4b:s2+s3], $0x80, v3, vm0, $0xb8;
	[tilespmem:$0x1C200] =	vst v63  }
0x28c: {  	s15 =	simm.s32 $0x6A00  }
0x28d: {  	[tilespmem:s15], [sflag:$0x2] =	stream.indirect_vreg.gather [hbm4b:s5+s3], $0x80, v3, vm0, $0xb8;
	[tilespmem:$0x1C200] =	vst v63  }
0x28e: {  	s20 =	simm.s32 $0x7200  }
0x28f: {  	[tilespmem:s20], [sflag:$0x2] =	stream.indirect_vreg.gather [hbm4b:s6+s3], $0x80, v3, vm0, $0xb8;
	[tilespmem:$0x1C200] =	vst v63  }
0x290: {  	s26 =	simm.s32 $0x7A00  }
0x291: {  	[tilespmem:s26], [sflag:$0x2] =	stream.indirect_vreg.gather [hbm4b:s7+s3], $0x80, v3, vm0, $0xb8;
	[tilespmem:$0x1C200] =	vst v63  }
0x292: {  	_ =	swait.ge [sflag:s28], $0x4000  }
0x293: {  	[sflag:s28] =	ssyncset.done $0x0  }
0x294: {  	s15 =	simm.s32 $0x8200;
	s8 =	rddreg [dreg:$0x14];
	[sflag:s28] =	ssyncadd.s32 $0xFFFFC000  }
0x295: {  	[hbm4b:s8+s3] =	stream.linear.scatter [tilespmem:s15], [sflag:$0xA], $0x4000, $0x38;
	[tilespmem:$0x1C200] =	vst v63  }
0x296: {  	_ =	swait.ge [sflag:s29], $0x4000  }
0x297: {  	[sflag:s29] =	ssyncset.done $0x0  }
0x298: {  	[sflag:s29] =	ssyncadd.s32 $0xFFFFC000  }
0x299: {  	v3 =	vld [tilespmem:$0x170];
	_ =	sdelay $0x4  }
0x29a: {  	v55 =	vshll.u32 v3, $0x3  }
0x29b: {  	v3 =	vand.u32 $0x7, v3;
	v4 =	vand.u32 $0xFFFFFFC0, v55  }
0x29c: {  	v3 =	vor.u32 v3, v4  }
0x29d: {  	v4 =	vperm.xlane v3, v0;
	_ =	sdelay $0x1  }
0x29e: {  	v4 =	vadd.s32 v1, v4;
	_ =	sdelay $0x4  }
0x29f: {  	[tilespmem:s15], [sflag:$0x3] =	stream.indirect_vreg.gather [hbm4b:s2+s3], $0x80, v4, vm0, $0xb8;
	[tilespmem:$0x1C200] =	vst v63  }
0x2a0: {  	s20 =	simm.s32 $0x8A00;
	v3 =	vperm.xlane v3, v2  }
0x2a1: {  	[tilespmem:s20], [sflag:$0x3] =	stream.indirect_vreg.gather [hbm4b:s5+s3], $0x80, v4, vm0, $0xb8;
	[tilespmem:$0x1C200] =	vst v63  }
0x2a2: {  	s4 =	simm.s32 $0x9200;
	v3 =	vadd.s32 v1, v3  }
0x2a3: {  	[tilespmem:s4], [sflag:$0x3] =	stream.indirect_vreg.gather [hbm4b:s6+s3], $0x80, v4, vm0, $0xb8;
	[tilespmem:$0x1C200] =	vst v63  }
0x2a4: {  	s21 =	simm.s32 $0x9A00  }
0x2a5: {  	[tilespmem:s21], [sflag:$0x3] =	stream.indirect_vreg.gather [hbm4b:s7+s3], $0x80, v4, vm0, $0xb8;
	[tilespmem:$0x1C200] =	vst v63  }
0x2a6: {  	s4 =	simm.s32 $0xA200  }
0x2a7: {  	[tilespmem:s4], [sflag:$0x3] =	stream.indirect_vreg.gather [hbm4b:s2+s3], $0x80, v3, vm0, $0xb8;
	[tilespmem:$0x1C200] =	vst v63  }
0x2a8: {  	s15 =	simm.s32 $0xAA00  }
0x2a9: {  	[tilespmem:s15], [sflag:$0x3] =	stream.indirect_vreg.gather [hbm4b:s5+s3], $0x80, v3, vm0, $0xb8;
	[tilespmem:$0x1C200] =	vst v63  }
0x2aa: {  	s18 =	simm.s32 $0xB200  }
0x2ab: {  	[tilespmem:s18], [sflag:$0x3] =	stream.indirect_vreg.gather [hbm4b:s6+s3], $0x80, v3, vm0, $0xb8;
	[tilespmem:$0x1C200] =	vst v63  }
0x2ac: {  	s18 =	simm.s32 $0xBA00  }
0x2ad: {  	[tilespmem:s18], [sflag:$0x3] =	stream.indirect_vreg.gather [hbm4b:s7+s3], $0x80, v3, vm0, $0xb8;
	[tilespmem:$0x1C200] =	vst v63  }
0x2ae: {  	_ =	swait.ge [sflag:s30], $0x4000  }
0x2af: {  	[sflag:s30] =	ssyncset.done $0x0  }
0x2b0: {  	s9 =	simm.s32 $0xC200;
	s4 =	rddreg [dreg:$0x15];
	[sflag:s30] =	ssyncadd.s32 $0xFFFFC000  }
0x2b1: {  	[hbm4b:s4+s3] =	stream.linear.scatter [tilespmem:s9], [sflag:$0xB], $0x4000, $0x38;
	[tilespmem:$0x1C200] =	vst v63  }
0x2b2: {  	_ =	swait.ge [sflag:s31], $0x4000  }
0x2b3: {  	[sflag:s31] =	ssyncset.done $0x0  }
0x2b4: {  	[sflag:s31] =	ssyncadd.s32 $0xFFFFC000  }
0x2b5: {  	v3 =	vld [tilespmem:$0x180];
	_ =	sdelay $0x4  }
0x2b6: {  	v56 =	vshll.u32 v3, $0x3  }
0x2b7: {  	v3 =	vand.u32 $0x7, v3;
	v4 =	vand.u32 $0xFFFFFFC0, v56  }
0x2b8: {  	v3 =	vor.u32 v3, v4  }
0x2b9: {  	v4 =	vperm.xlane v3, v0;
	_ =	sdelay $0x1  }
0x2ba: {  	v4 =	vadd.s32 v1, v4;
	_ =	sdelay $0x4  }
0x2bb: {  	[tilespmem:s9], [sflag:$0x4] =	stream.indirect_vreg.gather [hbm4b:s2+s3], $0x80, v4, vm0, $0xb8;
	[tilespmem:$0x1C200] =	vst v63  }
0x2bc: {  	s15 =	simm.s32 $0xCA00;
	v3 =	vperm.xlane v3, v2  }
0x2bd: {  	[tilespmem:s15], [sflag:$0x4] =	stream.indirect_vreg.gather [hbm4b:s5+s3], $0x80, v4, vm0, $0xb8;
	[tilespmem:$0x1C200] =	vst v63  }
0x2be: {  	s18 =	simm.s32 $0xD200;
	v3 =	vadd.s32 v1, v3  }
0x2bf: {  	[tilespmem:s18], [sflag:$0x4] =	stream.indirect_vreg.gather [hbm4b:s6+s3], $0x80, v4, vm0, $0xb8;
	[tilespmem:$0x1C200] =	vst v63  }
0x2c0: {  	s4 =	simm.s32 $0xDA00  }
0x2c1: {  	[tilespmem:s4], [sflag:$0x4] =	stream.indirect_vreg.gather [hbm4b:s7+s3], $0x80, v4, vm0, $0xb8;
	[tilespmem:$0x1C200] =	vst v63  }
0x2c2: {  	s15 =	simm.s32 $0xE200  }
0x2c3: {  	[tilespmem:s15], [sflag:$0x4] =	stream.indirect_vreg.gather [hbm4b:s2+s3], $0x80, v3, vm0, $0xb8;
	[tilespmem:$0x1C200] =	vst v63  }
0x2c4: {  	s18 =	simm.s32 $0xEA00  }
0x2c5: {  	[tilespmem:s18], [sflag:$0x4] =	stream.indirect_vreg.gather [hbm4b:s5+s3], $0x80, v3, vm0, $0xb8;
	[tilespmem:$0x1C200] =	vst v63  }
0x2c6: {  	s4 =	simm.s32 $0xF200  }
0x2c7: {  	[tilespmem:s4], [sflag:$0x4] =	stream.indirect_vreg.gather [hbm4b:s6+s3], $0x80, v3, vm0, $0xb8;
	[tilespmem:$0x1C200] =	vst v63  }
0x2c8: {  	s15 =	simm.s32 $0xFA00  }
0x2c9: {  	[tilespmem:s15], [sflag:$0x4] =	stream.indirect_vreg.gather [hbm4b:s7+s3], $0x80, v3, vm0, $0xb8;
	[tilespmem:$0x1C200] =	vst v63  }
0x2ca: {  	_ =	swait.ge [sflag:s1], $0x4000  }
0x2cb: {  	[sflag:s1] =	ssyncset.done $0x0  }
0x2cc: {  	s4 =	simm.s32 $0x10200;
	s18 =	rddreg [dreg:$0x16];
	[sflag:s1] =	ssyncadd.s32 $0xFFFFC000  }
0x2cd: {  	[hbm4b:s18+s3] =	stream.linear.scatter [tilespmem:s4], [sflag:$0xC], $0x4000, $0x38;
	[tilespmem:$0x1C200] =	vst v63  }
0x2ce: {  	_ =	swait.ge [sflag:s10], $0x4000  }
0x2cf: {  	[sflag:s10] =	ssyncset.done $0x0  }
0x2d0: {  	[sflag:s10] =	ssyncadd.s32 $0xFFFFC000  }
0x2d1: {  	v3 =	vld [tilespmem:$0x190];
	_ =	sdelay $0x4  }
0x2d2: {  	v57 =	vshll.u32 v3, $0x3  }
0x2d3: {  	v3 =	vand.u32 $0x7, v3;
	v4 =	vand.u32 $0xFFFFFFC0, v57  }
0x2d4: {  	v3 =	vor.u32 v3, v4  }
0x2d5: {  	v4 =	vperm.xlane v3, v0;
	_ =	sdelay $0x1  }
0x2d6: {  	v4 =	vadd.s32 v1, v4;
	_ =	sdelay $0x4  }
0x2d7: {  	[tilespmem:s4], [sflag:$0x5] =	stream.indirect_vreg.gather [hbm4b:s2+s3], $0x80, v4, vm0, $0xb8;
	[tilespmem:$0x1C200] =	vst v63  }
0x2d8: {  	s15 =	simm.s32 $0x10A00;
	v3 =	vperm.xlane v3, v2  }
0x2d9: {  	[tilespmem:s15], [sflag:$0x5] =	stream.indirect_vreg.gather [hbm4b:s5+s3], $0x80, v4, vm0, $0xb8;
	[tilespmem:$0x1C200] =	vst v63  }
0x2da: {  	s18 =	simm.s32 $0x11200;
	v3 =	vadd.s32 v1, v3  }
0x2db: {  	[tilespmem:s18], [sflag:$0x5] =	stream.indirect_vreg.gather [hbm4b:s6+s3], $0x80, v4, vm0, $0xb8;
	[tilespmem:$0x1C200] =	vst v63  }
0x2dc: {  	s15 =	simm.s32 $0x11A00  }
0x2dd: {  	[tilespmem:s15], [sflag:$0x5] =	stream.indirect_vreg.gather [hbm4b:s7+s3], $0x80, v4, vm0, $0xb8;
	[tilespmem:$0x1C200] =	vst v63  }
0x2de: {  	s18 =	simm.s32 $0x12200  }
0x2df: {  	[tilespmem:s18], [sflag:$0x5] =	stream.indirect_vreg.gather [hbm4b:s2+s3], $0x80, v3, vm0, $0xb8;
	[tilespmem:$0x1C200] =	vst v63  }
0x2e0: {  	s15 =	simm.s32 $0x12A00  }
0x2e1: {  	[tilespmem:s15], [sflag:$0x5] =	stream.indirect_vreg.gather [hbm4b:s5+s3], $0x80, v3, vm0, $0xb8;
	[tilespmem:$0x1C200] =	vst v63  }
0x2e2: {  	s18 =	simm.s32 $0x13200  }
0x2e3: {  	[tilespmem:s18], [sflag:$0x5] =	stream.indirect_vreg.gather [hbm4b:s6+s3], $0x80, v3, vm0, $0xb8;
	[tilespmem:$0x1C200] =	vst v63  }
0x2e4: {  	s15 =	simm.s32 $0x13A00  }
0x2e5: {  	[tilespmem:s15], [sflag:$0x5] =	stream.indirect_vreg.gather [hbm4b:s7+s3], $0x80, v3, vm0, $0xb8;
	[tilespmem:$0x1C200] =	vst v63  }
0x2e6: {  	_ =	swait.ge [sflag:s11], $0x4000  }
0x2e7: {  	[sflag:s11] =	ssyncset.done $0x0  }
0x2e8: {  	s15 =	simm.s32 $0x14200;
	s18 =	rddreg [dreg:$0x17];
	[sflag:s11] =	ssyncadd.s32 $0xFFFFC000  }
0x2e9: {  	[hbm4b:s18+s3] =	stream.linear.scatter [tilespmem:s15], [sflag:$0xD], $0x4000, $0x38;
	[tilespmem:$0x1C200] =	vst v63  }
0x2ea: {  	_ =	swait.ge [sflag:s12], $0x4000  }
0x2eb: {  	[sflag:s12] =	ssyncset.done $0x0  }
0x2ec: {  	[sflag:s12] =	ssyncadd.s32 $0xFFFFC000  }
0x2ed: {  	v3 =	vld [tilespmem:$0x1A0];
	_ =	sdelay $0x4  }
0x2ee: {  	v58 =	vshll.u32 v3, $0x3  }
0x2ef: {  	v3 =	vand.u32 $0x7, v3;
	v4 =	vand.u32 $0xFFFFFFC0, v58  }
0x2f0: {  	v3 =	vor.u32 v3, v4  }
0x2f1: {  	v4 =	vperm.xlane v3, v0;
	_ =	sdelay $0x1  }
0x2f2: {  	v4 =	vadd.s32 v1, v4;
	_ =	sdelay $0x4  }
0x2f3: {  	[tilespmem:s15], [sflag:$0x6] =	stream.indirect_vreg.gather [hbm4b:s2+s3], $0x80, v4, vm0, $0xb8;
	[tilespmem:$0x1C200] =	vst v63  }
0x2f4: {  	v3 =	vperm.xlane v3, v2;
	s15 =	simm.s32 $0x14A00  }
0x2f5: {  	[tilespmem:s15], [sflag:$0x6] =	stream.indirect_vreg.gather [hbm4b:s5+s3], $0x80, v4, vm0, $0xb8;
	[tilespmem:$0x1C200] =	vst v63  }
0x2f6: {  	v3 =	vadd.s32 v1, v3;
	s15 =	simm.s32 $0x15200  }
0x2f7: {  	[tilespmem:s15], [sflag:$0x6] =	stream.indirect_vreg.gather [hbm4b:s6+s3], $0x80, v4, vm0, $0xb8;
	[tilespmem:$0x1C200] =	vst v63  }
0x2f8: {  	s15 =	simm.s32 $0x15A00  }
0x2f9: {  	[tilespmem:s15], [sflag:$0x6] =	stream.indirect_vreg.gather [hbm4b:s7+s3], $0x80, v4, vm0, $0xb8;
	[tilespmem:$0x1C200] =	vst v63  }
0x2fa: {  	s15 =	simm.s32 $0x16200  }
0x2fb: {  	[tilespmem:s15], [sflag:$0x6] =	stream.indirect_vreg.gather [hbm4b:s2+s3], $0x80, v3, vm0, $0xb8;
	[tilespmem:$0x1C200] =	vst v63  }
0x2fc: {  	s15 =	simm.s32 $0x16A00  }
0x2fd: {  	[tilespmem:s15], [sflag:$0x6] =	stream.indirect_vreg.gather [hbm4b:s5+s3], $0x80, v3, vm0, $0xb8;
	[tilespmem:$0x1C200] =	vst v63  }
0x2fe: {  	s15 =	simm.s32 $0x17200  }
0x2ff: {  	[tilespmem:s15], [sflag:$0x6] =	stream.indirect_vreg.gather [hbm4b:s6+s3], $0x80, v3, vm0, $0xb8;
	[tilespmem:$0x1C200] =	vst v63  }
0x300: {  	s15 =	simm.s32 $0x17A00  }
0x301: {  	[tilespmem:s15], [sflag:$0x6] =	stream.indirect_vreg.gather [hbm4b:s7+s3], $0x80, v3, vm0, $0xb8;
	[tilespmem:$0x1C200] =	vst v63  }
0x302: {  	_ =	swait.ge [sflag:s13], $0x4000  }
0x303: {  	[sflag:s13] =	ssyncset.done $0x0  }
0x304: {  	s15 =	simm.s32 $0x18200;
	s14 =	rddreg [dreg:$0x18];
	[sflag:s13] =	ssyncadd.s32 $0xFFFFC000  }
0x305: {  	[hbm4b:s14+s3] =	stream.linear.scatter [tilespmem:s15], [sflag:$0xE], $0x4000, $0x38;
	[tilespmem:$0x1C200] =	vst v63  }
0x306: {  	_ =	swait.ge [sflag:s0], $0x4000  }
0x307: {  	[sflag:s0] =	ssyncset.done $0x0  }
0x308: {  	[sflag:s0] =	ssyncadd.s32 $0xFFFFC000  }
0x309: {  	v3 =	vld [tilespmem:$0x1B0];
	_ =	sdelay $0x4  }
0x30a: {  	v59 =	vshll.u32 v3, $0x3  }
0x30b: {  	v3 =	vand.u32 $0x7, v3;
	v4 =	vand.u32 $0xFFFFFFC0, v59  }
0x30c: {  	v3 =	vor.u32 v3, v4  }
0x30d: {  	v4 =	vperm.xlane v3, v0;
	_ =	sdelay $0x1  }
0x30e: {  	v4 =	vadd.s32 v1, v4;
	_ =	sdelay $0x4  }
0x30f: {  	[tilespmem:s15], [sflag:$0x7] =	stream.indirect_vreg.gather [hbm4b:s2+s3], $0x80, v4, vm0, $0xb8;
	[tilespmem:$0x1C200] =	vst v63  }
0x310: {  	s14 =	simm.s32 $0x18A00;
	v3 =	vperm.xlane v3, v2  }
0x311: {  	[tilespmem:s14], [sflag:$0x7] =	stream.indirect_vreg.gather [hbm4b:s5+s3], $0x80, v4, vm0, $0xb8;
	[tilespmem:$0x1C200] =	vst v63  }
0x312: {  	v3 =	vadd.s32 v1, v3;
	s14 =	simm.s32 $0x19200  }
0x313: {  	[tilespmem:s14], [sflag:$0x7] =	stream.indirect_vreg.gather [hbm4b:s6+s3], $0x80, v4, vm0, $0xb8;
	[tilespmem:$0x1C200] =	vst v63  }
0x314: {  	s14 =	simm.s32 $0x19A00  }
0x315: {  	[tilespmem:s14], [sflag:$0x7] =	stream.indirect_vreg.gather [hbm4b:s7+s3], $0x80, v4, vm0, $0xb8;
	[tilespmem:$0x1C200] =	vst v63  }
0x316: {  	s14 =	simm.s32 $0x1A200  }
0x317: {  	[tilespmem:s14], [sflag:$0x7] =	stream.indirect_vreg.gather [hbm4b:s2+s3], $0x80, v3, vm0, $0xb8;
	[tilespmem:$0x1C200] =	vst v63  }
0x318: {  	s14 =	simm.s32 $0x1AA00  }
0x319: {  	[tilespmem:s14], [sflag:$0x7] =	stream.indirect_vreg.gather [hbm4b:s5+s3], $0x80, v3, vm0, $0xb8;
	[tilespmem:$0x1C200] =	vst v63  }
0x31a: {  	s14 =	simm.s32 $0x1B200  }
0x31b: {  	[tilespmem:s14], [sflag:$0x7] =	stream.indirect_vreg.gather [hbm4b:s6+s3], $0x80, v3, vm0, $0xb8;
	[tilespmem:$0x1C200] =	vst v63  }
0x31c: {  	s14 =	simm.s32 $0x1BA00  }
0x31d: {  	[tilespmem:s14], [sflag:$0x7] =	stream.indirect_vreg.gather [hbm4b:s7+s3], $0x80, v3, vm0, $0xb8;
	[tilespmem:$0x1C200] =	vst v63  }
0x31e: {  	_ =	swait.ge [sflag:s22], $0x4000  }
0x31f: {  	[sflag:s22] =	ssyncset.done $0x0  }
0x320: {  	s14 =	rddreg [dreg:$0x19];
	[sflag:s22] =	ssyncadd.s32 $0xFFFFC000  }
0x321: {  	[hbm4b:s14+s3] =	stream.linear.scatter [tilespmem:s17], [sflag:$0x8], $0x4000, $0x38;
	[tilespmem:$0x1C200] =	vst v63  }
0x322: {  	_ =	swait.ge [sflag:s23], $0x4000  }
0x323: {  	[sflag:s23] =	ssyncset.done $0x0  }
0x324: {  	[sflag:s23] =	ssyncadd.s32 $0xFFFFC000  }
0x325: {  	v3 =	vld [tilespmem:$0x1C0];
	_ =	sdelay $0x4  }
0x326: {  	v60 =	vshll.u32 v3, $0x3  }
0x327: {  	v3 =	vand.u32 $0x7, v3;
	v4 =	vand.u32 $0xFFFFFFC0, v60  }
0x328: {  	v3 =	vor.u32 v3, v4  }
0x329: {  	v4 =	vperm.xlane v3, v0;
	_ =	sdelay $0x1  }
0x32a: {  	v4 =	vadd.s32 v1, v4;
	_ =	sdelay $0x4  }
0x32b: {  	[tilespmem:s17], [sflag:$0x1] =	stream.indirect_vreg.gather [hbm4b:s2+s3], $0x80, v4, vm0, $0xb8;
	[tilespmem:$0x1C200] =	vst v63  }
0x32c: {  	s14 =	simm.s32 $0xA00;
	v3 =	vperm.xlane v3, v2  }
0x32d: {  	[tilespmem:s14], [sflag:$0x1] =	stream.indirect_vreg.gather [hbm4b:s5+s3], $0x80, v4, vm0, $0xb8;
	[tilespmem:$0x1C200] =	vst v63  }
0x32e: {  	s16 =	simm.s32 $0x1200;
	v3 =	vadd.s32 v1, v3  }
0x32f: {  	[tilespmem:s16], [sflag:$0x1] =	stream.indirect_vreg.gather [hbm4b:s6+s3], $0x80, v4, vm0, $0xb8;
	[tilespmem:$0x1C200] =	vst v63  }
0x330: {  	s16 =	simm.s32 $0x1A00  }
0x331: {  	[tilespmem:s16], [sflag:$0x1] =	stream.indirect_vreg.gather [hbm4b:s7+s3], $0x80, v4, vm0, $0xb8;
	[tilespmem:$0x1C200] =	vst v63  }
0x332: {  	s16 =	simm.s32 $0x2200  }
0x333: {  	[tilespmem:s16], [sflag:$0x1] =	stream.indirect_vreg.gather [hbm4b:s2+s3], $0x80, v3, vm0, $0xb8;
	[tilespmem:$0x1C200] =	vst v63  }
0x334: {  	s16 =	simm.s32 $0x2A00  }
0x335: {  	[tilespmem:s16], [sflag:$0x1] =	stream.indirect_vreg.gather [hbm4b:s5+s3], $0x80, v3, vm0, $0xb8;
	[tilespmem:$0x1C200] =	vst v63  }
0x336: {  	s16 =	simm.s32 $0x3200  }
0x337: {  	[tilespmem:s16], [sflag:$0x1] =	stream.indirect_vreg.gather [hbm4b:s6+s3], $0x80, v3, vm0, $0xb8;
	[tilespmem:$0x1C200] =	vst v63  }
0x338: {  	s16 =	simm.s32 $0x3A00  }
0x339: {  	[tilespmem:s16], [sflag:$0x1] =	stream.indirect_vreg.gather [hbm4b:s7+s3], $0x80, v3, vm0, $0xb8;
	[tilespmem:$0x1C200] =	vst v63  }
0x33a: {  	_ =	swait.ge [sflag:s24], $0x4000  }
0x33b: {  	[sflag:s24] =	ssyncset.done $0x0  }
0x33c: {  	s16 =	simm.s32 $0x4200;
	s14 =	rddreg [dreg:$0x1a];
	[sflag:s24] =	ssyncadd.s32 $0xFFFFC000  }
0x33d: {  	[hbm4b:s14+s3] =	stream.linear.scatter [tilespmem:s16], [sflag:$0x9], $0x4000, $0x38;
	[tilespmem:$0x1C200] =	vst v63  }
0x33e: {  	_ =	swait.ge [sflag:s25], $0x4000  }
0x33f: {  	[sflag:s25] =	ssyncset.done $0x0  }
0x340: {  	[sflag:s25] =	ssyncadd.s32 $0xFFFFC000  }
0x341: {  	v3 =	vld [tilespmem:$0x1D0];
	_ =	sdelay $0x4  }
0x342: {  	v61 =	vshll.u32 v3, $0x3  }
0x343: {  	v3 =	vand.u32 $0x7, v3;
	v4 =	vand.u32 $0xFFFFFFC0, v61  }
0x344: {  	v3 =	vor.u32 v3, v4  }
0x345: {  	v4 =	vperm.xlane v3, v0;
	_ =	sdelay $0x1  }
0x346: {  	v4 =	vadd.s32 v1, v4;
	_ =	sdelay $0x4  }
0x347: {  	[tilespmem:s16], [sflag:$0x2] =	stream.indirect_vreg.gather [hbm4b:s2+s3], $0x80, v4, vm0, $0xb8;
	[tilespmem:$0x1C200] =	vst v63  }
0x348: {  	s14 =	simm.s32 $0x4A00;
	v3 =	vperm.xlane v3, v2  }
0x349: {  	[tilespmem:s14], [sflag:$0x2] =	stream.indirect_vreg.gather [hbm4b:s5+s3], $0x80, v4, vm0, $0xb8;
	[tilespmem:$0x1C200] =	vst v63  }
0x34a: {  	v3 =	vadd.s32 v1, v3;
	s14 =	simm.s32 $0x5200  }
0x34b: {  	[tilespmem:s14], [sflag:$0x2] =	stream.indirect_vreg.gather [hbm4b:s6+s3], $0x80, v4, vm0, $0xb8;
	[tilespmem:$0x1C200] =	vst v63  }
0x34c: {  	s14 =	simm.s32 $0x5A00  }
0x34d: {  	[tilespmem:s14], [sflag:$0x2] =	stream.indirect_vreg.gather [hbm4b:s7+s3], $0x80, v4, vm0, $0xb8;
	[tilespmem:$0x1C200] =	vst v63  }
0x34e: {  	s14 =	simm.s32 $0x6200  }
0x34f: {  	[tilespmem:s14], [sflag:$0x2] =	stream.indirect_vreg.gather [hbm4b:s2+s3], $0x80, v3, vm0, $0xb8;
	[tilespmem:$0x1C200] =	vst v63  }
0x350: {  	s14 =	simm.s32 $0x6A00  }
0x351: {  	[tilespmem:s14], [sflag:$0x2] =	stream.indirect_vreg.gather [hbm4b:s5+s3], $0x80, v3, vm0, $0xb8;
	[tilespmem:$0x1C200] =	vst v63  }
0x352: {  	s14 =	simm.s32 $0x7200  }
0x353: {  	[tilespmem:s14], [sflag:$0x2] =	stream.indirect_vreg.gather [hbm4b:s6+s3], $0x80, v3, vm0, $0xb8;
	[tilespmem:$0x1C200] =	vst v63  }
0x354: {  	s14 =	simm.s32 $0x7A00  }
0x355: {  	[tilespmem:s14], [sflag:$0x2] =	stream.indirect_vreg.gather [hbm4b:s7+s3], $0x80, v3, vm0, $0xb8;
	[tilespmem:$0x1C200] =	vst v63  }
0x356: {  	_ =	swait.ge [sflag:s28], $0x4000  }
0x357: {  	[sflag:s28] =	ssyncset.done $0x0  }
0x358: {  	s26 =	simm.s32 $0x8200;
	s14 =	rddreg [dreg:$0x1b];
	[sflag:s28] =	ssyncadd.s32 $0xFFFFC000  }
0x359: {  	[hbm4b:s14+s3] =	stream.linear.scatter [tilespmem:s26], [sflag:$0xA], $0x4000, $0x38;
	[tilespmem:$0x1C200] =	vst v63  }
0x35a: {  	_ =	swait.ge [sflag:s29], $0x4000  }
0x35b: {  	[sflag:s29] =	ssyncset.done $0x0  }
0x35c: {  	[sflag:s29] =	ssyncadd.s32 $0xFFFFC000  }
0x35d: {  	v3 =	vld [tilespmem:$0x1E0];
	_ =	sdelay $0x4  }
0x35e: {  	v62 =	vshll.u32 v3, $0x3  }
0x35f: {  	v3 =	vand.u32 $0x7, v3;
	v4 =	vand.u32 $0xFFFFFFC0, v62  }
0x360: {  	v3 =	vor.u32 v3, v4  }
0x361: {  	v4 =	vperm.xlane v3, v0;
	_ =	sdelay $0x1  }
0x362: {  	v4 =	vadd.s32 v1, v4;
	_ =	sdelay $0x4  }
0x363: {  	[tilespmem:s26], [sflag:$0x3] =	stream.indirect_vreg.gather [hbm4b:s2+s3], $0x80, v4, vm0, $0xb8;
	[tilespmem:$0x1C200] =	vst v63  }
0x364: {  	s14 =	simm.s32 $0x8A00;
	v3 =	vperm.xlane v3, v2  }
0x365: {  	[tilespmem:s14], [sflag:$0x3] =	stream.indirect_vreg.gather [hbm4b:s5+s3], $0x80, v4, vm0, $0xb8;
	[tilespmem:$0x1C200] =	vst v63  }
0x366: {  	s8 =	simm.s32 $0x9200;
	v3 =	vadd.s32 v1, v3  }
0x367: {  	[tilespmem:s8], [sflag:$0x3] =	stream.indirect_vreg.gather [hbm4b:s6+s3], $0x80, v4, vm0, $0xb8;
	[tilespmem:$0x1C200] =	vst v63  }
0x368: {  	s20 =	simm.s32 $0x9A00  }
0x369: {  	[tilespmem:s20], [sflag:$0x3] =	stream.indirect_vreg.gather [hbm4b:s7+s3], $0x80, v4, vm0, $0xb8;
	[tilespmem:$0x1C200] =	vst v63  }
0x36a: {  	s21 =	simm.s32 $0xA200  }
0x36b: {  	[tilespmem:s21], [sflag:$0x3] =	stream.indirect_vreg.gather [hbm4b:s2+s3], $0x80, v3, vm0, $0xb8;
	[tilespmem:$0x1C200] =	vst v63  }
0x36c: {  	s14 =	simm.s32 $0xAA00  }
0x36d: {  	[tilespmem:s14], [sflag:$0x3] =	stream.indirect_vreg.gather [hbm4b:s5+s3], $0x80, v3, vm0, $0xb8;
	[tilespmem:$0x1C200] =	vst v63  }
0x36e: {  	s20 =	simm.s32 $0xB200  }
0x36f: {  	[tilespmem:s20], [sflag:$0x3] =	stream.indirect_vreg.gather [hbm4b:s6+s3], $0x80, v3, vm0, $0xb8;
	[tilespmem:$0x1C200] =	vst v63  }
0x370: {  	s21 =	simm.s32 $0xBA00  }
0x371: {  	[tilespmem:s21], [sflag:$0x3] =	stream.indirect_vreg.gather [hbm4b:s7+s3], $0x80, v3, vm0, $0xb8;
	[tilespmem:$0x1C200] =	vst v63  }
0x372: {  	_ =	swait.ge [sflag:s30], $0x4000  }
0x373: {  	[sflag:s30] =	ssyncset.done $0x0  }
0x374: {  	s8 =	rddreg [dreg:$0x1c];
	[sflag:s30] =	ssyncadd.s32 $0xFFFFC000  }
0x375: {  	[hbm4b:s8+s3] =	stream.linear.scatter [tilespmem:s9], [sflag:$0xB], $0x4000, $0x38;
	[tilespmem:$0x1C200] =	vst v63  }
0x376: {  	_ =	swait.ge [sflag:s31], $0x4000  }
0x377: {  	[sflag:s31] =	ssyncset.done $0x0  }
0x378: {  	[sflag:s31] =	ssyncadd.s32 $0xFFFFC000  }
0x379: {  	v3 =	vld [tilespmem:$0x1F0];
	_ =	sdelay $0x4  }
0x37a: {  	v63 =	vshll.u32 v3, $0x3  }
0x37b: {  	v3 =	vand.u32 $0x7, v3;
	v4 =	vand.u32 $0xFFFFFFC0, v63  }
0x37c: {  	v3 =	vor.u32 v3, v4  }
0x37d: {  	v4 =	vperm.xlane v3, v0;
	_ =	sdelay $0x1  }
0x37e: {  	v4 =	vadd.s32 v1, v4;
	_ =	sdelay $0x4  }
0x37f: {  	[tilespmem:s9], [sflag:$0x4] =	stream.indirect_vreg.gather [hbm4b:s2+s3], $0x80, v4, vm0, $0xb8;
	[tilespmem:$0x1C200] =	vst v63  }
0x380: {  	s20 =	simm.s32 $0xCA00;
	v3 =	vperm.xlane v3, v2  }
0x381: {  	[tilespmem:s20], [sflag:$0x4] =	stream.indirect_vreg.gather [hbm4b:s5+s3], $0x80, v4, vm0, $0xb8;
	[tilespmem:$0x1C200] =	vst v63  }
0x382: {  	s21 =	simm.s32 $0xD200;
	v3 =	vadd.s32 v1, v3  }
0x383: {  	[tilespmem:s21], [sflag:$0x4] =	stream.indirect_vreg.gather [hbm4b:s6+s3], $0x80, v4, vm0, $0xb8;
	[tilespmem:$0x1C200] =	vst v63  }
0x384: {  	s14 =	simm.s32 $0xDA00  }
0x385: {  	[tilespmem:s14], [sflag:$0x4] =	stream.indirect_vreg.gather [hbm4b:s7+s3], $0x80, v4, vm0, $0xb8;
	[tilespmem:$0x1C200] =	vst v63  }
0x386: {  	s20 =	simm.s32 $0xE200  }
0x387: {  	[tilespmem:s20], [sflag:$0x4] =	stream.indirect_vreg.gather [hbm4b:s2+s3], $0x80, v3, vm0, $0xb8;
	[tilespmem:$0x1C200] =	vst v63  }
0x388: {  	s21 =	simm.s32 $0xEA00  }
0x389: {  	[tilespmem:s21], [sflag:$0x4] =	stream.indirect_vreg.gather [hbm4b:s5+s3], $0x80, v3, vm0, $0xb8;
	[tilespmem:$0x1C200] =	vst v63  }
0x38a: {  	s14 =	simm.s32 $0xF200  }
0x38b: {  	[tilespmem:s14], [sflag:$0x4] =	stream.indirect_vreg.gather [hbm4b:s6+s3], $0x80, v3, vm0, $0xb8;
	[tilespmem:$0x1C200] =	vst v63  }
0x38c: {  	s20 =	simm.s32 $0xFA00  }
0x38d: {  	[tilespmem:s20], [sflag:$0x4] =	stream.indirect_vreg.gather [hbm4b:s7+s3], $0x80, v3, vm0, $0xb8;
	[tilespmem:$0x1C200] =	vst v63  }
0x38e: {  	_ =	swait.ge [sflag:s1], $0x4000  }
0x38f: {  	[sflag:s1] =	ssyncset.done $0x0  }
0x390: {  	s4 =	simm.s32 $0x10200;
	s21 =	rddreg [dreg:$0x1d];
	[sflag:s1] =	ssyncadd.s32 $0xFFFFC000  }
0x391: {  	[hbm4b:s21+s3] =	stream.linear.scatter [tilespmem:s4], [sflag:$0xC], $0x4000, $0x38;
	[tilespmem:$0x1C200] =	vst v63  }
0x392: {  	_ =	swait.ge [sflag:s11], $0x4000  }
0x393: {  	[sflag:s11] =	ssyncset.done $0x0  }
0x394: {  	s18 =	simm.s32 $0x14200;
	s8 =	rddreg [dreg:$0x1e];
	[sflag:s11] =	ssyncadd.s32 $0xFFFFC000  }
0x395: {  	[hbm4b:s8+s3] =	stream.linear.scatter [tilespmem:s18], [sflag:$0xD], $0x4000, $0x38;
	[tilespmem:$0x1C200] =	vst v63  }
0x396: {  	_ =	swait.ge [sflag:s13], $0x4000  }
0x397: {  	[sflag:s13] =	ssyncset.done $0x0  }
0x398: {  	s15 =	simm.s32 $0x18200;
	s11 =	rddreg [dreg:$0x1f];
	[sflag:s13] =	ssyncadd.s32 $0xFFFFC000  }
0x399: {  	[hbm4b:s11+s3] =	stream.linear.scatter [tilespmem:s15], [sflag:$0xE], $0x4000, $0x38;
	[tilespmem:$0x1C200] =	vst v63  }
0x39a: {  	_ =	swait.ge [sflag:s22], $0x4000  }
0x39b: {  	s18 =	sld [smem:$0x7F8]  }
0x39c: {  	[sflag:s22] =	ssyncset.done $0x0  }
0x39d: {  	[sflag:s22] =	ssyncadd.s32 $0xFFFFC000  }
0x39e: {  	[hbm4b:s18+s3] =	stream.linear.scatter [tilespmem:s17], [sflag:$0x8], $0x4000, $0x38;
	[tilespmem:$0x1C200] =	vst v63  }
0x39f: {  	_ =	swait.ge [sflag:s24], $0x4000  }
0x3a0: {  	s20 =	sld [smem:$0x7F9]  }
0x3a1: {  	[sflag:s24] =	ssyncset.done $0x0  }
0x3a2: {  	s16 =	simm.s32 $0x4200;
	[sflag:s24] =	ssyncadd.s32 $0xFFFFC000  }
0x3a3: {  	[hbm4b:s20+s3] =	stream.linear.scatter [tilespmem:s16], [sflag:$0x9], $0x4000, $0x38;
	[tilespmem:$0x1C200] =	vst v63  }
0x3a4: {  	_ =	swait.ge [sflag:s28], $0x4000  }
0x3a5: {  	s21 =	sld [smem:$0x7FA]  }
0x3a6: {  	[sflag:s28] =	ssyncset.done $0x0  }
0x3a7: {  	[sflag:s28] =	ssyncadd.s32 $0xFFFFC000  }
0x3a8: {  	[hbm4b:s21+s3] =	stream.linear.scatter [tilespmem:s26], [sflag:$0xA], $0x4000, $0x38;
	[tilespmem:$0x1C200] =	vst v63  }
0x3a9: {  	_ =	swait.ge [sflag:s30], $0x4000  }
0x3aa: {  	s26 =	sld [smem:$0x7FC]  }
0x3ab: {  	[sflag:s30] =	ssyncset.done $0x0  }
0x3ac: {  	[sflag:s30] =	ssyncadd.s32 $0xFFFFC000  }
0x3ad: {  	[hbm4b:s26+s3] =	stream.linear.scatter [tilespmem:s9], [sflag:$0xB], $0x4000, $0x38;
	[tilespmem:$0x1C200] =	vst v63  }
0x3ae: {  	_ =	swait.ge [sflag:s10], $0x4000  }
0x3af: {  	[sflag:s10] =	ssyncset.done $0x0  }
0x3b0: {  	[sflag:s10] =	ssyncadd.s32 $0xFFFFC000  }
0x3b1: {  	_ =	swait.ge [sflag:s12], $0x4000  }
0x3b2: {  	[sflag:s12] =	ssyncset.done $0x0  }
0x3b3: {  	[sflag:s12] =	ssyncadd.s32 $0xFFFFC000  }
0x3b4: {  	_ =	swait.ge [sflag:s0], $0x4000  }
0x3b5: {  	[sflag:s0] =	ssyncset.done $0x0  }
0x3b6: {  	[sflag:s0] =	ssyncadd.s32 $0xFFFFC000  }
0x3b7: {  	_ =	swait.ge [sflag:s23], $0x4000  }
0x3b8: {  	[sflag:s23] =	ssyncset.done $0x0  }
0x3b9: {  	[sflag:s23] =	ssyncadd.s32 $0xFFFFC000  }
0x3ba: {  	_ =	swait.ge [sflag:s25], $0x4000  }
0x3bb: {  	[sflag:s25] =	ssyncset.done $0x0  }
0x3bc: {  	[sflag:s25] =	ssyncadd.s32 $0xFFFFC000  }
0x3bd: {  	p0 =	sne.s32 s19, $0x1;
	_ =	swait.ge [sflag:s29], $0x4000  }
.Ltmp0:
0x3be: {  	[sflag:s29] =	ssyncset.done $0x0;
	(pc) =	sbr.rel @p0 .LBB2_1-.Ltmp0, $4  }
0x3bf: {  	[sflag:s29] =	ssyncadd.s32 $0xFFFFC000  }
0x3c0: {  	_ =	swait.ge [sflag:s31], $0x4000  }
0x3c1: {  	[sflag:s31] =	ssyncset.done $0x0  }
0x3c2: {  	s19 =	sadd.s32 $0xFFFFFFFF, s19;
	[sflag:s31] =	ssyncadd.s32 $0xFFFFC000  }
0x3c3: {  	_ =	sfence.sel $0x180000  }
0x3c4: {  	[bflag:$0x0] =	sbarrier.arrive $0xFFFF  }
0x3c5: {  	_ =	strace $0x90000047  }
0x3c6: {  	s0 =	stileid.u32;
	[bflag:$0x2] =	sbarrier.arrive $0xFFFF  }
0x3c7: {  	p0 =	sne.s32 s0, $0x0;
	s0 =	rddreg [dreg:$0x3]  }
0x3c8: {  	s0 =	sadd.s32 @!p0 $0x100000, s0  }
0x3c9: {  	[sflag:s0] =	ssyncadd.tile.s32 @!p0 $0x1;
	_ =	shalt  }
.Lfunc_end2:
_tile_overlayer_lowered:
.L_overlay_start_2:
0x3ca: {  	(tag) =	ssettag $0x2  }
0x3cb: {  	s0 =	rddreg [dreg:$0x0];
	s2 =	stileid.u32  }
0x3cc: {  	s1 =	rddreg [dreg:$0x1];
	p0 =	sne.s32 s2, $0x0  }
0x3cd: {  	s3 =	rddreg [dreg:$0x2];
	[bflag:$0x3] =	sbarrier.arrive $0xFFFF;
	s2 =	simm.s32 @!p0 $0x1C0F  }
0x3ce: {  	[timem:s3], [sflag:s2] =	dma.local @!p0 [hbm:s0], s1  }
0x3cf: {  	s0 =	simm.s32 @!p0 $0xF  }
0x3d0: {  	_ =	swait.ge @!p0 [sflag:s0], s1  }
0x3d1: {  	s1 =	ssub.s32 @!p0 $0x0, s1;
	[sflag:s0] =	ssyncset.done @!p0 $0x0  }
0x3d2: {  	[sflag:s0] =	ssyncadd.s32 @!p0 s1  }
0x3d3: {  	[bflag:$0x3] =	sbarrier.arrive $0xFFFF  }
0x3d4: {  	_ =	shalt  }

</sc_bundles>
